<compile_context>
chip_gen: v7x
topology: tpu7x:2x2x1
jax: 0.10.2.dev20260603
libtpu: 0.0.44.dev20260713+nightly
codegen_flags: <defaults>
</compile_context>

<pallas_src>
import functools

import jax
import jax.numpy as jnp
from jax import lax
from jax.experimental import pallas as pl
from jax.experimental.pallas import tpu as pltpu
from jax.experimental.pallas import tpu_sc as plsc

_NC = 2
_NS = 16
_NW = _NC * _NS

_C = 1000
_U_ROWS = 1000000
_I_ROWS = 100000
_UG = _U_ROWS // _C
_IG = _I_ROWS // _C
_UJ = -(-_UG // _NW)
_IJ = -(-_IG // _NW)

_mesh = plsc.VectorSubcoreMesh(core_axis_name="c", subcore_axis_name="s")


@functools.partial(
    pl.kernel,
    out_type=[
        jax.ShapeDtypeStruct((_U_ROWS, 32), jnp.float32),
        jax.ShapeDtypeStruct((_I_ROWS, 32), jnp.float32),
    ],
    mesh=_mesh,
    scratch_types=[pltpu.VMEM((_C, 32), jnp.float32)],
    compiler_params=pltpu.CompilerParams(use_tc_tiling_on_sc=True),
)
def _sc_copy(u_in, i_in, u_out, i_out, buf):
    wid = lax.axis_index("s") * _NC + lax.axis_index("c")

    for j in range(_UJ):
        k = wid * _UJ + j

        @pl.when(k < _UG)
        def _():
            off = k * _C
            pltpu.sync_copy(u_in.at[pl.ds(off, _C)], buf)
            pltpu.sync_copy(buf, u_out.at[pl.ds(off, _C)])

    for j in range(_IJ):
        k = wid * _IJ + j

        @pl.when(k < _IG)
        def _():
            off = k * _C
            pltpu.sync_copy(i_in.at[pl.ds(off, _C)], buf)
            pltpu.sync_copy(buf, i_out.at[pl.ds(off, _C)])


def kernel(emb_user, emb_item):
    u, i = _sc_copy(emb_user, emb_item)
    return (u, i)

# --- scband reference (transcript-rebuilt; emitter-appended) ---
"""Pipeline reference for scband-rel-graph-embed-15805479649409 (READ-ONLY COPY).

The authoritative reference and input builder live on the scoring server;
editing this copy changes nothing except your own understanding.
"""

import jax, jax.numpy as jnp
import numpy as np

NTYPE_NUM = {"user": 1000000, "item": 100000}
EMBED_SIZE = 32

def _xavier_uniform(key, shape, gain):
    fan_in, fan_out = shape[1], shape[0]
    a = gain * np.sqrt(6.0 / (fan_in + fan_out))
    return jax.random.uniform(key, shape, dtype=jnp.float32, minval=-a, maxval=a)

def setup_inputs(seed: int = 0) -> dict:
    key = jax.random.key(seed)
    gain = np.sqrt(2.0)  # calculate_gain('relu')
    k_user, k_item = jax.random.split(key, 2)
    emb_user = _xavier_uniform(k_user, (NTYPE_NUM["user"], EMBED_SIZE), gain)
    emb_item = _xavier_uniform(k_item, (NTYPE_NUM["item"], EMBED_SIZE), gain)
    return {"emb_user": emb_user, "emb_item": emb_item}

def reference(emb_user, emb_item):
    # Faithful translation: forward() returns the ParameterDict of embedding
    # tables (dropout has p=0.0 and is never applied in forward anyway).
    # We return the tables as a tuple keyed in a fixed order (user, item).
    return (emb_user, emb_item)

if __name__ == "__main__":
    import jax
    _d = setup_inputs()
    print(jax.jit(kernel)(*tuple(_d.values())))

</pallas_src>

<mosaic_0001>
#map = affine_map<(d0, d1) -> (0, 0)>
module attributes {stable_mosaic.version = 14 : i64} {
  func.func @_sc_copy(%arg0: i32, %arg1: i32, %arg2: memref<1000000x32xf32, #tpu.memory_space<hbm>>, %arg3: memref<100000x32xf32, #tpu.memory_space<hbm>>, %arg4: memref<1000000x32xf32, #tpu.memory_space<hbm>>, %arg5: memref<100000x32xf32, #tpu.memory_space<hbm>>, %arg6: memref<1000x32xf32, #tpu.memory_space<vmem>>) attributes {dimension_semantics = [#tpu.dimension_semantics<core_parallel>, #tpu.dimension_semantics<subcore_parallel>], iteration_bounds = array<i64: 2, 16>, scalar_prefetch = 0 : i64, scratch_operands = 1 : i64, tpu.core_type = #tpu.core_type<sc_vector_subcore>, window_params = [{transform_indices = #map}, {transform_indices = #map}, {transform_indices = #map}, {transform_indices = #map}]} {
    %mul3A = arith.constant 2 : i32
    %mul3A_0 = arith.muli %arg1, %mul3A : i32
    %add3A = arith.addi %mul3A_0, %arg0 : i32
    %mul3A_1 = arith.constant 32 : i32
    %mul3A_2 = arith.muli %add3A, %mul3A_1 : i32
    %add3A_3 = arith.constant 0 : i32
    %add3A_4 = arith.addi %mul3A_2, %add3A_3 : i32
    %lt3A = arith.constant 1000 : i32
    %lt3A_5 = arith.cmpi slt, %add3A_4, %lt3A : i32
    %convert_element_type3A = arith.extui %lt3A_5 : i1 to i32
    %cond3A = arith.constant 0 : i32
    %cond3A_6 = arith.cmpi ne, %convert_element_type3A, %cond3A : i32
    scf.if %cond3A_6 {
      %mul3A_322 = arith.constant 1000 : i32
      %mul3A_323 = arith.muli %add3A_4, %mul3A_322 : i32
      "tpu.region"() ({
        %run_scoped3A = tpu.sem_alloc : memref<!tpu.dma_semaphore, #tpu.memory_space<semaphore_mem>>
        %dma_start3A = arith.constant 0 : i32
        %dma_start3A_324 = tpu.memref_slice %arg2[%mul3A_323, %dma_start3A] : memref<1000000x32xf32, #tpu.memory_space<hbm>> -> memref<1000x32xf32, #tpu.memory_space<hbm>>
        %dma_start3A_325 = arith.constant 0 : i32
        %dma_start3A_326 = tpu.memref_slice %arg2[%mul3A_323, %dma_start3A_325] : memref<1000000x32xf32, #tpu.memory_space<hbm>> -> memref<1000x32xf32, #tpu.memory_space<hbm>>
        tpu.enqueue_dma source(%dma_start3A_326 : memref<1000x32xf32, #tpu.memory_space<hbm>>) target(%arg6 : memref<1000x32xf32, #tpu.memory_space<vmem>>) target_semaphore(%run_scoped3A : memref<!tpu.dma_semaphore, #tpu.memory_space<semaphore_mem>>)
        %dma_wait3A = arith.constant 0 : i32
        %dma_wait3A_327 = tpu.memref_slice %arg2[%mul3A_323, %dma_wait3A] : memref<1000000x32xf32, #tpu.memory_space<hbm>> -> memref<1000x32xf32, #tpu.memory_space<hbm>>
        %dma_wait3A_328 = arith.constant 0 : i32
        %dma_wait3A_329 = tpu.memref_slice %arg2[%mul3A_323, %dma_wait3A_328] : memref<1000000x32xf32, #tpu.memory_space<hbm>> -> memref<1000x32xf32, #tpu.memory_space<hbm>>
        tpu.wait_dma2 semaphore(%run_scoped3A : memref<!tpu.dma_semaphore, #tpu.memory_space<semaphore_mem>>) src(%dma_wait3A_329 : memref<1000x32xf32, #tpu.memory_space<hbm>>) dst(%arg6 : memref<1000x32xf32, #tpu.memory_space<vmem>>)
        tpu.yield
      }) : () -> ()
      "tpu.region"() ({
        %run_scoped3A = tpu.sem_alloc : memref<!tpu.dma_semaphore, #tpu.memory_space<semaphore_mem>>
        %dma_start3A = arith.constant 0 : i32
        %dma_start3A_324 = tpu.memref_slice %arg4[%mul3A_323, %dma_start3A] : memref<1000000x32xf32, #tpu.memory_space<hbm>> -> memref<1000x32xf32, #tpu.memory_space<hbm>>
        %dma_start3A_325 = arith.constant 0 : i32
        %dma_start3A_326 = tpu.memref_slice %arg4[%mul3A_323, %dma_start3A_325] : memref<1000000x32xf32, #tpu.memory_space<hbm>> -> memref<1000x32xf32, #tpu.memory_space<hbm>>
        tpu.enqueue_dma source(%arg6 : memref<1000x32xf32, #tpu.memory_space<vmem>>) target(%dma_start3A_326 : memref<1000x32xf32, #tpu.memory_space<hbm>>) target_semaphore(%run_scoped3A : memref<!tpu.dma_semaphore, #tpu.memory_space<semaphore_mem>>)
        %dma_wait3A = arith.constant 0 : i32
        %dma_wait3A_327 = tpu.memref_slice %arg4[%mul3A_323, %dma_wait3A] : memref<1000000x32xf32, #tpu.memory_space<hbm>> -> memref<1000x32xf32, #tpu.memory_space<hbm>>
        %dma_wait3A_328 = arith.constant 0 : i32
        %dma_wait3A_329 = tpu.memref_slice %arg4[%mul3A_323, %dma_wait3A_328] : memref<1000000x32xf32, #tpu.memory_space<hbm>> -> memref<1000x32xf32, #tpu.memory_space<hbm>>
        tpu.wait_dma2 semaphore(%run_scoped3A : memref<!tpu.dma_semaphore, #tpu.memory_space<semaphore_mem>>) src(%arg6 : memref<1000x32xf32, #tpu.memory_space<vmem>>) dst(%dma_wait3A_329 : memref<1000x32xf32, #tpu.memory_space<hbm>>)
        tpu.yield
      }) : () -> ()
    } else {
    }
    %mul3A_7 = arith.constant 32 : i32
    %mul3A_8 = arith.muli %add3A, %mul3A_7 : i32
    %add3A_9 = arith.constant 1 : i32
    %add3A_10 = arith.addi %mul3A_8, %add3A_9 : i32
    %lt3A_11 = arith.constant 1000 : i32
    %lt3A_12 = arith.cmpi slt, %add3A_10, %lt3A_11 : i32
    %convert_element_type3A_13 = arith.extui %lt3A_12 : i1 to i32
    %cond3A_14 = arith.constant 0 : i32
    %cond3A_15 = arith.cmpi ne, %convert_element_type3A_13, %cond3A_14 : i32
    scf.if %cond3A_15 {
      %mul3A_322 = arith.constant 1000 : i32
      %mul3A_323 = arith.muli %add3A_10, %mul3A_322 : i32
      "tpu.region"() ({
        %run_scoped3A = tpu.sem_alloc : memref<!tpu.dma_semaphore, #tpu.memory_space<semaphore_mem>>
        %dma_start3A = arith.constant 0 : i32
        %dma_start3A_324 = tpu.memref_slice %arg2[%mul3A_323, %dma_start3A] : memref<1000000x32xf32, #tpu.memory_space<hbm>> -> memref<1000x32xf32, #tpu.memory_space<hbm>>
        %dma_start3A_325 = arith.constant 0 : i32
        %dma_start3A_326 = tpu.memref_slice %arg2[%mul3A_323, %dma_start3A_325] : memref<1000000x32xf32, #tpu.memory_space<hbm>> -> memref<1000x32xf32, #tpu.memory_space<hbm>>
        tpu.enqueue_dma source(%dma_start3A_326 : memref<1000x32xf32, #tpu.memory_space<hbm>>) target(%arg6 : memref<1000x32xf32, #tpu.memory_space<vmem>>) target_semaphore(%run_scoped3A : memref<!tpu.dma_semaphore, #tpu.memory_space<semaphore_mem>>)
        %dma_wait3A = arith.constant 0 : i32
        %dma_wait3A_327 = tpu.memref_slice %arg2[%mul3A_323, %dma_wait3A] : memref<1000000x32xf32, #tpu.memory_space<hbm>> -> memref<1000x32xf32, #tpu.memory_space<hbm>>
        %dma_wait3A_328 = arith.constant 0 : i32
        %dma_wait3A_329 = tpu.memref_slice %arg2[%mul3A_323, %dma_wait3A_328] : memref<1000000x32xf32, #tpu.memory_space<hbm>> -> memref<1000x32xf32, #tpu.memory_space<hbm>>
        tpu.wait_dma2 semaphore(%run_scoped3A : memref<!tpu.dma_semaphore, #tpu.memory_space<semaphore_mem>>) src(%dma_wait3A_329 : memref<1000x32xf32, #tpu.memory_space<hbm>>) dst(%arg6 : memref<1000x32xf32, #tpu.memory_space<vmem>>)
        tpu.yield
      }) : () -> ()
      "tpu.region"() ({
        %run_scoped3A = tpu.sem_alloc : memref<!tpu.dma_semaphore, #tpu.memory_space<semaphore_mem>>
        %dma_start3A = arith.constant 0 : i32
        %dma_start3A_324 = tpu.memref_slice %arg4[%mul3A_323, %dma_start3A] : memref<1000000x32xf32, #tpu.memory_space<hbm>> -> memref<1000x32xf32, #tpu.memory_space<hbm>>
        %dma_start3A_325 = arith.constant 0 : i32
        %dma_start3A_326 = tpu.memref_slice %arg4[%mul3A_323, %dma_start3A_325] : memref<1000000x32xf32, #tpu.memory_space<hbm>> -> memref<1000x32xf32, #tpu.memory_space<hbm>>
        tpu.enqueue_dma source(%arg6 : memref<1000x32xf32, #tpu.memory_space<vmem>>) target(%dma_start3A_326 : memref<1000x32xf32, #tpu.memory_space<hbm>>) target_semaphore(%run_scoped3A : memref<!tpu.dma_semaphore, #tpu.memory_space<semaphore_mem>>)
        %dma_wait3A = arith.constant 0 : i32
        %dma_wait3A_327 = tpu.memref_slice %arg4[%mul3A_323, %dma_wait3A] : memref<1000000x32xf32, #tpu.memory_space<hbm>> -> memref<1000x32xf32, #tpu.memory_space<hbm>>
        %dma_wait3A_328 = arith.constant 0 : i32
        %dma_wait3A_329 = tpu.memref_slice %arg4[%mul3A_323, %dma_wait3A_328] : memref<1000000x32xf32, #tpu.memory_space<hbm>> -> memref<1000x32xf32, #tpu.memory_space<hbm>>
        tpu.wait_dma2 semaphore(%run_scoped3A : memref<!tpu.dma_semaphore, #tpu.memory_space<semaphore_mem>>) src(%arg6 : memref<1000x32xf32, #tpu.memory_space<vmem>>) dst(%dma_wait3A_329 : memref<1000x32xf32, #tpu.memory_space<hbm>>)
        tpu.yield
      }) : () -> ()
    } else {
    }
    %mul3A_16 = arith.constant 32 : i32
    %mul3A_17 = arith.muli %add3A, %mul3A_16 : i32
    %add3A_18 = arith.constant 2 : i32
    %add3A_19 = arith.addi %mul3A_17, %add3A_18 : i32
    %lt3A_20 = arith.constant 1000 : i32
    %lt3A_21 = arith.cmpi slt, %add3A_19, %lt3A_20 : i32
    %convert_element_type3A_22 = arith.extui %lt3A_21 : i1 to i32
    %cond3A_23 = arith.constant 0 : i32
    %cond3A_24 = arith.cmpi ne, %convert_element_type3A_22, %cond3A_23 : i32
    scf.if %cond3A_24 {
      %mul3A_322 = arith.constant 1000 : i32
      %mul3A_323 = arith.muli %add3A_19, %mul3A_322 : i32
      "tpu.region"() ({
        %run_scoped3A = tpu.sem_alloc : memref<!tpu.dma_semaphore, #tpu.memory_space<semaphore_mem>>
        %dma_start3A = arith.constant 0 : i32
        %dma_start3A_324 = tpu.memref_slice %arg2[%mul3A_323, %dma_start3A] : memref<1000000x32xf32, #tpu.memory_space<hbm>> -> memref<1000x32xf32, #tpu.memory_space<hbm>>
        %dma_start3A_325 = arith.constant 0 : i32
        %dma_start3A_326 = tpu.memref_slice %arg2[%mul3A_323, %dma_start3A_325] : memref<1000000x32xf32, #tpu.memory_space<hbm>> -> memref<1000x32xf32, #tpu.memory_space<hbm>>
        tpu.enqueue_dma source(%dma_start3A_326 : memref<1000x32xf32, #tpu.memory_space<hbm>>) target(%arg6 : memref<1000x32xf32, #tpu.memory_space<vmem>>) target_semaphore(%run_scoped3A : memref<!tpu.dma_semaphore, #tpu.memory_space<semaphore_mem>>)
        %dma_wait3A = arith.constant 0 : i32
        %dma_wait3A_327 = tpu.memref_slice %arg2[%mul3A_323, %dma_wait3A] : memref<1000000x32xf32, #tpu.memory_space<hbm>> -> memref<1000x32xf32, #tpu.memory_space<hbm>>
        %dma_wait3A_328 = arith.constant 0 : i32
        %dma_wait3A_329 = tpu.memref_slice %arg2[%mul3A_323, %dma_wait3A_328] : memref<1000000x32xf32, #tpu.memory_space<hbm>> -> memref<1000x32xf32, #tpu.memory_space<hbm>>
        tpu.wait_dma2 semaphore(%run_scoped3A : memref<!tpu.dma_semaphore, #tpu.memory_space<semaphore_mem>>) src(%dma_wait3A_329 : memref<1000x32xf32, #tpu.memory_space<hbm>>) dst(%arg6 : memref<1000x32xf32, #tpu.memory_space<vmem>>)
        tpu.yield
      }) : () -> ()
      "tpu.region"() ({
        %run_scoped3A = tpu.sem_alloc : memref<!tpu.dma_semaphore, #tpu.memory_space<semaphore_mem>>
        %dma_start3A = arith.constant 0 : i32
        %dma_start3A_324 = tpu.memref_slice %arg4[%mul3A_323, %dma_start3A] : memref<1000000x32xf32, #tpu.memory_space<hbm>> -> memref<1000x32xf32, #tpu.memory_space<hbm>>
        %dma_start3A_325 = arith.constant 0 : i32
        %dma_start3A_326 = tpu.memref_slice %arg4[%mul3A_323, %dma_start3A_325] : memref<1000000x32xf32, #tpu.memory_space<hbm>> -> memref<1000x32xf32, #tpu.memory_space<hbm>>
        tpu.enqueue_dma source(%arg6 : memref<1000x32xf32, #tpu.memory_space<vmem>>) target(%dma_start3A_326 : memref<1000x32xf32, #tpu.memory_space<hbm>>) target_semaphore(%run_scoped3A : memref<!tpu.dma_semaphore, #tpu.memory_space<semaphore_mem>>)
        %dma_wait3A = arith.constant 0 : i32
        %dma_wait3A_327 = tpu.memref_slice %arg4[%mul3A_323, %dma_wait3A] : memref<1000000x32xf32, #tpu.memory_space<hbm>> -> memref<1000x32xf32, #tpu.memory_space<hbm>>
        %dma_wait3A_328 = arith.constant 0 : i32
        %dma_wait3A_329 = tpu.memref_slice %arg4[%mul3A_323, %dma_wait3A_328] : memref<1000000x32xf32, #tpu.memory_space<hbm>> -> memref<1000x32xf32, #tpu.memory_space<hbm>>
        tpu.wait_dma2 semaphore(%run_scoped3A : memref<!tpu.dma_semaphore, #tpu.memory_space<semaphore_mem>>) src(%arg6 : memref<1000x32xf32, #tpu.memory_space<vmem>>) dst(%dma_wait3A_329 : memref<1000x32xf32, #tpu.memory_space<hbm>>)
        tpu.yield
      }) : () -> ()
    } else {
    }
    %mul3A_25 = arith.constant 32 : i32
    %mul3A_26 = arith.muli %add3A, %mul3A_25 : i32
    %add3A_27 = arith.constant 3 : i32
    %add3A_28 = arith.addi %mul3A_26, %add3A_27 : i32
    %lt3A_29 = arith.constant 1000 : i32
    %lt3A_30 = arith.cmpi slt, %add3A_28, %lt3A_29 : i32
    %convert_element_type3A_31 = arith.extui %lt3A_30 : i1 to i32
    %cond3A_32 = arith.constant 0 : i32
    %cond3A_33 = arith.cmpi ne, %convert_element_type3A_31, %cond3A_32 : i32
    scf.if %cond3A_33 {
      %mul3A_322 = arith.constant 1000 : i32
      %mul3A_323 = arith.muli %add3A_28, %mul3A_322 : i32
      "tpu.region"() ({
        %run_scoped3A = tpu.sem_alloc : memref<!tpu.dma_semaphore, #tpu.memory_space<semaphore_mem>>
        %dma_start3A = arith.constant 0 : i32
        %dma_start3A_324 = tpu.memref_slice %arg2[%mul3A_323, %dma_start3A] : memref<1000000x32xf32, #tpu.memory_space<hbm>> -> memref<1000x32xf32, #tpu.memory_space<hbm>>
        %dma_start3A_325 = arith.constant 0 : i32
        %dma_start3A_326 = tpu.memref_slice %arg2[%mul3A_323, %dma_start3A_325] : memref<1000000x32xf32, #tpu.memory_space<hbm>> -> memref<1000x32xf32, #tpu.memory_space<hbm>>
        tpu.enqueue_dma source(%dma_start3A_326 : memref<1000x32xf32, #tpu.memory_space<hbm>>) target(%arg6 : memref<1000x32xf32, #tpu.memory_space<vmem>>) target_semaphore(%run_scoped3A : memref<!tpu.dma_semaphore, #tpu.memory_space<semaphore_mem>>)
        %dma_wait3A = arith.constant 0 : i32
        %dma_wait3A_327 = tpu.memref_slice %arg2[%mul3A_323, %dma_wait3A] : memref<1000000x32xf32, #tpu.memory_space<hbm>> -> memref<1000x32xf32, #tpu.memory_space<hbm>>
        %dma_wait3A_328 = arith.constant 0 : i32
        %dma_wait3A_329 = tpu.memref_slice %arg2[%mul3A_323, %dma_wait3A_328] : memref<1000000x32xf32, #tpu.memory_space<hbm>> -> memref<1000x32xf32, #tpu.memory_space<hbm>>
        tpu.wait_dma2 semaphore(%run_scoped3A : memref<!tpu.dma_semaphore, #tpu.memory_space<semaphore_mem>>) src(%dma_wait3A_329 : memref<1000x32xf32, #tpu.memory_space<hbm>>) dst(%arg6 : memref<1000x32xf32, #tpu.memory_space<vmem>>)
        tpu.yield
      }) : () -> ()
      "tpu.region"() ({
        %run_scoped3A = tpu.sem_alloc : memref<!tpu.dma_semaphore, #tpu.memory_space<semaphore_mem>>
        %dma_start3A = arith.constant 0 : i32
        %dma_start3A_324 = tpu.memref_slice %arg4[%mul3A_323, %dma_start3A] : memref<1000000x32xf32, #tpu.memory_space<hbm>> -> memref<1000x32xf32, #tpu.memory_space<hbm>>
        %dma_start3A_325 = arith.constant 0 : i32
        %dma_start3A_326 = tpu.memref_slice %arg4[%mul3A_323, %dma_start3A_325] : memref<1000000x32xf32, #tpu.memory_space<hbm>> -> memref<1000x32xf32, #tpu.memory_space<hbm>>
        tpu.enqueue_dma source(%arg6 : memref<1000x32xf32, #tpu.memory_space<vmem>>) target(%dma_start3A_326 : memref<1000x32xf32, #tpu.memory_space<hbm>>) target_semaphore(%run_scoped3A : memref<!tpu.dma_semaphore, #tpu.memory_space<semaphore_mem>>)
        %dma_wait3A = arith.constant 0 : i32
        %dma_wait3A_327 = tpu.memref_slice %arg4[%mul3A_323, %dma_wait3A] : memref<1000000x32xf32, #tpu.memory_space<hbm>> -> memref<1000x32xf32, #tpu.memory_space<hbm>>
        %dma_wait3A_328 = arith.constant 0 : i32
        %dma_wait3A_329 = tpu.memref_slice %arg4[%mul3A_323, %dma_wait3A_328] : memref<1000000x32xf32, #tpu.memory_space<hbm>> -> memref<1000x32xf32, #tpu.memory_space<hbm>>
        tpu.wait_dma2 semaphore(%run_scoped3A : memref<!tpu.dma_semaphore, #tpu.memory_space<semaphore_mem>>) src(%arg6 : memref<1000x32xf32, #tpu.memory_space<vmem>>) dst(%dma_wait3A_329 : memref<1000x32xf32, #tpu.memory_space<hbm>>)
        tpu.yield
      }) : () -> ()
    } else {
    }
    %mul3A_34 = arith.constant 32 : i32
    %mul3A_35 = arith.muli %add3A, %mul3A_34 : i32
    %add3A_36 = arith.constant 4 : i32
    %add3A_37 = arith.addi %mul3A_35, %add3A_36 : i32
    %lt3A_38 = arith.constant 1000 : i32
    %lt3A_39 = arith.cmpi slt, %add3A_37, %lt3A_38 : i32
    %convert_element_type3A_40 = arith.extui %lt3A_39 : i1 to i32
    %cond3A_41 = arith.constant 0 : i32
    %cond3A_42 = arith.cmpi ne, %convert_element_type3A_40, %cond3A_41 : i32
    scf.if %cond3A_42 {
      %mul3A_322 = arith.constant 1000 : i32
      %mul3A_323 = arith.muli %add3A_37, %mul3A_322 : i32
      "tpu.region"() ({
        %run_scoped3A = tpu.sem_alloc : memref<!tpu.dma_semaphore, #tpu.memory_space<semaphore_mem>>
        %dma_start3A = arith.constant 0 : i32
        %dma_start3A_324 = tpu.memref_slice %arg2[%mul3A_323, %dma_start3A] : memref<1000000x32xf32, #tpu.memory_space<hbm>> -> memref<1000x32xf32, #tpu.memory_space<hbm>>
        %dma_start3A_325 = arith.constant 0 : i32
        %dma_start3A_326 = tpu.memref_slice %arg2[%mul3A_323, %dma_start3A_325] : memref<1000000x32xf32, #tpu.memory_space<hbm>> -> memref<1000x32xf32, #tpu.memory_space<hbm>>
        tpu.enqueue_dma source(%dma_start3A_326 : memref<1000x32xf32, #tpu.memory_space<hbm>>) target(%arg6 : memref<1000x32xf32, #tpu.memory_space<vmem>>) target_semaphore(%run_scoped3A : memref<!tpu.dma_semaphore, #tpu.memory_space<semaphore_mem>>)
        %dma_wait3A = arith.constant 0 : i32
        %dma_wait3A_327 = tpu.memref_slice %arg2[%mul3A_323, %dma_wait3A] : memref<1000000x32xf32, #tpu.memory_space<hbm>> -> memref<1000x32xf32, #tpu.memory_space<hbm>>
        %dma_wait3A_328 = arith.constant 0 : i32
        %dma_wait3A_329 = tpu.memref_slice %arg2[%mul3A_323, %dma_wait3A_328] : memref<1000000x32xf32, #tpu.memory_space<hbm>> -> memref<1000x32xf32, #tpu.memory_space<hbm>>
        tpu.wait_dma2 semaphore(%run_scoped3A : memref<!tpu.dma_semaphore, #tpu.memory_space<semaphore_mem>>) src(%dma_wait3A_329 : memref<1000x32xf32, #tpu.memory_space<hbm>>) dst(%arg6 : memref<1000x32xf32, #tpu.memory_space<vmem>>)
        tpu.yield
      }) : () -> ()
      "tpu.region"() ({
        %run_scoped3A = tpu.sem_alloc : memref<!tpu.dma_semaphore, #tpu.memory_space<semaphore_mem>>
        %dma_start3A = arith.constant 0 : i32
        %dma_start3A_324 = tpu.memref_slice %arg4[%mul3A_323, %dma_start3A] : memref<1000000x32xf32, #tpu.memory_space<hbm>> -> memref<1000x32xf32, #tpu.memory_space<hbm>>
        %dma_start3A_325 = arith.constant 0 : i32
        %dma_start3A_326 = tpu.memref_slice %arg4[%mul3A_323, %dma_start3A_325] : memref<1000000x32xf32, #tpu.memory_space<hbm>> -> memref<1000x32xf32, #tpu.memory_space<hbm>>
        tpu.enqueue_dma source(%arg6 : memref<1000x32xf32, #tpu.memory_space<vmem>>) target(%dma_start3A_326 : memref<1000x32xf32, #tpu.memory_space<hbm>>) target_semaphore(%run_scoped3A : memref<!tpu.dma_semaphore, #tpu.memory_space<semaphore_mem>>)
        %dma_wait3A = arith.constant 0 : i32
        %dma_wait3A_327 = tpu.memref_slice %arg4[%mul3A_323, %dma_wait3A] : memref<1000000x32xf32, #tpu.memory_space<hbm>> -> memref<1000x32xf32, #tpu.memory_space<hbm>>
        %dma_wait3A_328 = arith.constant 0 : i32
        %dma_wait3A_329 = tpu.memref_slice %arg4[%mul3A_323, %dma_wait3A_328] : memref<1000000x32xf32, #tpu.memory_space<hbm>> -> memref<1000x32xf32, #tpu.memory_space<hbm>>
        tpu.wait_dma2 semaphore(%run_scoped3A : memref<!tpu.dma_semaphore, #tpu.memory_space<semaphore_mem>>) src(%arg6 : memref<1000x32xf32, #tpu.memory_space<vmem>>) dst(%dma_wait3A_329 : memref<1000x32xf32, #tpu.memory_space<hbm>>)
        tpu.yield
      }) : () -> ()
    } else {
    }
    %mul3A_43 = arith.constant 32 : i32
    %mul3A_44 = arith.muli %add3A, %mul3A_43 : i32
    %add3A_45 = arith.constant 5 : i32
    %add3A_46 = arith.addi %mul3A_44, %add3A_45 : i32
    %lt3A_47 = arith.constant 1000 : i32
    %lt3A_48 = arith.cmpi slt, %add3A_46, %lt3A_47 : i32
    %convert_element_type3A_49 = arith.extui %lt3A_48 : i1 to i32
    %cond3A_50 = arith.constant 0 : i32
    %cond3A_51 = arith.cmpi ne, %convert_element_type3A_49, %cond3A_50 : i32
    scf.if %cond3A_51 {
      %mul3A_322 = arith.constant 1000 : i32
      %mul3A_323 = arith.muli %add3A_46, %mul3A_322 : i32
      "tpu.region"() ({
        %run_scoped3A = tpu.sem_alloc : memref<!tpu.dma_semaphore, #tpu.memory_space<semaphore_mem>>
        %dma_start3A = arith.constant 0 : i32
        %dma_start3A_324 = tpu.memref_slice %arg2[%mul3A_323, %dma_start3A] : memref<1000000x32xf32, #tpu.memory_space<hbm>> -> memref<1000x32xf32, #tpu.memory_space<hbm>>
        %dma_start3A_325 = arith.constant 0 : i32
        %dma_start3A_326 = tpu.memref_slice %arg2[%mul3A_323, %dma_start3A_325] : memref<1000000x32xf32, #tpu.memory_space<hbm>> -> memref<1000x32xf32, #tpu.memory_space<hbm>>
        tpu.enqueue_dma source(%dma_start3A_326 : memref<1000x32xf32, #tpu.memory_space<hbm>>) target(%arg6 : memref<1000x32xf32, #tpu.memory_space<vmem>>) target_semaphore(%run_scoped3A : memref<!tpu.dma_semaphore, #tpu.memory_space<semaphore_mem>>)
        %dma_wait3A = arith.constant 0 : i32
        %dma_wait3A_327 = tpu.memref_slice %arg2[%mul3A_323, %dma_wait3A] : memref<1000000x32xf32, #tpu.memory_space<hbm>> -> memref<1000x32xf32, #tpu.memory_space<hbm>>
        %dma_wait3A_328 = arith.constant 0 : i32
        %dma_wait3A_329 = tpu.memref_slice %arg2[%mul3A_323, %dma_wait3A_328] : memref<1000000x32xf32, #tpu.memory_space<hbm>> -> memref<1000x32xf32, #tpu.memory_space<hbm>>
        tpu.wait_dma2 semaphore(%run_scoped3A : memref<!tpu.dma_semaphore, #tpu.memory_space<semaphore_mem>>) src(%dma_wait3A_329 : memref<1000x32xf32, #tpu.memory_space<hbm>>) dst(%arg6 : memref<1000x32xf32, #tpu.memory_space<vmem>>)
        tpu.yield
      }) : () -> ()
      "tpu.region"() ({
        %run_scoped3A = tpu.sem_alloc : memref<!tpu.dma_semaphore, #tpu.memory_space<semaphore_mem>>
        %dma_start3A = arith.constant 0 : i32
        %dma_start3A_324 = tpu.memref_slice %arg4[%mul3A_323, %dma_start3A] : memref<1000000x32xf32, #tpu.memory_space<hbm>> -> memref<1000x32xf32, #tpu.memory_space<hbm>>
        %dma_start3A_325 = arith.constant 0 : i32
        %dma_start3A_326 = tpu.memref_slice %arg4[%mul3A_323, %dma_start3A_325] : memref<1000000x32xf32, #tpu.memory_space<hbm>> -> memref<1000x32xf32, #tpu.memory_space<hbm>>
        tpu.enqueue_dma source(%arg6 : memref<1000x32xf32, #tpu.memory_space<vmem>>) target(%dma_start3A_326 : memref<1000x32xf32, #tpu.memory_space<hbm>>) target_semaphore(%run_scoped3A : memref<!tpu.dma_semaphore, #tpu.memory_space<semaphore_mem>>)
        %dma_wait3A = arith.constant 0 : i32
        %dma_wait3A_327 = tpu.memref_slice %arg4[%mul3A_323, %dma_wait3A] : memref<1000000x32xf32, #tpu.memory_space<hbm>> -> memref<1000x32xf32, #tpu.memory_space<hbm>>
        %dma_wait3A_328 = arith.constant 0 : i32
        %dma_wait3A_329 = tpu.memref_slice %arg4[%mul3A_323, %dma_wait3A_328] : memref<1000000x32xf32, #tpu.memory_space<hbm>> -> memref<1000x32xf32, #tpu.memory_space<hbm>>
        tpu.wait_dma2 semaphore(%run_scoped3A : memref<!tpu.dma_semaphore, #tpu.memory_space<semaphore_mem>>) src(%arg6 : memref<1000x32xf32, #tpu.memory_space<vmem>>) dst(%dma_wait3A_329 : memref<1000x32xf32, #tpu.memory_space<hbm>>)
        tpu.yield
      }) : () -> ()
    } else {
    }
    %mul3A_52 = arith.constant 32 : i32
    %mul3A_53 = arith.muli %add3A, %mul3A_52 : i32
    %add3A_54 = arith.constant 6 : i32
    %add3A_55 = arith.addi %mul3A_53, %add3A_54 : i32
    %lt3A_56 = arith.constant 1000 : i32
    %lt3A_57 = arith.cmpi slt, %add3A_55, %lt3A_56 : i32
    %convert_element_type3A_58 = arith.extui %lt3A_57 : i1 to i32
    %cond3A_59 = arith.constant 0 : i32
    %cond3A_60 = arith.cmpi ne, %convert_element_type3A_58, %cond3A_59 : i32
    scf.if %cond3A_60 {
      %mul3A_322 = arith.constant 1000 : i32
      %mul3A_323 = arith.muli %add3A_55, %mul3A_322 : i32
      "tpu.region"() ({
        %run_scoped3A = tpu.sem_alloc : memref<!tpu.dma_semaphore, #tpu.memory_space<semaphore_mem>>
        %dma_start3A = arith.constant 0 : i32
        %dma_start3A_324 = tpu.memref_slice %arg2[%mul3A_323, %dma_start3A] : memref<1000000x32xf32, #tpu.memory_space<hbm>> -> memref<1000x32xf32, #tpu.memory_space<hbm>>
        %dma_start3A_325 = arith.constant 0 : i32
        %dma_start3A_326 = tpu.memref_slice %arg2[%mul3A_323, %dma_start3A_325] : memref<1000000x32xf32, #tpu.memory_space<hbm>> -> memref<1000x32xf32, #tpu.memory_space<hbm>>
        tpu.enqueue_dma source(%dma_start3A_326 : memref<1000x32xf32, #tpu.memory_space<hbm>>) target(%arg6 : memref<1000x32xf32, #tpu.memory_space<vmem>>) target_semaphore(%run_scoped3A : memref<!tpu.dma_semaphore, #tpu.memory_space<semaphore_mem>>)
        %dma_wait3A = arith.constant 0 : i32
        %dma_wait3A_327 = tpu.memref_slice %arg2[%mul3A_323, %dma_wait3A] : memref<1000000x32xf32, #tpu.memory_space<hbm>> -> memref<1000x32xf32, #tpu.memory_space<hbm>>
        %dma_wait3A_328 = arith.constant 0 : i32
        %dma_wait3A_329 = tpu.memref_slice %arg2[%mul3A_323, %dma_wait3A_328] : memref<1000000x32xf32, #tpu.memory_space<hbm>> -> memref<1000x32xf32, #tpu.memory_space<hbm>>
        tpu.wait_dma2 semaphore(%run_scoped3A : memref<!tpu.dma_semaphore, #tpu.memory_space<semaphore_mem>>) src(%dma_wait3A_329 : memref<1000x32xf32, #tpu.memory_space<hbm>>) dst(%arg6 : memref<1000x32xf32, #tpu.memory_space<vmem>>)
        tpu.yield
      }) : () -> ()
      "tpu.region"() ({
        %run_scoped3A = tpu.sem_alloc : memref<!tpu.dma_semaphore, #tpu.memory_space<semaphore_mem>>
        %dma_start3A = arith.constant 0 : i32
        %dma_start3A_324 = tpu.memref_slice %arg4[%mul3A_323, %dma_start3A] : memref<1000000x32xf32, #tpu.memory_space<hbm>> -> memref<1000x32xf32, #tpu.memory_space<hbm>>
        %dma_start3A_325 = arith.constant 0 : i32
        %dma_start3A_326 = tpu.memref_slice %arg4[%mul3A_323, %dma_start3A_325] : memref<1000000x32xf32, #tpu.memory_space<hbm>> -> memref<1000x32xf32, #tpu.memory_space<hbm>>
        tpu.enqueue_dma source(%arg6 : memref<1000x32xf32, #tpu.memory_space<vmem>>) target(%dma_start3A_326 : memref<1000x32xf32, #tpu.memory_space<hbm>>) target_semaphore(%run_scoped3A : memref<!tpu.dma_semaphore, #tpu.memory_space<semaphore_mem>>)
        %dma_wait3A = arith.constant 0 : i32
        %dma_wait3A_327 = tpu.memref_slice %arg4[%mul3A_323, %dma_wait3A] : memref<1000000x32xf32, #tpu.memory_space<hbm>> -> memref<1000x32xf32, #tpu.memory_space<hbm>>
        %dma_wait3A_328 = arith.constant 0 : i32
        %dma_wait3A_329 = tpu.memref_slice %arg4[%mul3A_323, %dma_wait3A_328] : memref<1000000x32xf32, #tpu.memory_space<hbm>> -> memref<1000x32xf32, #tpu.memory_space<hbm>>
        tpu.wait_dma2 semaphore(%run_scoped3A : memref<!tpu.dma_semaphore, #tpu.memory_space<semaphore_mem>>) src(%arg6 : memref<1000x32xf32, #tpu.memory_space<vmem>>) dst(%dma_wait3A_329 : memref<1000x32xf32, #tpu.memory_space<hbm>>)
        tpu.yield
      }) : () -> ()
    } else {
    }
    %mul3A_61 = arith.constant 32 : i32
    %mul3A_62 = arith.muli %add3A, %mul3A_61 : i32
    %add3A_63 = arith.constant 7 : i32
    %add3A_64 = arith.addi %mul3A_62, %add3A_63 : i32
    %lt3A_65 = arith.constant 1000 : i32
    %lt3A_66 = arith.cmpi slt, %add3A_64, %lt3A_65 : i32
    %convert_element_type3A_67 = arith.extui %lt3A_66 : i1 to i32
    %cond3A_68 = arith.constant 0 : i32
    %cond3A_69 = arith.cmpi ne, %convert_element_type3A_67, %cond3A_68 : i32
    scf.if %cond3A_69 {
      %mul3A_322 = arith.constant 1000 : i32
      %mul3A_323 = arith.muli %add3A_64, %mul3A_322 : i32
      "tpu.region"() ({
        %run_scoped3A = tpu.sem_alloc : memref<!tpu.dma_semaphore, #tpu.memory_space<semaphore_mem>>
        %dma_start3A = arith.constant 0 : i32
        %dma_start3A_324 = tpu.memref_slice %arg2[%mul3A_323, %dma_start3A] : memref<1000000x32xf32, #tpu.memory_space<hbm>> -> memref<1000x32xf32, #tpu.memory_space<hbm>>
        %dma_start3A_325 = arith.constant 0 : i32
        %dma_start3A_326 = tpu.memref_slice %arg2[%mul3A_323, %dma_start3A_325] : memref<1000000x32xf32, #tpu.memory_space<hbm>> -> memref<1000x32xf32, #tpu.memory_space<hbm>>
        tpu.enqueue_dma source(%dma_start3A_326 : memref<1000x32xf32, #tpu.memory_space<hbm>>) target(%arg6 : memref<1000x32xf32, #tpu.memory_space<vmem>>) target_semaphore(%run_scoped3A : memref<!tpu.dma_semaphore, #tpu.memory_space<semaphore_mem>>)
        %dma_wait3A = arith.constant 0 : i32
        %dma_wait3A_327 = tpu.memref_slice %arg2[%mul3A_323, %dma_wait3A] : memref<1000000x32xf32, #tpu.memory_space<hbm>> -> memref<1000x32xf32, #tpu.memory_space<hbm>>
        %dma_wait3A_328 = arith.constant 0 : i32
        %dma_wait3A_329 = tpu.memref_slice %arg2[%mul3A_323, %dma_wait3A_328] : memref<1000000x32xf32, #tpu.memory_space<hbm>> -> memref<1000x32xf32, #tpu.memory_space<hbm>>
        tpu.wait_dma2 semaphore(%run_scoped3A : memref<!tpu.dma_semaphore, #tpu.memory_space<semaphore_mem>>) src(%dma_wait3A_329 : memref<1000x32xf32, #tpu.memory_space<hbm>>) dst(%arg6 : memref<1000x32xf32, #tpu.memory_space<vmem>>)
        tpu.yield
      }) : () -> ()
      "tpu.region"() ({
        %run_scoped3A = tpu.sem_alloc : memref<!tpu.dma_semaphore, #tpu.memory_space<semaphore_mem>>
        %dma_start3A = arith.constant 0 : i32
        %dma_start3A_324 = tpu.memref_slice %arg4[%mul3A_323, %dma_start3A] : memref<1000000x32xf32, #tpu.memory_space<hbm>> -> memref<1000x32xf32, #tpu.memory_space<hbm>>
        %dma_start3A_325 = arith.constant 0 : i32
        %dma_start3A_326 = tpu.memref_slice %arg4[%mul3A_323, %dma_start3A_325] : memref<1000000x32xf32, #tpu.memory_space<hbm>> -> memref<1000x32xf32, #tpu.memory_space<hbm>>
        tpu.enqueue_dma source(%arg6 : memref<1000x32xf32, #tpu.memory_space<vmem>>) target(%dma_start3A_326 : memref<1000x32xf32, #tpu.memory_space<hbm>>) target_semaphore(%run_scoped3A : memref<!tpu.dma_semaphore, #tpu.memory_space<semaphore_mem>>)
        %dma_wait3A = arith.constant 0 : i32
        %dma_wait3A_327 = tpu.memref_slice %arg4[%mul3A_323, %dma_wait3A] : memref<1000000x32xf32, #tpu.memory_space<hbm>> -> memref<1000x32xf32, #tpu.memory_space<hbm>>
        %dma_wait3A_328 = arith.constant 0 : i32
        %dma_wait3A_329 = tpu.memref_slice %arg4[%mul3A_323, %dma_wait3A_328] : memref<1000000x32xf32, #tpu.memory_space<hbm>> -> memref<1000x32xf32, #tpu.memory_space<hbm>>
        tpu.wait_dma2 semaphore(%run_scoped3A : memref<!tpu.dma_semaphore, #tpu.memory_space<semaphore_mem>>) src(%arg6 : memref<1000x32xf32, #tpu.memory_space<vmem>>) dst(%dma_wait3A_329 : memref<1000x32xf32, #tpu.memory_space<hbm>>)
        tpu.yield
      }) : () -> ()
    } else {
    }
    %mul3A_70 = arith.constant 32 : i32
    %mul3A_71 = arith.muli %add3A, %mul3A_70 : i32
    %add3A_72 = arith.constant 8 : i32
    %add3A_73 = arith.addi %mul3A_71, %add3A_72 : i32
    %lt3A_74 = arith.constant 1000 : i32
    %lt3A_75 = arith.cmpi slt, %add3A_73, %lt3A_74 : i32
    %convert_element_type3A_76 = arith.extui %lt3A_75 : i1 to i32
    %cond3A_77 = arith.constant 0 : i32
    %cond3A_78 = arith.cmpi ne, %convert_element_type3A_76, %cond3A_77 : i32
    scf.if %cond3A_78 {
      %mul3A_322 = arith.constant 1000 : i32
      %mul3A_323 = arith.muli %add3A_73, %mul3A_322 : i32
      "tpu.region"() ({
        %run_scoped3A = tpu.sem_alloc : memref<!tpu.dma_semaphore, #tpu.memory_space<semaphore_mem>>
        %dma_start3A = arith.constant 0 : i32
        %dma_start3A_324 = tpu.memref_slice %arg2[%mul3A_323, %dma_start3A] : memref<1000000x32xf32, #tpu.memory_space<hbm>> -> memref<1000x32xf32, #tpu.memory_space<hbm>>
        %dma_start3A_325 = arith.constant 0 : i32
        %dma_start3A_326 = tpu.memref_slice %arg2[%mul3A_323, %dma_start3A_325] : memref<1000000x32xf32, #tpu.memory_space<hbm>> -> memref<1000x32xf32, #tpu.memory_space<hbm>>
        tpu.enqueue_dma source(%dma_start3A_326 : memref<1000x32xf32, #tpu.memory_space<hbm>>) target(%arg6 : memref<1000x32xf32, #tpu.memory_space<vmem>>) target_semaphore(%run_scoped3A : memref<!tpu.dma_semaphore, #tpu.memory_space<semaphore_mem>>)
        %dma_wait3A = arith.constant 0 : i32
        %dma_wait3A_327 = tpu.memref_slice %arg2[%mul3A_323, %dma_wait3A] : memref<1000000x32xf32, #tpu.memory_space<hbm>> -> memref<1000x32xf32, #tpu.memory_space<hbm>>
        %dma_wait3A_328 = arith.constant 0 : i32
        %dma_wait3A_329 = tpu.memref_slice %arg2[%mul3A_323, %dma_wait3A_328] : memref<1000000x32xf32, #tpu.memory_space<hbm>> -> memref<1000x32xf32, #tpu.memory_space<hbm>>
        tpu.wait_dma2 semaphore(%run_scoped3A : memref<!tpu.dma_semaphore, #tpu.memory_space<semaphore_mem>>) src(%dma_wait3A_329 : memref<1000x32xf32, #tpu.memory_space<hbm>>) dst(%arg6 : memref<1000x32xf32, #tpu.memory_space<vmem>>)
        tpu.yield
      }) : () -> ()
      "tpu.region"() ({
        %run_scoped3A = tpu.sem_alloc : memref<!tpu.dma_semaphore, #tpu.memory_space<semaphore_mem>>
        %dma_start3A = arith.constant 0 : i32
        %dma_start3A_324 = tpu.memref_slice %arg4[%mul3A_323, %dma_start3A] : memref<1000000x32xf32, #tpu.memory_space<hbm>> -> memref<1000x32xf32, #tpu.memory_space<hbm>>
        %dma_start3A_325 = arith.constant 0 : i32
        %dma_start3A_326 = tpu.memref_slice %arg4[%mul3A_323, %dma_start3A_325] : memref<1000000x32xf32, #tpu.memory_space<hbm>> -> memref<1000x32xf32, #tpu.memory_space<hbm>>
        tpu.enqueue_dma source(%arg6 : memref<1000x32xf32, #tpu.memory_space<vmem>>) target(%dma_start3A_326 : memref<1000x32xf32, #tpu.memory_space<hbm>>) target_semaphore(%run_scoped3A : memref<!tpu.dma_semaphore, #tpu.memory_space<semaphore_mem>>)
        %dma_wait3A = arith.constant 0 : i32
        %dma_wait3A_327 = tpu.memref_slice %arg4[%mul3A_323, %dma_wait3A] : memref<1000000x32xf32, #tpu.memory_space<hbm>> -> memref<1000x32xf32, #tpu.memory_space<hbm>>
        %dma_wait3A_328 = arith.constant 0 : i32
        %dma_wait3A_329 = tpu.memref_slice %arg4[%mul3A_323, %dma_wait3A_328] : memref<1000000x32xf32, #tpu.memory_space<hbm>> -> memref<1000x32xf32, #tpu.memory_space<hbm>>
        tpu.wait_dma2 semaphore(%run_scoped3A : memref<!tpu.dma_semaphore, #tpu.memory_space<semaphore_mem>>) src(%arg6 : memref<1000x32xf32, #tpu.memory_space<vmem>>) dst(%dma_wait3A_329 : memref<1000x32xf32, #tpu.memory_space<hbm>>)
        tpu.yield
      }) : () -> ()
    } else {
    }
    %mul3A_79 = arith.constant 32 : i32
    %mul3A_80 = arith.muli %add3A, %mul3A_79 : i32
    %add3A_81 = arith.constant 9 : i32
    %add3A_82 = arith.addi %mul3A_80, %add3A_81 : i32
    %lt3A_83 = arith.constant 1000 : i32
    %lt3A_84 = arith.cmpi slt, %add3A_82, %lt3A_83 : i32
    %convert_element_type3A_85 = arith.extui %lt3A_84 : i1 to i32
    %cond3A_86 = arith.constant 0 : i32
    %cond3A_87 = arith.cmpi ne, %convert_element_type3A_85, %cond3A_86 : i32
    scf.if %cond3A_87 {
      %mul3A_322 = arith.constant 1000 : i32
      %mul3A_323 = arith.muli %add3A_82, %mul3A_322 : i32
      "tpu.region"() ({
        %run_scoped3A = tpu.sem_alloc : memref<!tpu.dma_semaphore, #tpu.memory_space<semaphore_mem>>
        %dma_start3A = arith.constant 0 : i32
        %dma_start3A_324 = tpu.memref_slice %arg2[%mul3A_323, %dma_start3A] : memref<1000000x32xf32, #tpu.memory_space<hbm>> -> memref<1000x32xf32, #tpu.memory_space<hbm>>
        %dma_start3A_325 = arith.constant 0 : i32
        %dma_start3A_326 = tpu.memref_slice %arg2[%mul3A_323, %dma_start3A_325] : memref<1000000x32xf32, #tpu.memory_space<hbm>> -> memref<1000x32xf32, #tpu.memory_space<hbm>>
        tpu.enqueue_dma source(%dma_start3A_326 : memref<1000x32xf32, #tpu.memory_space<hbm>>) target(%arg6 : memref<1000x32xf32, #tpu.memory_space<vmem>>) target_semaphore(%run_scoped3A : memref<!tpu.dma_semaphore, #tpu.memory_space<semaphore_mem>>)
        %dma_wait3A = arith.constant 0 : i32
        %dma_wait3A_327 = tpu.memref_slice %arg2[%mul3A_323, %dma_wait3A] : memref<1000000x32xf32, #tpu.memory_space<hbm>> -> memref<1000x32xf32, #tpu.memory_space<hbm>>
        %dma_wait3A_328 = arith.constant 0 : i32
        %dma_wait3A_329 = tpu.memref_slice %arg2[%mul3A_323, %dma_wait3A_328] : memref<1000000x32xf32, #tpu.memory_space<hbm>> -> memref<1000x32xf32, #tpu.memory_space<hbm>>
        tpu.wait_dma2 semaphore(%run_scoped3A : memref<!tpu.dma_semaphore, #tpu.memory_space<semaphore_mem>>) src(%dma_wait3A_329 : memref<1000x32xf32, #tpu.memory_space<hbm>>) dst(%arg6 : memref<1000x32xf32, #tpu.memory_space<vmem>>)
        tpu.yield
      }) : () -> ()
      "tpu.region"() ({
        %run_scoped3A = tpu.sem_alloc : memref<!tpu.dma_semaphore, #tpu.memory_space<semaphore_mem>>
        %dma_start3A = arith.constant 0 : i32
        %dma_start3A_324 = tpu.memref_slice %arg4[%mul3A_323, %dma_start3A] : memref<1000000x32xf32, #tpu.memory_space<hbm>> -> memref<1000x32xf32, #tpu.memory_space<hbm>>
        %dma_start3A_325 = arith.constant 0 : i32
        %dma_start3A_326 = tpu.memref_slice %arg4[%mul3A_323, %dma_start3A_325] : memref<1000000x32xf32, #tpu.memory_space<hbm>> -> memref<1000x32xf32, #tpu.memory_space<hbm>>
        tpu.enqueue_dma source(%arg6 : memref<1000x32xf32, #tpu.memory_space<vmem>>) target(%dma_start3A_326 : memref<1000x32xf32, #tpu.memory_space<hbm>>) target_semaphore(%run_scoped3A : memref<!tpu.dma_semaphore, #tpu.memory_space<semaphore_mem>>)
        %dma_wait3A = arith.constant 0 : i32
        %dma_wait3A_327 = tpu.memref_slice %arg4[%mul3A_323, %dma_wait3A] : memref<1000000x32xf32, #tpu.memory_space<hbm>> -> memref<1000x32xf32, #tpu.memory_space<hbm>>
        %dma_wait3A_328 = arith.constant 0 : i32
        %dma_wait3A_329 = tpu.memref_slice %arg4[%mul3A_323, %dma_wait3A_328] : memref<1000000x32xf32, #tpu.memory_space<hbm>> -> memref<1000x32xf32, #tpu.memory_space<hbm>>
        tpu.wait_dma2 semaphore(%run_scoped3A : memref<!tpu.dma_semaphore, #tpu.memory_space<semaphore_mem>>) src(%arg6 : memref<1000x32xf32, #tpu.memory_space<vmem>>) dst(%dma_wait3A_329 : memref<1000x32xf32, #tpu.memory_space<hbm>>)
        tpu.yield
      }) : () -> ()
    } else {
    }
    %mul3A_88 = arith.constant 32 : i32
    %mul3A_89 = arith.muli %add3A, %mul3A_88 : i32
    %add3A_90 = arith.constant 10 : i32
    %add3A_91 = arith.addi %mul3A_89, %add3A_90 : i32
    %lt3A_92 = arith.constant 1000 : i32
    %lt3A_93 = arith.cmpi slt, %add3A_91, %lt3A_92 : i32
    %convert_element_type3A_94 = arith.extui %lt3A_93 : i1 to i32
    %cond3A_95 = arith.constant 0 : i32
    %cond3A_96 = arith.cmpi ne, %convert_element_type3A_94, %cond3A_95 : i32
    scf.if %cond3A_96 {
      %mul3A_322 = arith.constant 1000 : i32
      %mul3A_323 = arith.muli %add3A_91, %mul3A_322 : i32
      "tpu.region"() ({
        %run_scoped3A = tpu.sem_alloc : memref<!tpu.dma_semaphore, #tpu.memory_space<semaphore_mem>>
        %dma_start3A = arith.constant 0 : i32
        %dma_start3A_324 = tpu.memref_slice %arg2[%mul3A_323, %dma_start3A] : memref<1000000x32xf32, #tpu.memory_space<hbm>> -> memref<1000x32xf32, #tpu.memory_space<hbm>>
        %dma_start3A_325 = arith.constant 0 : i32
        %dma_start3A_326 = tpu.memref_slice %arg2[%mul3A_323, %dma_start3A_325] : memref<1000000x32xf32, #tpu.memory_space<hbm>> -> memref<1000x32xf32, #tpu.memory_space<hbm>>
        tpu.enqueue_dma source(%dma_start3A_326 : memref<1000x32xf32, #tpu.memory_space<hbm>>) target(%arg6 : memref<1000x32xf32, #tpu.memory_space<vmem>>) target_semaphore(%run_scoped3A : memref<!tpu.dma_semaphore, #tpu.memory_space<semaphore_mem>>)
        %dma_wait3A = arith.constant 0 : i32
        %dma_wait3A_327 = tpu.memref_slice %arg2[%mul3A_323, %dma_wait3A] : memref<1000000x32xf32, #tpu.memory_space<hbm>> -> memref<1000x32xf32, #tpu.memory_space<hbm>>
        %dma_wait3A_328 = arith.constant 0 : i32
        %dma_wait3A_329 = tpu.memref_slice %arg2[%mul3A_323, %dma_wait3A_328] : memref<1000000x32xf32, #tpu.memory_space<hbm>> -> memref<1000x32xf32, #tpu.memory_space<hbm>>
        tpu.wait_dma2 semaphore(%run_scoped3A : memref<!tpu.dma_semaphore, #tpu.memory_space<semaphore_mem>>) src(%dma_wait3A_329 : memref<1000x32xf32, #tpu.memory_space<hbm>>) dst(%arg6 : memref<1000x32xf32, #tpu.memory_space<vmem>>)
        tpu.yield
      }) : () -> ()
      "tpu.region"() ({
        %run_scoped3A = tpu.sem_alloc : memref<!tpu.dma_semaphore, #tpu.memory_space<semaphore_mem>>
        %dma_start3A = arith.constant 0 : i32
        %dma_start3A_324 = tpu.memref_slice %arg4[%mul3A_323, %dma_start3A] : memref<1000000x32xf32, #tpu.memory_space<hbm>> -> memref<1000x32xf32, #tpu.memory_space<hbm>>
        %dma_start3A_325 = arith.constant 0 : i32
        %dma_start3A_326 = tpu.memref_slice %arg4[%mul3A_323, %dma_start3A_325] : memref<1000000x32xf32, #tpu.memory_space<hbm>> -> memref<1000x32xf32, #tpu.memory_space<hbm>>
        tpu.enqueue_dma source(%arg6 : memref<1000x32xf32, #tpu.memory_space<vmem>>) target(%dma_start3A_326 : memref<1000x32xf32, #tpu.memory_space<hbm>>) target_semaphore(%run_scoped3A : memref<!tpu.dma_semaphore, #tpu.memory_space<semaphore_mem>>)
        %dma_wait3A = arith.constant 0 : i32
        %dma_wait3A_327 = tpu.memref_slice %arg4[%mul3A_323, %dma_wait3A] : memref<1000000x32xf32, #tpu.memory_space<hbm>> -> memref<1000x32xf32, #tpu.memory_space<hbm>>
        %dma_wait3A_328 = arith.constant 0 : i32
        %dma_wait3A_329 = tpu.memref_slice %arg4[%mul3A_323, %dma_wait3A_328] : memref<1000000x32xf32, #tpu.memory_space<hbm>> -> memref<1000x32xf32, #tpu.memory_space<hbm>>
        tpu.wait_dma2 semaphore(%run_scoped3A : memref<!tpu.dma_semaphore, #tpu.memory_space<semaphore_mem>>) src(%arg6 : memref<1000x32xf32, #tpu.memory_space<vmem>>) dst(%dma_wait3A_329 : memref<1000x32xf32, #tpu.memory_space<hbm>>)
        tpu.yield
      }) : () -> ()
    } else {
    }
    %mul3A_97 = arith.constant 32 : i32
    %mul3A_98 = arith.muli %add3A, %mul3A_97 : i32
    %add3A_99 = arith.constant 11 : i32
    %add3A_100 = arith.addi %mul3A_98, %add3A_99 : i32
    %lt3A_101 = arith.constant 1000 : i32
    %lt3A_102 = arith.cmpi slt, %add3A_100, %lt3A_101 : i32
    %convert_element_type3A_103 = arith.extui %lt3A_102 : i1 to i32
    %cond3A_104 = arith.constant 0 : i32
    %cond3A_105 = arith.cmpi ne, %convert_element_type3A_103, %cond3A_104 : i32
    scf.if %cond3A_105 {
      %mul3A_322 = arith.constant 1000 : i32
      %mul3A_323 = arith.muli %add3A_100, %mul3A_322 : i32
      "tpu.region"() ({
        %run_scoped3A = tpu.sem_alloc : memref<!tpu.dma_semaphore, #tpu.memory_space<semaphore_mem>>
        %dma_start3A = arith.constant 0 : i32
        %dma_start3A_324 = tpu.memref_slice %arg2[%mul3A_323, %dma_start3A] : memref<1000000x32xf32, #tpu.memory_space<hbm>> -> memref<1000x32xf32, #tpu.memory_space<hbm>>
        %dma_start3A_325 = arith.constant 0 : i32
        %dma_start3A_326 = tpu.memref_slice %arg2[%mul3A_323, %dma_start3A_325] : memref<1000000x32xf32, #tpu.memory_space<hbm>> -> memref<1000x32xf32, #tpu.memory_space<hbm>>
        tpu.enqueue_dma source(%dma_start3A_326 : memref<1000x32xf32, #tpu.memory_space<hbm>>) target(%arg6 : memref<1000x32xf32, #tpu.memory_space<vmem>>) target_semaphore(%run_scoped3A : memref<!tpu.dma_semaphore, #tpu.memory_space<semaphore_mem>>)
        %dma_wait3A = arith.constant 0 : i32
        %dma_wait3A_327 = tpu.memref_slice %arg2[%mul3A_323, %dma_wait3A] : memref<1000000x32xf32, #tpu.memory_space<hbm>> -> memref<1000x32xf32, #tpu.memory_space<hbm>>
        %dma_wait3A_328 = arith.constant 0 : i32
        %dma_wait3A_329 = tpu.memref_slice %arg2[%mul3A_323, %dma_wait3A_328] : memref<1000000x32xf32, #tpu.memory_space<hbm>> -> memref<1000x32xf32, #tpu.memory_space<hbm>>
        tpu.wait_dma2 semaphore(%run_scoped3A : memref<!tpu.dma_semaphore, #tpu.memory_space<semaphore_mem>>) src(%dma_wait3A_329 : memref<1000x32xf32, #tpu.memory_space<hbm>>) dst(%arg6 : memref<1000x32xf32, #tpu.memory_space<vmem>>)
        tpu.yield
      }) : () -> ()
      "tpu.region"() ({
        %run_scoped3A = tpu.sem_alloc : memref<!tpu.dma_semaphore, #tpu.memory_space<semaphore_mem>>
        %dma_start3A = arith.constant 0 : i32
        %dma_start3A_324 = tpu.memref_slice %arg4[%mul3A_323, %dma_start3A] : memref<1000000x32xf32, #tpu.memory_space<hbm>> -> memref<1000x32xf32, #tpu.memory_space<hbm>>
        %dma_start3A_325 = arith.constant 0 : i32
        %dma_start3A_326 = tpu.memref_slice %arg4[%mul3A_323, %dma_start3A_325] : memref<1000000x32xf32, #tpu.memory_space<hbm>> -> memref<1000x32xf32, #tpu.memory_space<hbm>>
        tpu.enqueue_dma source(%arg6 : memref<1000x32xf32, #tpu.memory_space<vmem>>) target(%dma_start3A_326 : memref<1000x32xf32, #tpu.memory_space<hbm>>) target_semaphore(%run_scoped3A : memref<!tpu.dma_semaphore, #tpu.memory_space<semaphore_mem>>)
        %dma_wait3A = arith.constant 0 : i32
        %dma_wait3A_327 = tpu.memref_slice %arg4[%mul3A_323, %dma_wait3A] : memref<1000000x32xf32, #tpu.memory_space<hbm>> -> memref<1000x32xf32, #tpu.memory_space<hbm>>
        %dma_wait3A_328 = arith.constant 0 : i32
        %dma_wait3A_329 = tpu.memref_slice %arg4[%mul3A_323, %dma_wait3A_328] : memref<1000000x32xf32, #tpu.memory_space<hbm>> -> memref<1000x32xf32, #tpu.memory_space<hbm>>
        tpu.wait_dma2 semaphore(%run_scoped3A : memref<!tpu.dma_semaphore, #tpu.memory_space<semaphore_mem>>) src(%arg6 : memref<1000x32xf32, #tpu.memory_space<vmem>>) dst(%dma_wait3A_329 : memref<1000x32xf32, #tpu.memory_space<hbm>>)
        tpu.yield
      }) : () -> ()
    } else {
    }
    %mul3A_106 = arith.constant 32 : i32
    %mul3A_107 = arith.muli %add3A, %mul3A_106 : i32
    %add3A_108 = arith.constant 12 : i32
    %add3A_109 = arith.addi %mul3A_107, %add3A_108 : i32
    %lt3A_110 = arith.constant 1000 : i32
    %lt3A_111 = arith.cmpi slt, %add3A_109, %lt3A_110 : i32
    %convert_element_type3A_112 = arith.extui %lt3A_111 : i1 to i32
    %cond3A_113 = arith.constant 0 : i32
    %cond3A_114 = arith.cmpi ne, %convert_element_type3A_112, %cond3A_113 : i32
    scf.if %cond3A_114 {
      %mul3A_322 = arith.constant 1000 : i32
      %mul3A_323 = arith.muli %add3A_109, %mul3A_322 : i32
      "tpu.region"() ({
        %run_scoped3A = tpu.sem_alloc : memref<!tpu.dma_semaphore, #tpu.memory_space<semaphore_mem>>
        %dma_start3A = arith.constant 0 : i32
        %dma_start3A_324 = tpu.memref_slice %arg2[%mul3A_323, %dma_start3A] : memref<1000000x32xf32, #tpu.memory_space<hbm>> -> memref<1000x32xf32, #tpu.memory_space<hbm>>
        %dma_start3A_325 = arith.constant 0 : i32
        %dma_start3A_326 = tpu.memref_slice %arg2[%mul3A_323, %dma_start3A_325] : memref<1000000x32xf32, #tpu.memory_space<hbm>> -> memref<1000x32xf32, #tpu.memory_space<hbm>>
        tpu.enqueue_dma source(%dma_start3A_326 : memref<1000x32xf32, #tpu.memory_space<hbm>>) target(%arg6 : memref<1000x32xf32, #tpu.memory_space<vmem>>) target_semaphore(%run_scoped3A : memref<!tpu.dma_semaphore, #tpu.memory_space<semaphore_mem>>)
        %dma_wait3A = arith.constant 0 : i32
        %dma_wait3A_327 = tpu.memref_slice %arg2[%mul3A_323, %dma_wait3A] : memref<1000000x32xf32, #tpu.memory_space<hbm>> -> memref<1000x32xf32, #tpu.memory_space<hbm>>
        %dma_wait3A_328 = arith.constant 0 : i32
        %dma_wait3A_329 = tpu.memref_slice %arg2[%mul3A_323, %dma_wait3A_328] : memref<1000000x32xf32, #tpu.memory_space<hbm>> -> memref<1000x32xf32, #tpu.memory_space<hbm>>
        tpu.wait_dma2 semaphore(%run_scoped3A : memref<!tpu.dma_semaphore, #tpu.memory_space<semaphore_mem>>) src(%dma_wait3A_329 : memref<1000x32xf32, #tpu.memory_space<hbm>>) dst(%arg6 : memref<1000x32xf32, #tpu.memory_space<vmem>>)
        tpu.yield
      }) : () -> ()
      "tpu.region"() ({
        %run_scoped3A = tpu.sem_alloc : memref<!tpu.dma_semaphore, #tpu.memory_space<semaphore_mem>>
        %dma_start3A = arith.constant 0 : i32
        %dma_start3A_324 = tpu.memref_slice %arg4[%mul3A_323, %dma_start3A] : memref<1000000x32xf32, #tpu.memory_space<hbm>> -> memref<1000x32xf32, #tpu.memory_space<hbm>>
        %dma_start3A_325 = arith.constant 0 : i32
        %dma_start3A_326 = tpu.memref_slice %arg4[%mul3A_323, %dma_start3A_325] : memref<1000000x32xf32, #tpu.memory_space<hbm>> -> memref<1000x32xf32, #tpu.memory_space<hbm>>
        tpu.enqueue_dma source(%arg6 : memref<1000x32xf32, #tpu.memory_space<vmem>>) target(%dma_start3A_326 : memref<1000x32xf32, #tpu.memory_space<hbm>>) target_semaphore(%run_scoped3A : memref<!tpu.dma_semaphore, #tpu.memory_space<semaphore_mem>>)
        %dma_wait3A = arith.constant 0 : i32
        %dma_wait3A_327 = tpu.memref_slice %arg4[%mul3A_323, %dma_wait3A] : memref<1000000x32xf32, #tpu.memory_space<hbm>> -> memref<1000x32xf32, #tpu.memory_space<hbm>>
        %dma_wait3A_328 = arith.constant 0 : i32
        %dma_wait3A_329 = tpu.memref_slice %arg4[%mul3A_323, %dma_wait3A_328] : memref<1000000x32xf32, #tpu.memory_space<hbm>> -> memref<1000x32xf32, #tpu.memory_space<hbm>>
        tpu.wait_dma2 semaphore(%run_scoped3A : memref<!tpu.dma_semaphore, #tpu.memory_space<semaphore_mem>>) src(%arg6 : memref<1000x32xf32, #tpu.memory_space<vmem>>) dst(%dma_wait3A_329 : memref<1000x32xf32, #tpu.memory_space<hbm>>)
        tpu.yield
      }) : () -> ()
    } else {
    }
    %mul3A_115 = arith.constant 32 : i32
    %mul3A_116 = arith.muli %add3A, %mul3A_115 : i32
    %add3A_117 = arith.constant 13 : i32
    %add3A_118 = arith.addi %mul3A_116, %add3A_117 : i32
    %lt3A_119 = arith.constant 1000 : i32
    %lt3A_120 = arith.cmpi slt, %add3A_118, %lt3A_119 : i32
    %convert_element_type3A_121 = arith.extui %lt3A_120 : i1 to i32
    %cond3A_122 = arith.constant 0 : i32
    %cond3A_123 = arith.cmpi ne, %convert_element_type3A_121, %cond3A_122 : i32
    scf.if %cond3A_123 {
      %mul3A_322 = arith.constant 1000 : i32
      %mul3A_323 = arith.muli %add3A_118, %mul3A_322 : i32
      "tpu.region"() ({
        %run_scoped3A = tpu.sem_alloc : memref<!tpu.dma_semaphore, #tpu.memory_space<semaphore_mem>>
        %dma_start3A = arith.constant 0 : i32
        %dma_start3A_324 = tpu.memref_slice %arg2[%mul3A_323, %dma_start3A] : memref<1000000x32xf32, #tpu.memory_space<hbm>> -> memref<1000x32xf32, #tpu.memory_space<hbm>>
        %dma_start3A_325 = arith.constant 0 : i32
        %dma_start3A_326 = tpu.memref_slice %arg2[%mul3A_323, %dma_start3A_325] : memref<1000000x32xf32, #tpu.memory_space<hbm>> -> memref<1000x32xf32, #tpu.memory_space<hbm>>
        tpu.enqueue_dma source(%dma_start3A_326 : memref<1000x32xf32, #tpu.memory_space<hbm>>) target(%arg6 : memref<1000x32xf32, #tpu.memory_space<vmem>>) target_semaphore(%run_scoped3A : memref<!tpu.dma_semaphore, #tpu.memory_space<semaphore_mem>>)
        %dma_wait3A = arith.constant 0 : i32
        %dma_wait3A_327 = tpu.memref_slice %arg2[%mul3A_323, %dma_wait3A] : memref<1000000x32xf32, #tpu.memory_space<hbm>> -> memref<1000x32xf32, #tpu.memory_space<hbm>>
        %dma_wait3A_328 = arith.constant 0 : i32
        %dma_wait3A_329 = tpu.memref_slice %arg2[%mul3A_323, %dma_wait3A_328] : memref<1000000x32xf32, #tpu.memory_space<hbm>> -> memref<1000x32xf32, #tpu.memory_space<hbm>>
        tpu.wait_dma2 semaphore(%run_scoped3A : memref<!tpu.dma_semaphore, #tpu.memory_space<semaphore_mem>>) src(%dma_wait3A_329 : memref<1000x32xf32, #tpu.memory_space<hbm>>) dst(%arg6 : memref<1000x32xf32, #tpu.memory_space<vmem>>)
        tpu.yield
      }) : () -> ()
      "tpu.region"() ({
        %run_scoped3A = tpu.sem_alloc : memref<!tpu.dma_semaphore, #tpu.memory_space<semaphore_mem>>
        %dma_start3A = arith.constant 0 : i32
        %dma_start3A_324 = tpu.memref_slice %arg4[%mul3A_323, %dma_start3A] : memref<1000000x32xf32, #tpu.memory_space<hbm>> -> memref<1000x32xf32, #tpu.memory_space<hbm>>
        %dma_start3A_325 = arith.constant 0 : i32
        %dma_start3A_326 = tpu.memref_slice %arg4[%mul3A_323, %dma_start3A_325] : memref<1000000x32xf32, #tpu.memory_space<hbm>> -> memref<1000x32xf32, #tpu.memory_space<hbm>>
        tpu.enqueue_dma source(%arg6 : memref<1000x32xf32, #tpu.memory_space<vmem>>) target(%dma_start3A_326 : memref<1000x32xf32, #tpu.memory_space<hbm>>) target_semaphore(%run_scoped3A : memref<!tpu.dma_semaphore, #tpu.memory_space<semaphore_mem>>)
        %dma_wait3A = arith.constant 0 : i32
        %dma_wait3A_327 = tpu.memref_slice %arg4[%mul3A_323, %dma_wait3A] : memref<1000000x32xf32, #tpu.memory_space<hbm>> -> memref<1000x32xf32, #tpu.memory_space<hbm>>
        %dma_wait3A_328 = arith.constant 0 : i32
        %dma_wait3A_329 = tpu.memref_slice %arg4[%mul3A_323, %dma_wait3A_328] : memref<1000000x32xf32, #tpu.memory_space<hbm>> -> memref<1000x32xf32, #tpu.memory_space<hbm>>
        tpu.wait_dma2 semaphore(%run_scoped3A : memref<!tpu.dma_semaphore, #tpu.memory_space<semaphore_mem>>) src(%arg6 : memref<1000x32xf32, #tpu.memory_space<vmem>>) dst(%dma_wait3A_329 : memref<1000x32xf32, #tpu.memory_space<hbm>>)
        tpu.yield
      }) : () -> ()
    } else {
    }
    %mul3A_124 = arith.constant 32 : i32
    %mul3A_125 = arith.muli %add3A, %mul3A_124 : i32
    %add3A_126 = arith.constant 14 : i32
    %add3A_127 = arith.addi %mul3A_125, %add3A_126 : i32
    %lt3A_128 = arith.constant 1000 : i32
    %lt3A_129 = arith.cmpi slt, %add3A_127, %lt3A_128 : i32
    %convert_element_type3A_130 = arith.extui %lt3A_129 : i1 to i32
    %cond3A_131 = arith.constant 0 : i32
    %cond3A_132 = arith.cmpi ne, %convert_element_type3A_130, %cond3A_131 : i32
    scf.if %cond3A_132 {
      %mul3A_322 = arith.constant 1000 : i32
      %mul3A_323 = arith.muli %add3A_127, %mul3A_322 : i32
      "tpu.region"() ({
        %run_scoped3A = tpu.sem_alloc : memref<!tpu.dma_semaphore, #tpu.memory_space<semaphore_mem>>
        %dma_start3A = arith.constant 0 : i32
        %dma_start3A_324 = tpu.memref_slice %arg2[%mul3A_323, %dma_start3A] : memref<1000000x32xf32, #tpu.memory_space<hbm>> -> memref<1000x32xf32, #tpu.memory_space<hbm>>
        %dma_start3A_325 = arith.constant 0 : i32
        %dma_start3A_326 = tpu.memref_slice %arg2[%mul3A_323, %dma_start3A_325] : memref<1000000x32xf32, #tpu.memory_space<hbm>> -> memref<1000x32xf32, #tpu.memory_space<hbm>>
        tpu.enqueue_dma source(%dma_start3A_326 : memref<1000x32xf32, #tpu.memory_space<hbm>>) target(%arg6 : memref<1000x32xf32, #tpu.memory_space<vmem>>) target_semaphore(%run_scoped3A : memref<!tpu.dma_semaphore, #tpu.memory_space<semaphore_mem>>)
        %dma_wait3A = arith.constant 0 : i32
        %dma_wait3A_327 = tpu.memref_slice %arg2[%mul3A_323, %dma_wait3A] : memref<1000000x32xf32, #tpu.memory_space<hbm>> -> memref<1000x32xf32, #tpu.memory_space<hbm>>
        %dma_wait3A_328 = arith.constant 0 : i32
        %dma_wait3A_329 = tpu.memref_slice %arg2[%mul3A_323, %dma_wait3A_328] : memref<1000000x32xf32, #tpu.memory_space<hbm>> -> memref<1000x32xf32, #tpu.memory_space<hbm>>
        tpu.wait_dma2 semaphore(%run_scoped3A : memref<!tpu.dma_semaphore, #tpu.memory_space<semaphore_mem>>) src(%dma_wait3A_329 : memref<1000x32xf32, #tpu.memory_space<hbm>>) dst(%arg6 : memref<1000x32xf32, #tpu.memory_space<vmem>>)
        tpu.yield
      }) : () -> ()
      "tpu.region"() ({
        %run_scoped3A = tpu.sem_alloc : memref<!tpu.dma_semaphore, #tpu.memory_space<semaphore_mem>>
        %dma_start3A = arith.constant 0 : i32
        %dma_start3A_324 = tpu.memref_slice %arg4[%mul3A_323, %dma_start3A] : memref<1000000x32xf32, #tpu.memory_space<hbm>> -> memref<1000x32xf32, #tpu.memory_space<hbm>>
        %dma_start3A_325 = arith.constant 0 : i32
        %dma_start3A_326 = tpu.memref_slice %arg4[%mul3A_323, %dma_start3A_325] : memref<1000000x32xf32, #tpu.memory_space<hbm>> -> memref<1000x32xf32, #tpu.memory_space<hbm>>
        tpu.enqueue_dma source(%arg6 : memref<1000x32xf32, #tpu.memory_space<vmem>>) target(%dma_start3A_326 : memref<1000x32xf32, #tpu.memory_space<hbm>>) target_semaphore(%run_scoped3A : memref<!tpu.dma_semaphore, #tpu.memory_space<semaphore_mem>>)
        %dma_wait3A = arith.constant 0 : i32
        %dma_wait3A_327 = tpu.memref_slice %arg4[%mul3A_323, %dma_wait3A] : memref<1000000x32xf32, #tpu.memory_space<hbm>> -> memref<1000x32xf32, #tpu.memory_space<hbm>>
        %dma_wait3A_328 = arith.constant 0 : i32
        %dma_wait3A_329 = tpu.memref_slice %arg4[%mul3A_323, %dma_wait3A_328] : memref<1000000x32xf32, #tpu.memory_space<hbm>> -> memref<1000x32xf32, #tpu.memory_space<hbm>>
        tpu.wait_dma2 semaphore(%run_scoped3A : memref<!tpu.dma_semaphore, #tpu.memory_space<semaphore_mem>>) src(%arg6 : memref<1000x32xf32, #tpu.memory_space<vmem>>) dst(%dma_wait3A_329 : memref<1000x32xf32, #tpu.memory_space<hbm>>)
        tpu.yield
      }) : () -> ()
    } else {
    }
    %mul3A_133 = arith.constant 32 : i32
    %mul3A_134 = arith.muli %add3A, %mul3A_133 : i32
    %add3A_135 = arith.constant 15 : i32
    %add3A_136 = arith.addi %mul3A_134, %add3A_135 : i32
    %lt3A_137 = arith.constant 1000 : i32
    %lt3A_138 = arith.cmpi slt, %add3A_136, %lt3A_137 : i32
    %convert_element_type3A_139 = arith.extui %lt3A_138 : i1 to i32
    %cond3A_140 = arith.constant 0 : i32
    %cond3A_141 = arith.cmpi ne, %convert_element_type3A_139, %cond3A_140 : i32
    scf.if %cond3A_141 {
      %mul3A_322 = arith.constant 1000 : i32
      %mul3A_323 = arith.muli %add3A_136, %mul3A_322 : i32
      "tpu.region"() ({
        %run_scoped3A = tpu.sem_alloc : memref<!tpu.dma_semaphore, #tpu.memory_space<semaphore_mem>>
        %dma_start3A = arith.constant 0 : i32
        %dma_start3A_324 = tpu.memref_slice %arg2[%mul3A_323, %dma_start3A] : memref<1000000x32xf32, #tpu.memory_space<hbm>> -> memref<1000x32xf32, #tpu.memory_space<hbm>>
        %dma_start3A_325 = arith.constant 0 : i32
        %dma_start3A_326 = tpu.memref_slice %arg2[%mul3A_323, %dma_start3A_325] : memref<1000000x32xf32, #tpu.memory_space<hbm>> -> memref<1000x32xf32, #tpu.memory_space<hbm>>
        tpu.enqueue_dma source(%dma_start3A_326 : memref<1000x32xf32, #tpu.memory_space<hbm>>) target(%arg6 : memref<1000x32xf32, #tpu.memory_space<vmem>>) target_semaphore(%run_scoped3A : memref<!tpu.dma_semaphore, #tpu.memory_space<semaphore_mem>>)
        %dma_wait3A = arith.constant 0 : i32
        %dma_wait3A_327 = tpu.memref_slice %arg2[%mul3A_323, %dma_wait3A] : memref<1000000x32xf32, #tpu.memory_space<hbm>> -> memref<1000x32xf32, #tpu.memory_space<hbm>>
        %dma_wait3A_328 = arith.constant 0 : i32
        %dma_wait3A_329 = tpu.memref_slice %arg2[%mul3A_323, %dma_wait3A_328] : memref<1000000x32xf32, #tpu.memory_space<hbm>> -> memref<1000x32xf32, #tpu.memory_space<hbm>>
        tpu.wait_dma2 semaphore(%run_scoped3A : memref<!tpu.dma_semaphore, #tpu.memory_space<semaphore_mem>>) src(%dma_wait3A_329 : memref<1000x32xf32, #tpu.memory_space<hbm>>) dst(%arg6 : memref<1000x32xf32, #tpu.memory_space<vmem>>)
        tpu.yield
      }) : () -> ()
      "tpu.region"() ({
        %run_scoped3A = tpu.sem_alloc : memref<!tpu.dma_semaphore, #tpu.memory_space<semaphore_mem>>
        %dma_start3A = arith.constant 0 : i32
        %dma_start3A_324 = tpu.memref_slice %arg4[%mul3A_323, %dma_start3A] : memref<1000000x32xf32, #tpu.memory_space<hbm>> -> memref<1000x32xf32, #tpu.memory_space<hbm>>
        %dma_start3A_325 = arith.constant 0 : i32
        %dma_start3A_326 = tpu.memref_slice %arg4[%mul3A_323, %dma_start3A_325] : memref<1000000x32xf32, #tpu.memory_space<hbm>> -> memref<1000x32xf32, #tpu.memory_space<hbm>>
        tpu.enqueue_dma source(%arg6 : memref<1000x32xf32, #tpu.memory_space<vmem>>) target(%dma_start3A_326 : memref<1000x32xf32, #tpu.memory_space<hbm>>) target_semaphore(%run_scoped3A : memref<!tpu.dma_semaphore, #tpu.memory_space<semaphore_mem>>)
        %dma_wait3A = arith.constant 0 : i32
        %dma_wait3A_327 = tpu.memref_slice %arg4[%mul3A_323, %dma_wait3A] : memref<1000000x32xf32, #tpu.memory_space<hbm>> -> memref<1000x32xf32, #tpu.memory_space<hbm>>
        %dma_wait3A_328 = arith.constant 0 : i32
        %dma_wait3A_329 = tpu.memref_slice %arg4[%mul3A_323, %dma_wait3A_328] : memref<1000000x32xf32, #tpu.memory_space<hbm>> -> memref<1000x32xf32, #tpu.memory_space<hbm>>
        tpu.wait_dma2 semaphore(%run_scoped3A : memref<!tpu.dma_semaphore, #tpu.memory_space<semaphore_mem>>) src(%arg6 : memref<1000x32xf32, #tpu.memory_space<vmem>>) dst(%dma_wait3A_329 : memref<1000x32xf32, #tpu.memory_space<hbm>>)
        tpu.yield
      }) : () -> ()
    } else {
    }
    %mul3A_142 = arith.constant 32 : i32
    %mul3A_143 = arith.muli %add3A, %mul3A_142 : i32
    %add3A_144 = arith.constant 16 : i32
    %add3A_145 = arith.addi %mul3A_143, %add3A_144 : i32
    %lt3A_146 = arith.constant 1000 : i32
    %lt3A_147 = arith.cmpi slt, %add3A_145, %lt3A_146 : i32
    %convert_element_type3A_148 = arith.extui %lt3A_147 : i1 to i32
    %cond3A_149 = arith.constant 0 : i32
    %cond3A_150 = arith.cmpi ne, %convert_element_type3A_148, %cond3A_149 : i32
    scf.if %cond3A_150 {
      %mul3A_322 = arith.constant 1000 : i32
      %mul3A_323 = arith.muli %add3A_145, %mul3A_322 : i32
      "tpu.region"() ({
        %run_scoped3A = tpu.sem_alloc : memref<!tpu.dma_semaphore, #tpu.memory_space<semaphore_mem>>
        %dma_start3A = arith.constant 0 : i32
        %dma_start3A_324 = tpu.memref_slice %arg2[%mul3A_323, %dma_start3A] : memref<1000000x32xf32, #tpu.memory_space<hbm>> -> memref<1000x32xf32, #tpu.memory_space<hbm>>
        %dma_start3A_325 = arith.constant 0 : i32
        %dma_start3A_326 = tpu.memref_slice %arg2[%mul3A_323, %dma_start3A_325] : memref<1000000x32xf32, #tpu.memory_space<hbm>> -> memref<1000x32xf32, #tpu.memory_space<hbm>>
        tpu.enqueue_dma source(%dma_start3A_326 : memref<1000x32xf32, #tpu.memory_space<hbm>>) target(%arg6 : memref<1000x32xf32, #tpu.memory_space<vmem>>) target_semaphore(%run_scoped3A : memref<!tpu.dma_semaphore, #tpu.memory_space<semaphore_mem>>)
        %dma_wait3A = arith.constant 0 : i32
        %dma_wait3A_327 = tpu.memref_slice %arg2[%mul3A_323, %dma_wait3A] : memref<1000000x32xf32, #tpu.memory_space<hbm>> -> memref<1000x32xf32, #tpu.memory_space<hbm>>
        %dma_wait3A_328 = arith.constant 0 : i32
        %dma_wait3A_329 = tpu.memref_slice %arg2[%mul3A_323, %dma_wait3A_328] : memref<1000000x32xf32, #tpu.memory_space<hbm>> -> memref<1000x32xf32, #tpu.memory_space<hbm>>
        tpu.wait_dma2 semaphore(%run_scoped3A : memref<!tpu.dma_semaphore, #tpu.memory_space<semaphore_mem>>) src(%dma_wait3A_329 : memref<1000x32xf32, #tpu.memory_space<hbm>>) dst(%arg6 : memref<1000x32xf32, #tpu.memory_space<vmem>>)
        tpu.yield
      }) : () -> ()
      "tpu.region"() ({
        %run_scoped3A = tpu.sem_alloc : memref<!tpu.dma_semaphore, #tpu.memory_space<semaphore_mem>>
        %dma_start3A = arith.constant 0 : i32
        %dma_start3A_324 = tpu.memref_slice %arg4[%mul3A_323, %dma_start3A] : memref<1000000x32xf32, #tpu.memory_space<hbm>> -> memref<1000x32xf32, #tpu.memory_space<hbm>>
        %dma_start3A_325 = arith.constant 0 : i32
        %dma_start3A_326 = tpu.memref_slice %arg4[%mul3A_323, %dma_start3A_325] : memref<1000000x32xf32, #tpu.memory_space<hbm>> -> memref<1000x32xf32, #tpu.memory_space<hbm>>
        tpu.enqueue_dma source(%arg6 : memref<1000x32xf32, #tpu.memory_space<vmem>>) target(%dma_start3A_326 : memref<1000x32xf32, #tpu.memory_space<hbm>>) target_semaphore(%run_scoped3A : memref<!tpu.dma_semaphore, #tpu.memory_space<semaphore_mem>>)
        %dma_wait3A = arith.constant 0 : i32
        %dma_wait3A_327 = tpu.memref_slice %arg4[%mul3A_323, %dma_wait3A] : memref<1000000x32xf32, #tpu.memory_space<hbm>> -> memref<1000x32xf32, #tpu.memory_space<hbm>>
        %dma_wait3A_328 = arith.constant 0 : i32
        %dma_wait3A_329 = tpu.memref_slice %arg4[%mul3A_323, %dma_wait3A_328] : memref<1000000x32xf32, #tpu.memory_space<hbm>> -> memref<1000x32xf32, #tpu.memory_space<hbm>>
        tpu.wait_dma2 semaphore(%run_scoped3A : memref<!tpu.dma_semaphore, #tpu.memory_space<semaphore_mem>>) src(%arg6 : memref<1000x32xf32, #tpu.memory_space<vmem>>) dst(%dma_wait3A_329 : memref<1000x32xf32, #tpu.memory_space<hbm>>)
        tpu.yield
      }) : () -> ()
    } else {
    }
    %mul3A_151 = arith.constant 32 : i32
    %mul3A_152 = arith.muli %add3A, %mul3A_151 : i32
    %add3A_153 = arith.constant 17 : i32
    %add3A_154 = arith.addi %mul3A_152, %add3A_153 : i32
    %lt3A_155 = arith.constant 1000 : i32
    %lt3A_156 = arith.cmpi slt, %add3A_154, %lt3A_155 : i32
    %convert_element_type3A_157 = arith.extui %lt3A_156 : i1 to i32
    %cond3A_158 = arith.constant 0 : i32
    %cond3A_159 = arith.cmpi ne, %convert_element_type3A_157, %cond3A_158 : i32
    scf.if %cond3A_159 {
      %mul3A_322 = arith.constant 1000 : i32
      %mul3A_323 = arith.muli %add3A_154, %mul3A_322 : i32
      "tpu.region"() ({
        %run_scoped3A = tpu.sem_alloc : memref<!tpu.dma_semaphore, #tpu.memory_space<semaphore_mem>>
        %dma_start3A = arith.constant 0 : i32
        %dma_start3A_324 = tpu.memref_slice %arg2[%mul3A_323, %dma_start3A] : memref<1000000x32xf32, #tpu.memory_space<hbm>> -> memref<1000x32xf32, #tpu.memory_space<hbm>>
        %dma_start3A_325 = arith.constant 0 : i32
        %dma_start3A_326 = tpu.memref_slice %arg2[%mul3A_323, %dma_start3A_325] : memref<1000000x32xf32, #tpu.memory_space<hbm>> -> memref<1000x32xf32, #tpu.memory_space<hbm>>
        tpu.enqueue_dma source(%dma_start3A_326 : memref<1000x32xf32, #tpu.memory_space<hbm>>) target(%arg6 : memref<1000x32xf32, #tpu.memory_space<vmem>>) target_semaphore(%run_scoped3A : memref<!tpu.dma_semaphore, #tpu.memory_space<semaphore_mem>>)
        %dma_wait3A = arith.constant 0 : i32
        %dma_wait3A_327 = tpu.memref_slice %arg2[%mul3A_323, %dma_wait3A] : memref<1000000x32xf32, #tpu.memory_space<hbm>> -> memref<1000x32xf32, #tpu.memory_space<hbm>>
        %dma_wait3A_328 = arith.constant 0 : i32
        %dma_wait3A_329 = tpu.memref_slice %arg2[%mul3A_323, %dma_wait3A_328] : memref<1000000x32xf32, #tpu.memory_space<hbm>> -> memref<1000x32xf32, #tpu.memory_space<hbm>>
        tpu.wait_dma2 semaphore(%run_scoped3A : memref<!tpu.dma_semaphore, #tpu.memory_space<semaphore_mem>>) src(%dma_wait3A_329 : memref<1000x32xf32, #tpu.memory_space<hbm>>) dst(%arg6 : memref<1000x32xf32, #tpu.memory_space<vmem>>)
        tpu.yield
      }) : () -> ()
      "tpu.region"() ({
        %run_scoped3A = tpu.sem_alloc : memref<!tpu.dma_semaphore, #tpu.memory_space<semaphore_mem>>
        %dma_start3A = arith.constant 0 : i32
        %dma_start3A_324 = tpu.memref_slice %arg4[%mul3A_323, %dma_start3A] : memref<1000000x32xf32, #tpu.memory_space<hbm>> -> memref<1000x32xf32, #tpu.memory_space<hbm>>
        %dma_start3A_325 = arith.constant 0 : i32
        %dma_start3A_326 = tpu.memref_slice %arg4[%mul3A_323, %dma_start3A_325] : memref<1000000x32xf32, #tpu.memory_space<hbm>> -> memref<1000x32xf32, #tpu.memory_space<hbm>>
        tpu.enqueue_dma source(%arg6 : memref<1000x32xf32, #tpu.memory_space<vmem>>) target(%dma_start3A_326 : memref<1000x32xf32, #tpu.memory_space<hbm>>) target_semaphore(%run_scoped3A : memref<!tpu.dma_semaphore, #tpu.memory_space<semaphore_mem>>)
        %dma_wait3A = arith.constant 0 : i32
        %dma_wait3A_327 = tpu.memref_slice %arg4[%mul3A_323, %dma_wait3A] : memref<1000000x32xf32, #tpu.memory_space<hbm>> -> memref<1000x32xf32, #tpu.memory_space<hbm>>
        %dma_wait3A_328 = arith.constant 0 : i32
        %dma_wait3A_329 = tpu.memref_slice %arg4[%mul3A_323, %dma_wait3A_328] : memref<1000000x32xf32, #tpu.memory_space<hbm>> -> memref<1000x32xf32, #tpu.memory_space<hbm>>
        tpu.wait_dma2 semaphore(%run_scoped3A : memref<!tpu.dma_semaphore, #tpu.memory_space<semaphore_mem>>) src(%arg6 : memref<1000x32xf32, #tpu.memory_space<vmem>>) dst(%dma_wait3A_329 : memref<1000x32xf32, #tpu.memory_space<hbm>>)
        tpu.yield
      }) : () -> ()
    } else {
    }
    %mul3A_160 = arith.constant 32 : i32
    %mul3A_161 = arith.muli %add3A, %mul3A_160 : i32
    %add3A_162 = arith.constant 18 : i32
    %add3A_163 = arith.addi %mul3A_161, %add3A_162 : i32
    %lt3A_164 = arith.constant 1000 : i32
    %lt3A_165 = arith.cmpi slt, %add3A_163, %lt3A_164 : i32
    %convert_element_type3A_166 = arith.extui %lt3A_165 : i1 to i32
    %cond3A_167 = arith.constant 0 : i32
    %cond3A_168 = arith.cmpi ne, %convert_element_type3A_166, %cond3A_167 : i32
    scf.if %cond3A_168 {
      %mul3A_322 = arith.constant 1000 : i32
      %mul3A_323 = arith.muli %add3A_163, %mul3A_322 : i32
      "tpu.region"() ({
        %run_scoped3A = tpu.sem_alloc : memref<!tpu.dma_semaphore, #tpu.memory_space<semaphore_mem>>
        %dma_start3A = arith.constant 0 : i32
        %dma_start3A_324 = tpu.memref_slice %arg2[%mul3A_323, %dma_start3A] : memref<1000000x32xf32, #tpu.memory_space<hbm>> -> memref<1000x32xf32, #tpu.memory_space<hbm>>
        %dma_start3A_325 = arith.constant 0 : i32
        %dma_start3A_326 = tpu.memref_slice %arg2[%mul3A_323, %dma_start3A_325] : memref<1000000x32xf32, #tpu.memory_space<hbm>> -> memref<1000x32xf32, #tpu.memory_space<hbm>>
        tpu.enqueue_dma source(%dma_start3A_326 : memref<1000x32xf32, #tpu.memory_space<hbm>>) target(%arg6 : memref<1000x32xf32, #tpu.memory_space<vmem>>) target_semaphore(%run_scoped3A : memref<!tpu.dma_semaphore, #tpu.memory_space<semaphore_mem>>)
        %dma_wait3A = arith.constant 0 : i32
        %dma_wait3A_327 = tpu.memref_slice %arg2[%mul3A_323, %dma_wait3A] : memref<1000000x32xf32, #tpu.memory_space<hbm>> -> memref<1000x32xf32, #tpu.memory_space<hbm>>
        %dma_wait3A_328 = arith.constant 0 : i32
        %dma_wait3A_329 = tpu.memref_slice %arg2[%mul3A_323, %dma_wait3A_328] : memref<1000000x32xf32, #tpu.memory_space<hbm>> -> memref<1000x32xf32, #tpu.memory_space<hbm>>
        tpu.wait_dma2 semaphore(%run_scoped3A : memref<!tpu.dma_semaphore, #tpu.memory_space<semaphore_mem>>) src(%dma_wait3A_329 : memref<1000x32xf32, #tpu.memory_space<hbm>>) dst(%arg6 : memref<1000x32xf32, #tpu.memory_space<vmem>>)
        tpu.yield
      }) : () -> ()
      "tpu.region"() ({
        %run_scoped3A = tpu.sem_alloc : memref<!tpu.dma_semaphore, #tpu.memory_space<semaphore_mem>>
        %dma_start3A = arith.constant 0 : i32
        %dma_start3A_324 = tpu.memref_slice %arg4[%mul3A_323, %dma_start3A] : memref<1000000x32xf32, #tpu.memory_space<hbm>> -> memref<1000x32xf32, #tpu.memory_space<hbm>>
        %dma_start3A_325 = arith.constant 0 : i32
        %dma_start3A_326 = tpu.memref_slice %arg4[%mul3A_323, %dma_start3A_325] : memref<1000000x32xf32, #tpu.memory_space<hbm>> -> memref<1000x32xf32, #tpu.memory_space<hbm>>
        tpu.enqueue_dma source(%arg6 : memref<1000x32xf32, #tpu.memory_space<vmem>>) target(%dma_start3A_326 : memref<1000x32xf32, #tpu.memory_space<hbm>>) target_semaphore(%run_scoped3A : memref<!tpu.dma_semaphore, #tpu.memory_space<semaphore_mem>>)
        %dma_wait3A = arith.constant 0 : i32
        %dma_wait3A_327 = tpu.memref_slice %arg4[%mul3A_323, %dma_wait3A] : memref<1000000x32xf32, #tpu.memory_space<hbm>> -> memref<1000x32xf32, #tpu.memory_space<hbm>>
        %dma_wait3A_328 = arith.constant 0 : i32
        %dma_wait3A_329 = tpu.memref_slice %arg4[%mul3A_323, %dma_wait3A_328] : memref<1000000x32xf32, #tpu.memory_space<hbm>> -> memref<1000x32xf32, #tpu.memory_space<hbm>>
        tpu.wait_dma2 semaphore(%run_scoped3A : memref<!tpu.dma_semaphore, #tpu.memory_space<semaphore_mem>>) src(%arg6 : memref<1000x32xf32, #tpu.memory_space<vmem>>) dst(%dma_wait3A_329 : memref<1000x32xf32, #tpu.memory_space<hbm>>)
        tpu.yield
      }) : () -> ()
    } else {
    }
    %mul3A_169 = arith.constant 32 : i32
    %mul3A_170 = arith.muli %add3A, %mul3A_169 : i32
    %add3A_171 = arith.constant 19 : i32
    %add3A_172 = arith.addi %mul3A_170, %add3A_171 : i32
    %lt3A_173 = arith.constant 1000 : i32
    %lt3A_174 = arith.cmpi slt, %add3A_172, %lt3A_173 : i32
    %convert_element_type3A_175 = arith.extui %lt3A_174 : i1 to i32
    %cond3A_176 = arith.constant 0 : i32
    %cond3A_177 = arith.cmpi ne, %convert_element_type3A_175, %cond3A_176 : i32
    scf.if %cond3A_177 {
      %mul3A_322 = arith.constant 1000 : i32
      %mul3A_323 = arith.muli %add3A_172, %mul3A_322 : i32
      "tpu.region"() ({
        %run_scoped3A = tpu.sem_alloc : memref<!tpu.dma_semaphore, #tpu.memory_space<semaphore_mem>>
        %dma_start3A = arith.constant 0 : i32
        %dma_start3A_324 = tpu.memref_slice %arg2[%mul3A_323, %dma_start3A] : memref<1000000x32xf32, #tpu.memory_space<hbm>> -> memref<1000x32xf32, #tpu.memory_space<hbm>>
        %dma_start3A_325 = arith.constant 0 : i32
        %dma_start3A_326 = tpu.memref_slice %arg2[%mul3A_323, %dma_start3A_325] : memref<1000000x32xf32, #tpu.memory_space<hbm>> -> memref<1000x32xf32, #tpu.memory_space<hbm>>
        tpu.enqueue_dma source(%dma_start3A_326 : memref<1000x32xf32, #tpu.memory_space<hbm>>) target(%arg6 : memref<1000x32xf32, #tpu.memory_space<vmem>>) target_semaphore(%run_scoped3A : memref<!tpu.dma_semaphore, #tpu.memory_space<semaphore_mem>>)
        %dma_wait3A = arith.constant 0 : i32
        %dma_wait3A_327 = tpu.memref_slice %arg2[%mul3A_323, %dma_wait3A] : memref<1000000x32xf32, #tpu.memory_space<hbm>> -> memref<1000x32xf32, #tpu.memory_space<hbm>>
        %dma_wait3A_328 = arith.constant 0 : i32
        %dma_wait3A_329 = tpu.memref_slice %arg2[%mul3A_323, %dma_wait3A_328] : memref<1000000x32xf32, #tpu.memory_space<hbm>> -> memref<1000x32xf32, #tpu.memory_space<hbm>>
        tpu.wait_dma2 semaphore(%run_scoped3A : memref<!tpu.dma_semaphore, #tpu.memory_space<semaphore_mem>>) src(%dma_wait3A_329 : memref<1000x32xf32, #tpu.memory_space<hbm>>) dst(%arg6 : memref<1000x32xf32, #tpu.memory_space<vmem>>)
        tpu.yield
      }) : () -> ()
      "tpu.region"() ({
        %run_scoped3A = tpu.sem_alloc : memref<!tpu.dma_semaphore, #tpu.memory_space<semaphore_mem>>
        %dma_start3A = arith.constant 0 : i32
        %dma_start3A_324 = tpu.memref_slice %arg4[%mul3A_323, %dma_start3A] : memref<1000000x32xf32, #tpu.memory_space<hbm>> -> memref<1000x32xf32, #tpu.memory_space<hbm>>
        %dma_start3A_325 = arith.constant 0 : i32
        %dma_start3A_326 = tpu.memref_slice %arg4[%mul3A_323, %dma_start3A_325] : memref<1000000x32xf32, #tpu.memory_space<hbm>> -> memref<1000x32xf32, #tpu.memory_space<hbm>>
        tpu.enqueue_dma source(%arg6 : memref<1000x32xf32, #tpu.memory_space<vmem>>) target(%dma_start3A_326 : memref<1000x32xf32, #tpu.memory_space<hbm>>) target_semaphore(%run_scoped3A : memref<!tpu.dma_semaphore, #tpu.memory_space<semaphore_mem>>)
        %dma_wait3A = arith.constant 0 : i32
        %dma_wait3A_327 = tpu.memref_slice %arg4[%mul3A_323, %dma_wait3A] : memref<1000000x32xf32, #tpu.memory_space<hbm>> -> memref<1000x32xf32, #tpu.memory_space<hbm>>
        %dma_wait3A_328 = arith.constant 0 : i32
        %dma_wait3A_329 = tpu.memref_slice %arg4[%mul3A_323, %dma_wait3A_328] : memref<1000000x32xf32, #tpu.memory_space<hbm>> -> memref<1000x32xf32, #tpu.memory_space<hbm>>
        tpu.wait_dma2 semaphore(%run_scoped3A : memref<!tpu.dma_semaphore, #tpu.memory_space<semaphore_mem>>) src(%arg6 : memref<1000x32xf32, #tpu.memory_space<vmem>>) dst(%dma_wait3A_329 : memref<1000x32xf32, #tpu.memory_space<hbm>>)
        tpu.yield
      }) : () -> ()
    } else {
    }
    %mul3A_178 = arith.constant 32 : i32
    %mul3A_179 = arith.muli %add3A, %mul3A_178 : i32
    %add3A_180 = arith.constant 20 : i32
    %add3A_181 = arith.addi %mul3A_179, %add3A_180 : i32
    %lt3A_182 = arith.constant 1000 : i32
    %lt3A_183 = arith.cmpi slt, %add3A_181, %lt3A_182 : i32
    %convert_element_type3A_184 = arith.extui %lt3A_183 : i1 to i32
    %cond3A_185 = arith.constant 0 : i32
    %cond3A_186 = arith.cmpi ne, %convert_element_type3A_184, %cond3A_185 : i32
    scf.if %cond3A_186 {
      %mul3A_322 = arith.constant 1000 : i32
      %mul3A_323 = arith.muli %add3A_181, %mul3A_322 : i32
      "tpu.region"() ({
        %run_scoped3A = tpu.sem_alloc : memref<!tpu.dma_semaphore, #tpu.memory_space<semaphore_mem>>
        %dma_start3A = arith.constant 0 : i32
        %dma_start3A_324 = tpu.memref_slice %arg2[%mul3A_323, %dma_start3A] : memref<1000000x32xf32, #tpu.memory_space<hbm>> -> memref<1000x32xf32, #tpu.memory_space<hbm>>
        %dma_start3A_325 = arith.constant 0 : i32
        %dma_start3A_326 = tpu.memref_slice %arg2[%mul3A_323, %dma_start3A_325] : memref<1000000x32xf32, #tpu.memory_space<hbm>> -> memref<1000x32xf32, #tpu.memory_space<hbm>>
        tpu.enqueue_dma source(%dma_start3A_326 : memref<1000x32xf32, #tpu.memory_space<hbm>>) target(%arg6 : memref<1000x32xf32, #tpu.memory_space<vmem>>) target_semaphore(%run_scoped3A : memref<!tpu.dma_semaphore, #tpu.memory_space<semaphore_mem>>)
        %dma_wait3A = arith.constant 0 : i32
        %dma_wait3A_327 = tpu.memref_slice %arg2[%mul3A_323, %dma_wait3A] : memref<1000000x32xf32, #tpu.memory_space<hbm>> -> memref<1000x32xf32, #tpu.memory_space<hbm>>
        %dma_wait3A_328 = arith.constant 0 : i32
        %dma_wait3A_329 = tpu.memref_slice %arg2[%mul3A_323, %dma_wait3A_328] : memref<1000000x32xf32, #tpu.memory_space<hbm>> -> memref<1000x32xf32, #tpu.memory_space<hbm>>
        tpu.wait_dma2 semaphore(%run_scoped3A : memref<!tpu.dma_semaphore, #tpu.memory_space<semaphore_mem>>) src(%dma_wait3A_329 : memref<1000x32xf32, #tpu.memory_space<hbm>>) dst(%arg6 : memref<1000x32xf32, #tpu.memory_space<vmem>>)
        tpu.yield
      }) : () -> ()
      "tpu.region"() ({
        %run_scoped3A = tpu.sem_alloc : memref<!tpu.dma_semaphore, #tpu.memory_space<semaphore_mem>>
        %dma_start3A = arith.constant 0 : i32
        %dma_start3A_324 = tpu.memref_slice %arg4[%mul3A_323, %dma_start3A] : memref<1000000x32xf32, #tpu.memory_space<hbm>> -> memref<1000x32xf32, #tpu.memory_space<hbm>>
        %dma_start3A_325 = arith.constant 0 : i32
        %dma_start3A_326 = tpu.memref_slice %arg4[%mul3A_323, %dma_start3A_325] : memref<1000000x32xf32, #tpu.memory_space<hbm>> -> memref<1000x32xf32, #tpu.memory_space<hbm>>
        tpu.enqueue_dma source(%arg6 : memref<1000x32xf32, #tpu.memory_space<vmem>>) target(%dma_start3A_326 : memref<1000x32xf32, #tpu.memory_space<hbm>>) target_semaphore(%run_scoped3A : memref<!tpu.dma_semaphore, #tpu.memory_space<semaphore_mem>>)
        %dma_wait3A = arith.constant 0 : i32
        %dma_wait3A_327 = tpu.memref_slice %arg4[%mul3A_323, %dma_wait3A] : memref<1000000x32xf32, #tpu.memory_space<hbm>> -> memref<1000x32xf32, #tpu.memory_space<hbm>>
        %dma_wait3A_328 = arith.constant 0 : i32
        %dma_wait3A_329 = tpu.memref_slice %arg4[%mul3A_323, %dma_wait3A_328] : memref<1000000x32xf32, #tpu.memory_space<hbm>> -> memref<1000x32xf32, #tpu.memory_space<hbm>>
        tpu.wait_dma2 semaphore(%run_scoped3A : memref<!tpu.dma_semaphore, #tpu.memory_space<semaphore_mem>>) src(%arg6 : memref<1000x32xf32, #tpu.memory_space<vmem>>) dst(%dma_wait3A_329 : memref<1000x32xf32, #tpu.memory_space<hbm>>)
        tpu.yield
      }) : () -> ()
    } else {
    }
    %mul3A_187 = arith.constant 32 : i32
    %mul3A_188 = arith.muli %add3A, %mul3A_187 : i32
    %add3A_189 = arith.constant 21 : i32
    %add3A_190 = arith.addi %mul3A_188, %add3A_189 : i32
    %lt3A_191 = arith.constant 1000 : i32
    %lt3A_192 = arith.cmpi slt, %add3A_190, %lt3A_191 : i32
    %convert_element_type3A_193 = arith.extui %lt3A_192 : i1 to i32
    %cond3A_194 = arith.constant 0 : i32
    %cond3A_195 = arith.cmpi ne, %convert_element_type3A_193, %cond3A_194 : i32
    scf.if %cond3A_195 {
      %mul3A_322 = arith.constant 1000 : i32
      %mul3A_323 = arith.muli %add3A_190, %mul3A_322 : i32
      "tpu.region"() ({
        %run_scoped3A = tpu.sem_alloc : memref<!tpu.dma_semaphore, #tpu.memory_space<semaphore_mem>>
        %dma_start3A = arith.constant 0 : i32
        %dma_start3A_324 = tpu.memref_slice %arg2[%mul3A_323, %dma_start3A] : memref<1000000x32xf32, #tpu.memory_space<hbm>> -> memref<1000x32xf32, #tpu.memory_space<hbm>>
        %dma_start3A_325 = arith.constant 0 : i32
        %dma_start3A_326 = tpu.memref_slice %arg2[%mul3A_323, %dma_start3A_325] : memref<1000000x32xf32, #tpu.memory_space<hbm>> -> memref<1000x32xf32, #tpu.memory_space<hbm>>
        tpu.enqueue_dma source(%dma_start3A_326 : memref<1000x32xf32, #tpu.memory_space<hbm>>) target(%arg6 : memref<1000x32xf32, #tpu.memory_space<vmem>>) target_semaphore(%run_scoped3A : memref<!tpu.dma_semaphore, #tpu.memory_space<semaphore_mem>>)
        %dma_wait3A = arith.constant 0 : i32
        %dma_wait3A_327 = tpu.memref_slice %arg2[%mul3A_323, %dma_wait3A] : memref<1000000x32xf32, #tpu.memory_space<hbm>> -> memref<1000x32xf32, #tpu.memory_space<hbm>>
        %dma_wait3A_328 = arith.constant 0 : i32
        %dma_wait3A_329 = tpu.memref_slice %arg2[%mul3A_323, %dma_wait3A_328] : memref<1000000x32xf32, #tpu.memory_space<hbm>> -> memref<1000x32xf32, #tpu.memory_space<hbm>>
        tpu.wait_dma2 semaphore(%run_scoped3A : memref<!tpu.dma_semaphore, #tpu.memory_space<semaphore_mem>>) src(%dma_wait3A_329 : memref<1000x32xf32, #tpu.memory_space<hbm>>) dst(%arg6 : memref<1000x32xf32, #tpu.memory_space<vmem>>)
        tpu.yield
      }) : () -> ()
      "tpu.region"() ({
        %run_scoped3A = tpu.sem_alloc : memref<!tpu.dma_semaphore, #tpu.memory_space<semaphore_mem>>
        %dma_start3A = arith.constant 0 : i32
        %dma_start3A_324 = tpu.memref_slice %arg4[%mul3A_323, %dma_start3A] : memref<1000000x32xf32, #tpu.memory_space<hbm>> -> memref<1000x32xf32, #tpu.memory_space<hbm>>
        %dma_start3A_325 = arith.constant 0 : i32
        %dma_start3A_326 = tpu.memref_slice %arg4[%mul3A_323, %dma_start3A_325] : memref<1000000x32xf32, #tpu.memory_space<hbm>> -> memref<1000x32xf32, #tpu.memory_space<hbm>>
        tpu.enqueue_dma source(%arg6 : memref<1000x32xf32, #tpu.memory_space<vmem>>) target(%dma_start3A_326 : memref<1000x32xf32, #tpu.memory_space<hbm>>) target_semaphore(%run_scoped3A : memref<!tpu.dma_semaphore, #tpu.memory_space<semaphore_mem>>)
        %dma_wait3A = arith.constant 0 : i32
        %dma_wait3A_327 = tpu.memref_slice %arg4[%mul3A_323, %dma_wait3A] : memref<1000000x32xf32, #tpu.memory_space<hbm>> -> memref<1000x32xf32, #tpu.memory_space<hbm>>
        %dma_wait3A_328 = arith.constant 0 : i32
        %dma_wait3A_329 = tpu.memref_slice %arg4[%mul3A_323, %dma_wait3A_328] : memref<1000000x32xf32, #tpu.memory_space<hbm>> -> memref<1000x32xf32, #tpu.memory_space<hbm>>
        tpu.wait_dma2 semaphore(%run_scoped3A : memref<!tpu.dma_semaphore, #tpu.memory_space<semaphore_mem>>) src(%arg6 : memref<1000x32xf32, #tpu.memory_space<vmem>>) dst(%dma_wait3A_329 : memref<1000x32xf32, #tpu.memory_space<hbm>>)
        tpu.yield
      }) : () -> ()
    } else {
    }
    %mul3A_196 = arith.constant 32 : i32
    %mul3A_197 = arith.muli %add3A, %mul3A_196 : i32
    %add3A_198 = arith.constant 22 : i32
    %add3A_199 = arith.addi %mul3A_197, %add3A_198 : i32
    %lt3A_200 = arith.constant 1000 : i32
    %lt3A_201 = arith.cmpi slt, %add3A_199, %lt3A_200 : i32
    %convert_element_type3A_202 = arith.extui %lt3A_201 : i1 to i32
    %cond3A_203 = arith.constant 0 : i32
    %cond3A_204 = arith.cmpi ne, %convert_element_type3A_202, %cond3A_203 : i32
    scf.if %cond3A_204 {
      %mul3A_322 = arith.constant 1000 : i32
      %mul3A_323 = arith.muli %add3A_199, %mul3A_322 : i32
      "tpu.region"() ({
        %run_scoped3A = tpu.sem_alloc : memref<!tpu.dma_semaphore, #tpu.memory_space<semaphore_mem>>
        %dma_start3A = arith.constant 0 : i32
        %dma_start3A_324 = tpu.memref_slice %arg2[%mul3A_323, %dma_start3A] : memref<1000000x32xf32, #tpu.memory_space<hbm>> -> memref<1000x32xf32, #tpu.memory_space<hbm>>
        %dma_start3A_325 = arith.constant 0 : i32
        %dma_start3A_326 = tpu.memref_slice %arg2[%mul3A_323, %dma_start3A_325] : memref<1000000x32xf32, #tpu.memory_space<hbm>> -> memref<1000x32xf32, #tpu.memory_space<hbm>>
        tpu.enqueue_dma source(%dma_start3A_326 : memref<1000x32xf32, #tpu.memory_space<hbm>>) target(%arg6 : memref<1000x32xf32, #tpu.memory_space<vmem>>) target_semaphore(%run_scoped3A : memref<!tpu.dma_semaphore, #tpu.memory_space<semaphore_mem>>)
        %dma_wait3A = arith.constant 0 : i32
        %dma_wait3A_327 = tpu.memref_slice %arg2[%mul3A_323, %dma_wait3A] : memref<1000000x32xf32, #tpu.memory_space<hbm>> -> memref<1000x32xf32, #tpu.memory_space<hbm>>
        %dma_wait3A_328 = arith.constant 0 : i32
        %dma_wait3A_329 = tpu.memref_slice %arg2[%mul3A_323, %dma_wait3A_328] : memref<1000000x32xf32, #tpu.memory_space<hbm>> -> memref<1000x32xf32, #tpu.memory_space<hbm>>
        tpu.wait_dma2 semaphore(%run_scoped3A : memref<!tpu.dma_semaphore, #tpu.memory_space<semaphore_mem>>) src(%dma_wait3A_329 : memref<1000x32xf32, #tpu.memory_space<hbm>>) dst(%arg6 : memref<1000x32xf32, #tpu.memory_space<vmem>>)
        tpu.yield
      }) : () -> ()
      "tpu.region"() ({
        %run_scoped3A = tpu.sem_alloc : memref<!tpu.dma_semaphore, #tpu.memory_space<semaphore_mem>>
        %dma_start3A = arith.constant 0 : i32
        %dma_start3A_324 = tpu.memref_slice %arg4[%mul3A_323, %dma_start3A] : memref<1000000x32xf32, #tpu.memory_space<hbm>> -> memref<1000x32xf32, #tpu.memory_space<hbm>>
        %dma_start3A_325 = arith.constant 0 : i32
        %dma_start3A_326 = tpu.memref_slice %arg4[%mul3A_323, %dma_start3A_325] : memref<1000000x32xf32, #tpu.memory_space<hbm>> -> memref<1000x32xf32, #tpu.memory_space<hbm>>
        tpu.enqueue_dma source(%arg6 : memref<1000x32xf32, #tpu.memory_space<vmem>>) target(%dma_start3A_326 : memref<1000x32xf32, #tpu.memory_space<hbm>>) target_semaphore(%run_scoped3A : memref<!tpu.dma_semaphore, #tpu.memory_space<semaphore_mem>>)
        %dma_wait3A = arith.constant 0 : i32
        %dma_wait3A_327 = tpu.memref_slice %arg4[%mul3A_323, %dma_wait3A] : memref<1000000x32xf32, #tpu.memory_space<hbm>> -> memref<1000x32xf32, #tpu.memory_space<hbm>>
        %dma_wait3A_328 = arith.constant 0 : i32
        %dma_wait3A_329 = tpu.memref_slice %arg4[%mul3A_323, %dma_wait3A_328] : memref<1000000x32xf32, #tpu.memory_space<hbm>> -> memref<1000x32xf32, #tpu.memory_space<hbm>>
        tpu.wait_dma2 semaphore(%run_scoped3A : memref<!tpu.dma_semaphore, #tpu.memory_space<semaphore_mem>>) src(%arg6 : memref<1000x32xf32, #tpu.memory_space<vmem>>) dst(%dma_wait3A_329 : memref<1000x32xf32, #tpu.memory_space<hbm>>)
        tpu.yield
      }) : () -> ()
    } else {
    }
    %mul3A_205 = arith.constant 32 : i32
    %mul3A_206 = arith.muli %add3A, %mul3A_205 : i32
    %add3A_207 = arith.constant 23 : i32
    %add3A_208 = arith.addi %mul3A_206, %add3A_207 : i32
    %lt3A_209 = arith.constant 1000 : i32
    %lt3A_210 = arith.cmpi slt, %add3A_208, %lt3A_209 : i32
    %convert_element_type3A_211 = arith.extui %lt3A_210 : i1 to i32
    %cond3A_212 = arith.constant 0 : i32
    %cond3A_213 = arith.cmpi ne, %convert_element_type3A_211, %cond3A_212 : i32
    scf.if %cond3A_213 {
      %mul3A_322 = arith.constant 1000 : i32
      %mul3A_323 = arith.muli %add3A_208, %mul3A_322 : i32
      "tpu.region"() ({
        %run_scoped3A = tpu.sem_alloc : memref<!tpu.dma_semaphore, #tpu.memory_space<semaphore_mem>>
        %dma_start3A = arith.constant 0 : i32
        %dma_start3A_324 = tpu.memref_slice %arg2[%mul3A_323, %dma_start3A] : memref<1000000x32xf32, #tpu.memory_space<hbm>> -> memref<1000x32xf32, #tpu.memory_space<hbm>>
        %dma_start3A_325 = arith.constant 0 : i32
        %dma_start3A_326 = tpu.memref_slice %arg2[%mul3A_323, %dma_start3A_325] : memref<1000000x32xf32, #tpu.memory_space<hbm>> -> memref<1000x32xf32, #tpu.memory_space<hbm>>
        tpu.enqueue_dma source(%dma_start3A_326 : memref<1000x32xf32, #tpu.memory_space<hbm>>) target(%arg6 : memref<1000x32xf32, #tpu.memory_space<vmem>>) target_semaphore(%run_scoped3A : memref<!tpu.dma_semaphore, #tpu.memory_space<semaphore_mem>>)
        %dma_wait3A = arith.constant 0 : i32
        %dma_wait3A_327 = tpu.memref_slice %arg2[%mul3A_323, %dma_wait3A] : memref<1000000x32xf32, #tpu.memory_space<hbm>> -> memref<1000x32xf32, #tpu.memory_space<hbm>>
        %dma_wait3A_328 = arith.constant 0 : i32
        %dma_wait3A_329 = tpu.memref_slice %arg2[%mul3A_323, %dma_wait3A_328] : memref<1000000x32xf32, #tpu.memory_space<hbm>> -> memref<1000x32xf32, #tpu.memory_space<hbm>>
        tpu.wait_dma2 semaphore(%run_scoped3A : memref<!tpu.dma_semaphore, #tpu.memory_space<semaphore_mem>>) src(%dma_wait3A_329 : memref<1000x32xf32, #tpu.memory_space<hbm>>) dst(%arg6 : memref<1000x32xf32, #tpu.memory_space<vmem>>)
        tpu.yield
      }) : () -> ()
      "tpu.region"() ({
        %run_scoped3A = tpu.sem_alloc : memref<!tpu.dma_semaphore, #tpu.memory_space<semaphore_mem>>
        %dma_start3A = arith.constant 0 : i32
        %dma_start3A_324 = tpu.memref_slice %arg4[%mul3A_323, %dma_start3A] : memref<1000000x32xf32, #tpu.memory_space<hbm>> -> memref<1000x32xf32, #tpu.memory_space<hbm>>
        %dma_start3A_325 = arith.constant 0 : i32
        %dma_start3A_326 = tpu.memref_slice %arg4[%mul3A_323, %dma_start3A_325] : memref<1000000x32xf32, #tpu.memory_space<hbm>> -> memref<1000x32xf32, #tpu.memory_space<hbm>>
        tpu.enqueue_dma source(%arg6 : memref<1000x32xf32, #tpu.memory_space<vmem>>) target(%dma_start3A_326 : memref<1000x32xf32, #tpu.memory_space<hbm>>) target_semaphore(%run_scoped3A : memref<!tpu.dma_semaphore, #tpu.memory_space<semaphore_mem>>)
        %dma_wait3A = arith.constant 0 : i32
        %dma_wait3A_327 = tpu.memref_slice %arg4[%mul3A_323, %dma_wait3A] : memref<1000000x32xf32, #tpu.memory_space<hbm>> -> memref<1000x32xf32, #tpu.memory_space<hbm>>
        %dma_wait3A_328 = arith.constant 0 : i32
        %dma_wait3A_329 = tpu.memref_slice %arg4[%mul3A_323, %dma_wait3A_328] : memref<1000000x32xf32, #tpu.memory_space<hbm>> -> memref<1000x32xf32, #tpu.memory_space<hbm>>
        tpu.wait_dma2 semaphore(%run_scoped3A : memref<!tpu.dma_semaphore, #tpu.memory_space<semaphore_mem>>) src(%arg6 : memref<1000x32xf32, #tpu.memory_space<vmem>>) dst(%dma_wait3A_329 : memref<1000x32xf32, #tpu.memory_space<hbm>>)
        tpu.yield
      }) : () -> ()
    } else {
    }
    %mul3A_214 = arith.constant 32 : i32
    %mul3A_215 = arith.muli %add3A, %mul3A_214 : i32
    %add3A_216 = arith.constant 24 : i32
    %add3A_217 = arith.addi %mul3A_215, %add3A_216 : i32
    %lt3A_218 = arith.constant 1000 : i32
    %lt3A_219 = arith.cmpi slt, %add3A_217, %lt3A_218 : i32
    %convert_element_type3A_220 = arith.extui %lt3A_219 : i1 to i32
    %cond3A_221 = arith.constant 0 : i32
    %cond3A_222 = arith.cmpi ne, %convert_element_type3A_220, %cond3A_221 : i32
    scf.if %cond3A_222 {
      %mul3A_322 = arith.constant 1000 : i32
      %mul3A_323 = arith.muli %add3A_217, %mul3A_322 : i32
      "tpu.region"() ({
        %run_scoped3A = tpu.sem_alloc : memref<!tpu.dma_semaphore, #tpu.memory_space<semaphore_mem>>
        %dma_start3A = arith.constant 0 : i32
        %dma_start3A_324 = tpu.memref_slice %arg2[%mul3A_323, %dma_start3A] : memref<1000000x32xf32, #tpu.memory_space<hbm>> -> memref<1000x32xf32, #tpu.memory_space<hbm>>
        %dma_start3A_325 = arith.constant 0 : i32
        %dma_start3A_326 = tpu.memref_slice %arg2[%mul3A_323, %dma_start3A_325] : memref<1000000x32xf32, #tpu.memory_space<hbm>> -> memref<1000x32xf32, #tpu.memory_space<hbm>>
        tpu.enqueue_dma source(%dma_start3A_326 : memref<1000x32xf32, #tpu.memory_space<hbm>>) target(%arg6 : memref<1000x32xf32, #tpu.memory_space<vmem>>) target_semaphore(%run_scoped3A : memref<!tpu.dma_semaphore, #tpu.memory_space<semaphore_mem>>)
        %dma_wait3A = arith.constant 0 : i32
        %dma_wait3A_327 = tpu.memref_slice %arg2[%mul3A_323, %dma_wait3A] : memref<1000000x32xf32, #tpu.memory_space<hbm>> -> memref<1000x32xf32, #tpu.memory_space<hbm>>
        %dma_wait3A_328 = arith.constant 0 : i32
        %dma_wait3A_329 = tpu.memref_slice %arg2[%mul3A_323, %dma_wait3A_328] : memref<1000000x32xf32, #tpu.memory_space<hbm>> -> memref<1000x32xf32, #tpu.memory_space<hbm>>
        tpu.wait_dma2 semaphore(%run_scoped3A : memref<!tpu.dma_semaphore, #tpu.memory_space<semaphore_mem>>) src(%dma_wait3A_329 : memref<1000x32xf32, #tpu.memory_space<hbm>>) dst(%arg6 : memref<1000x32xf32, #tpu.memory_space<vmem>>)
        tpu.yield
      }) : () -> ()
      "tpu.region"() ({
        %run_scoped3A = tpu.sem_alloc : memref<!tpu.dma_semaphore, #tpu.memory_space<semaphore_mem>>
        %dma_start3A = arith.constant 0 : i32
        %dma_start3A_324 = tpu.memref_slice %arg4[%mul3A_323, %dma_start3A] : memref<1000000x32xf32, #tpu.memory_space<hbm>> -> memref<1000x32xf32, #tpu.memory_space<hbm>>
        %dma_start3A_325 = arith.constant 0 : i32
        %dma_start3A_326 = tpu.memref_slice %arg4[%mul3A_323, %dma_start3A_325] : memref<1000000x32xf32, #tpu.memory_space<hbm>> -> memref<1000x32xf32, #tpu.memory_space<hbm>>
        tpu.enqueue_dma source(%arg6 : memref<1000x32xf32, #tpu.memory_space<vmem>>) target(%dma_start3A_326 : memref<1000x32xf32, #tpu.memory_space<hbm>>) target_semaphore(%run_scoped3A : memref<!tpu.dma_semaphore, #tpu.memory_space<semaphore_mem>>)
        %dma_wait3A = arith.constant 0 : i32
        %dma_wait3A_327 = tpu.memref_slice %arg4[%mul3A_323, %dma_wait3A] : memref<1000000x32xf32, #tpu.memory_space<hbm>> -> memref<1000x32xf32, #tpu.memory_space<hbm>>
        %dma_wait3A_328 = arith.constant 0 : i32
        %dma_wait3A_329 = tpu.memref_slice %arg4[%mul3A_323, %dma_wait3A_328] : memref<1000000x32xf32, #tpu.memory_space<hbm>> -> memref<1000x32xf32, #tpu.memory_space<hbm>>
        tpu.wait_dma2 semaphore(%run_scoped3A : memref<!tpu.dma_semaphore, #tpu.memory_space<semaphore_mem>>) src(%arg6 : memref<1000x32xf32, #tpu.memory_space<vmem>>) dst(%dma_wait3A_329 : memref<1000x32xf32, #tpu.memory_space<hbm>>)
        tpu.yield
      }) : () -> ()
    } else {
    }
    %mul3A_223 = arith.constant 32 : i32
    %mul3A_224 = arith.muli %add3A, %mul3A_223 : i32
    %add3A_225 = arith.constant 25 : i32
    %add3A_226 = arith.addi %mul3A_224, %add3A_225 : i32
    %lt3A_227 = arith.constant 1000 : i32
    %lt3A_228 = arith.cmpi slt, %add3A_226, %lt3A_227 : i32
    %convert_element_type3A_229 = arith.extui %lt3A_228 : i1 to i32
    %cond3A_230 = arith.constant 0 : i32
    %cond3A_231 = arith.cmpi ne, %convert_element_type3A_229, %cond3A_230 : i32
    scf.if %cond3A_231 {
      %mul3A_322 = arith.constant 1000 : i32
      %mul3A_323 = arith.muli %add3A_226, %mul3A_322 : i32
      "tpu.region"() ({
        %run_scoped3A = tpu.sem_alloc : memref<!tpu.dma_semaphore, #tpu.memory_space<semaphore_mem>>
        %dma_start3A = arith.constant 0 : i32
        %dma_start3A_324 = tpu.memref_slice %arg2[%mul3A_323, %dma_start3A] : memref<1000000x32xf32, #tpu.memory_space<hbm>> -> memref<1000x32xf32, #tpu.memory_space<hbm>>
        %dma_start3A_325 = arith.constant 0 : i32
        %dma_start3A_326 = tpu.memref_slice %arg2[%mul3A_323, %dma_start3A_325] : memref<1000000x32xf32, #tpu.memory_space<hbm>> -> memref<1000x32xf32, #tpu.memory_space<hbm>>
        tpu.enqueue_dma source(%dma_start3A_326 : memref<1000x32xf32, #tpu.memory_space<hbm>>) target(%arg6 : memref<1000x32xf32, #tpu.memory_space<vmem>>) target_semaphore(%run_scoped3A : memref<!tpu.dma_semaphore, #tpu.memory_space<semaphore_mem>>)
        %dma_wait3A = arith.constant 0 : i32
        %dma_wait3A_327 = tpu.memref_slice %arg2[%mul3A_323, %dma_wait3A] : memref<1000000x32xf32, #tpu.memory_space<hbm>> -> memref<1000x32xf32, #tpu.memory_space<hbm>>
        %dma_wait3A_328 = arith.constant 0 : i32
        %dma_wait3A_329 = tpu.memref_slice %arg2[%mul3A_323, %dma_wait3A_328] : memref<1000000x32xf32, #tpu.memory_space<hbm>> -> memref<1000x32xf32, #tpu.memory_space<hbm>>
        tpu.wait_dma2 semaphore(%run_scoped3A : memref<!tpu.dma_semaphore, #tpu.memory_space<semaphore_mem>>) src(%dma_wait3A_329 : memref<1000x32xf32, #tpu.memory_space<hbm>>) dst(%arg6 : memref<1000x32xf32, #tpu.memory_space<vmem>>)
        tpu.yield
      }) : () -> ()
      "tpu.region"() ({
        %run_scoped3A = tpu.sem_alloc : memref<!tpu.dma_semaphore, #tpu.memory_space<semaphore_mem>>
        %dma_start3A = arith.constant 0 : i32
        %dma_start3A_324 = tpu.memref_slice %arg4[%mul3A_323, %dma_start3A] : memref<1000000x32xf32, #tpu.memory_space<hbm>> -> memref<1000x32xf32, #tpu.memory_space<hbm>>
        %dma_start3A_325 = arith.constant 0 : i32
        %dma_start3A_326 = tpu.memref_slice %arg4[%mul3A_323, %dma_start3A_325] : memref<1000000x32xf32, #tpu.memory_space<hbm>> -> memref<1000x32xf32, #tpu.memory_space<hbm>>
        tpu.enqueue_dma source(%arg6 : memref<1000x32xf32, #tpu.memory_space<vmem>>) target(%dma_start3A_326 : memref<1000x32xf32, #tpu.memory_space<hbm>>) target_semaphore(%run_scoped3A : memref<!tpu.dma_semaphore, #tpu.memory_space<semaphore_mem>>)
        %dma_wait3A = arith.constant 0 : i32
        %dma_wait3A_327 = tpu.memref_slice %arg4[%mul3A_323, %dma_wait3A] : memref<1000000x32xf32, #tpu.memory_space<hbm>> -> memref<1000x32xf32, #tpu.memory_space<hbm>>
        %dma_wait3A_328 = arith.constant 0 : i32
        %dma_wait3A_329 = tpu.memref_slice %arg4[%mul3A_323, %dma_wait3A_328] : memref<1000000x32xf32, #tpu.memory_space<hbm>> -> memref<1000x32xf32, #tpu.memory_space<hbm>>
        tpu.wait_dma2 semaphore(%run_scoped3A : memref<!tpu.dma_semaphore, #tpu.memory_space<semaphore_mem>>) src(%arg6 : memref<1000x32xf32, #tpu.memory_space<vmem>>) dst(%dma_wait3A_329 : memref<1000x32xf32, #tpu.memory_space<hbm>>)
        tpu.yield
      }) : () -> ()
    } else {
    }
    %mul3A_232 = arith.constant 32 : i32
    %mul3A_233 = arith.muli %add3A, %mul3A_232 : i32
    %add3A_234 = arith.constant 26 : i32
    %add3A_235 = arith.addi %mul3A_233, %add3A_234 : i32
    %lt3A_236 = arith.constant 1000 : i32
    %lt3A_237 = arith.cmpi slt, %add3A_235, %lt3A_236 : i32
    %convert_element_type3A_238 = arith.extui %lt3A_237 : i1 to i32
    %cond3A_239 = arith.constant 0 : i32
    %cond3A_240 = arith.cmpi ne, %convert_element_type3A_238, %cond3A_239 : i32
    scf.if %cond3A_240 {
      %mul3A_322 = arith.constant 1000 : i32
      %mul3A_323 = arith.muli %add3A_235, %mul3A_322 : i32
      "tpu.region"() ({
        %run_scoped3A = tpu.sem_alloc : memref<!tpu.dma_semaphore, #tpu.memory_space<semaphore_mem>>
        %dma_start3A = arith.constant 0 : i32
        %dma_start3A_324 = tpu.memref_slice %arg2[%mul3A_323, %dma_start3A] : memref<1000000x32xf32, #tpu.memory_space<hbm>> -> memref<1000x32xf32, #tpu.memory_space<hbm>>
        %dma_start3A_325 = arith.constant 0 : i32
        %dma_start3A_326 = tpu.memref_slice %arg2[%mul3A_323, %dma_start3A_325] : memref<1000000x32xf32, #tpu.memory_space<hbm>> -> memref<1000x32xf32, #tpu.memory_space<hbm>>
        tpu.enqueue_dma source(%dma_start3A_326 : memref<1000x32xf32, #tpu.memory_space<hbm>>) target(%arg6 : memref<1000x32xf32, #tpu.memory_space<vmem>>) target_semaphore(%run_scoped3A : memref<!tpu.dma_semaphore, #tpu.memory_space<semaphore_mem>>)
        %dma_wait3A = arith.constant 0 : i32
        %dma_wait3A_327 = tpu.memref_slice %arg2[%mul3A_323, %dma_wait3A] : memref<1000000x32xf32, #tpu.memory_space<hbm>> -> memref<1000x32xf32, #tpu.memory_space<hbm>>
        %dma_wait3A_328 = arith.constant 0 : i32
        %dma_wait3A_329 = tpu.memref_slice %arg2[%mul3A_323, %dma_wait3A_328] : memref<1000000x32xf32, #tpu.memory_space<hbm>> -> memref<1000x32xf32, #tpu.memory_space<hbm>>
        tpu.wait_dma2 semaphore(%run_scoped3A : memref<!tpu.dma_semaphore, #tpu.memory_space<semaphore_mem>>) src(%dma_wait3A_329 : memref<1000x32xf32, #tpu.memory_space<hbm>>) dst(%arg6 : memref<1000x32xf32, #tpu.memory_space<vmem>>)
        tpu.yield
      }) : () -> ()
      "tpu.region"() ({
        %run_scoped3A = tpu.sem_alloc : memref<!tpu.dma_semaphore, #tpu.memory_space<semaphore_mem>>
        %dma_start3A = arith.constant 0 : i32
        %dma_start3A_324 = tpu.memref_slice %arg4[%mul3A_323, %dma_start3A] : memref<1000000x32xf32, #tpu.memory_space<hbm>> -> memref<1000x32xf32, #tpu.memory_space<hbm>>
        %dma_start3A_325 = arith.constant 0 : i32
        %dma_start3A_326 = tpu.memref_slice %arg4[%mul3A_323, %dma_start3A_325] : memref<1000000x32xf32, #tpu.memory_space<hbm>> -> memref<1000x32xf32, #tpu.memory_space<hbm>>
        tpu.enqueue_dma source(%arg6 : memref<1000x32xf32, #tpu.memory_space<vmem>>) target(%dma_start3A_326 : memref<1000x32xf32, #tpu.memory_space<hbm>>) target_semaphore(%run_scoped3A : memref<!tpu.dma_semaphore, #tpu.memory_space<semaphore_mem>>)
        %dma_wait3A = arith.constant 0 : i32
        %dma_wait3A_327 = tpu.memref_slice %arg4[%mul3A_323, %dma_wait3A] : memref<1000000x32xf32, #tpu.memory_space<hbm>> -> memref<1000x32xf32, #tpu.memory_space<hbm>>
        %dma_wait3A_328 = arith.constant 0 : i32
        %dma_wait3A_329 = tpu.memref_slice %arg4[%mul3A_323, %dma_wait3A_328] : memref<1000000x32xf32, #tpu.memory_space<hbm>> -> memref<1000x32xf32, #tpu.memory_space<hbm>>
        tpu.wait_dma2 semaphore(%run_scoped3A : memref<!tpu.dma_semaphore, #tpu.memory_space<semaphore_mem>>) src(%arg6 : memref<1000x32xf32, #tpu.memory_space<vmem>>) dst(%dma_wait3A_329 : memref<1000x32xf32, #tpu.memory_space<hbm>>)
        tpu.yield
      }) : () -> ()
    } else {
    }
    %mul3A_241 = arith.constant 32 : i32
    %mul3A_242 = arith.muli %add3A, %mul3A_241 : i32
    %add3A_243 = arith.constant 27 : i32
    %add3A_244 = arith.addi %mul3A_242, %add3A_243 : i32
    %lt3A_245 = arith.constant 1000 : i32
    %lt3A_246 = arith.cmpi slt, %add3A_244, %lt3A_245 : i32
    %convert_element_type3A_247 = arith.extui %lt3A_246 : i1 to i32
    %cond3A_248 = arith.constant 0 : i32
    %cond3A_249 = arith.cmpi ne, %convert_element_type3A_247, %cond3A_248 : i32
    scf.if %cond3A_249 {
      %mul3A_322 = arith.constant 1000 : i32
      %mul3A_323 = arith.muli %add3A_244, %mul3A_322 : i32
      "tpu.region"() ({
        %run_scoped3A = tpu.sem_alloc : memref<!tpu.dma_semaphore, #tpu.memory_space<semaphore_mem>>
        %dma_start3A = arith.constant 0 : i32
        %dma_start3A_324 = tpu.memref_slice %arg2[%mul3A_323, %dma_start3A] : memref<1000000x32xf32, #tpu.memory_space<hbm>> -> memref<1000x32xf32, #tpu.memory_space<hbm>>
        %dma_start3A_325 = arith.constant 0 : i32
        %dma_start3A_326 = tpu.memref_slice %arg2[%mul3A_323, %dma_start3A_325] : memref<1000000x32xf32, #tpu.memory_space<hbm>> -> memref<1000x32xf32, #tpu.memory_space<hbm>>
        tpu.enqueue_dma source(%dma_start3A_326 : memref<1000x32xf32, #tpu.memory_space<hbm>>) target(%arg6 : memref<1000x32xf32, #tpu.memory_space<vmem>>) target_semaphore(%run_scoped3A : memref<!tpu.dma_semaphore, #tpu.memory_space<semaphore_mem>>)
        %dma_wait3A = arith.constant 0 : i32
        %dma_wait3A_327 = tpu.memref_slice %arg2[%mul3A_323, %dma_wait3A] : memref<1000000x32xf32, #tpu.memory_space<hbm>> -> memref<1000x32xf32, #tpu.memory_space<hbm>>
        %dma_wait3A_328 = arith.constant 0 : i32
        %dma_wait3A_329 = tpu.memref_slice %arg2[%mul3A_323, %dma_wait3A_328] : memref<1000000x32xf32, #tpu.memory_space<hbm>> -> memref<1000x32xf32, #tpu.memory_space<hbm>>
        tpu.wait_dma2 semaphore(%run_scoped3A : memref<!tpu.dma_semaphore, #tpu.memory_space<semaphore_mem>>) src(%dma_wait3A_329 : memref<1000x32xf32, #tpu.memory_space<hbm>>) dst(%arg6 : memref<1000x32xf32, #tpu.memory_space<vmem>>)
        tpu.yield
      }) : () -> ()
      "tpu.region"() ({
        %run_scoped3A = tpu.sem_alloc : memref<!tpu.dma_semaphore, #tpu.memory_space<semaphore_mem>>
        %dma_start3A = arith.constant 0 : i32
        %dma_start3A_324 = tpu.memref_slice %arg4[%mul3A_323, %dma_start3A] : memref<1000000x32xf32, #tpu.memory_space<hbm>> -> memref<1000x32xf32, #tpu.memory_space<hbm>>
        %dma_start3A_325 = arith.constant 0 : i32
        %dma_start3A_326 = tpu.memref_slice %arg4[%mul3A_323, %dma_start3A_325] : memref<1000000x32xf32, #tpu.memory_space<hbm>> -> memref<1000x32xf32, #tpu.memory_space<hbm>>
        tpu.enqueue_dma source(%arg6 : memref<1000x32xf32, #tpu.memory_space<vmem>>) target(%dma_start3A_326 : memref<1000x32xf32, #tpu.memory_space<hbm>>) target_semaphore(%run_scoped3A : memref<!tpu.dma_semaphore, #tpu.memory_space<semaphore_mem>>)
        %dma_wait3A = arith.constant 0 : i32
        %dma_wait3A_327 = tpu.memref_slice %arg4[%mul3A_323, %dma_wait3A] : memref<1000000x32xf32, #tpu.memory_space<hbm>> -> memref<1000x32xf32, #tpu.memory_space<hbm>>
        %dma_wait3A_328 = arith.constant 0 : i32
        %dma_wait3A_329 = tpu.memref_slice %arg4[%mul3A_323, %dma_wait3A_328] : memref<1000000x32xf32, #tpu.memory_space<hbm>> -> memref<1000x32xf32, #tpu.memory_space<hbm>>
        tpu.wait_dma2 semaphore(%run_scoped3A : memref<!tpu.dma_semaphore, #tpu.memory_space<semaphore_mem>>) src(%arg6 : memref<1000x32xf32, #tpu.memory_space<vmem>>) dst(%dma_wait3A_329 : memref<1000x32xf32, #tpu.memory_space<hbm>>)
        tpu.yield
      }) : () -> ()
    } else {
    }
    %mul3A_250 = arith.constant 32 : i32
    %mul3A_251 = arith.muli %add3A, %mul3A_250 : i32
    %add3A_252 = arith.constant 28 : i32
    %add3A_253 = arith.addi %mul3A_251, %add3A_252 : i32
    %lt3A_254 = arith.constant 1000 : i32
    %lt3A_255 = arith.cmpi slt, %add3A_253, %lt3A_254 : i32
    %convert_element_type3A_256 = arith.extui %lt3A_255 : i1 to i32
    %cond3A_257 = arith.constant 0 : i32
    %cond3A_258 = arith.cmpi ne, %convert_element_type3A_256, %cond3A_257 : i32
    scf.if %cond3A_258 {
      %mul3A_322 = arith.constant 1000 : i32
      %mul3A_323 = arith.muli %add3A_253, %mul3A_322 : i32
      "tpu.region"() ({
        %run_scoped3A = tpu.sem_alloc : memref<!tpu.dma_semaphore, #tpu.memory_space<semaphore_mem>>
        %dma_start3A = arith.constant 0 : i32
        %dma_start3A_324 = tpu.memref_slice %arg2[%mul3A_323, %dma_start3A] : memref<1000000x32xf32, #tpu.memory_space<hbm>> -> memref<1000x32xf32, #tpu.memory_space<hbm>>
        %dma_start3A_325 = arith.constant 0 : i32
        %dma_start3A_326 = tpu.memref_slice %arg2[%mul3A_323, %dma_start3A_325] : memref<1000000x32xf32, #tpu.memory_space<hbm>> -> memref<1000x32xf32, #tpu.memory_space<hbm>>
        tpu.enqueue_dma source(%dma_start3A_326 : memref<1000x32xf32, #tpu.memory_space<hbm>>) target(%arg6 : memref<1000x32xf32, #tpu.memory_space<vmem>>) target_semaphore(%run_scoped3A : memref<!tpu.dma_semaphore, #tpu.memory_space<semaphore_mem>>)
        %dma_wait3A = arith.constant 0 : i32
        %dma_wait3A_327 = tpu.memref_slice %arg2[%mul3A_323, %dma_wait3A] : memref<1000000x32xf32, #tpu.memory_space<hbm>> -> memref<1000x32xf32, #tpu.memory_space<hbm>>
        %dma_wait3A_328 = arith.constant 0 : i32
        %dma_wait3A_329 = tpu.memref_slice %arg2[%mul3A_323, %dma_wait3A_328] : memref<1000000x32xf32, #tpu.memory_space<hbm>> -> memref<1000x32xf32, #tpu.memory_space<hbm>>
        tpu.wait_dma2 semaphore(%run_scoped3A : memref<!tpu.dma_semaphore, #tpu.memory_space<semaphore_mem>>) src(%dma_wait3A_329 : memref<1000x32xf32, #tpu.memory_space<hbm>>) dst(%arg6 : memref<1000x32xf32, #tpu.memory_space<vmem>>)
        tpu.yield
      }) : () -> ()
      "tpu.region"() ({
        %run_scoped3A = tpu.sem_alloc : memref<!tpu.dma_semaphore, #tpu.memory_space<semaphore_mem>>
        %dma_start3A = arith.constant 0 : i32
        %dma_start3A_324 = tpu.memref_slice %arg4[%mul3A_323, %dma_start3A] : memref<1000000x32xf32, #tpu.memory_space<hbm>> -> memref<1000x32xf32, #tpu.memory_space<hbm>>
        %dma_start3A_325 = arith.constant 0 : i32
        %dma_start3A_326 = tpu.memref_slice %arg4[%mul3A_323, %dma_start3A_325] : memref<1000000x32xf32, #tpu.memory_space<hbm>> -> memref<1000x32xf32, #tpu.memory_space<hbm>>
        tpu.enqueue_dma source(%arg6 : memref<1000x32xf32, #tpu.memory_space<vmem>>) target(%dma_start3A_326 : memref<1000x32xf32, #tpu.memory_space<hbm>>) target_semaphore(%run_scoped3A : memref<!tpu.dma_semaphore, #tpu.memory_space<semaphore_mem>>)
        %dma_wait3A = arith.constant 0 : i32
        %dma_wait3A_327 = tpu.memref_slice %arg4[%mul3A_323, %dma_wait3A] : memref<1000000x32xf32, #tpu.memory_space<hbm>> -> memref<1000x32xf32, #tpu.memory_space<hbm>>
        %dma_wait3A_328 = arith.constant 0 : i32
        %dma_wait3A_329 = tpu.memref_slice %arg4[%mul3A_323, %dma_wait3A_328] : memref<1000000x32xf32, #tpu.memory_space<hbm>> -> memref<1000x32xf32, #tpu.memory_space<hbm>>
        tpu.wait_dma2 semaphore(%run_scoped3A : memref<!tpu.dma_semaphore, #tpu.memory_space<semaphore_mem>>) src(%arg6 : memref<1000x32xf32, #tpu.memory_space<vmem>>) dst(%dma_wait3A_329 : memref<1000x32xf32, #tpu.memory_space<hbm>>)
        tpu.yield
      }) : () -> ()
    } else {
    }
    %mul3A_259 = arith.constant 32 : i32
    %mul3A_260 = arith.muli %add3A, %mul3A_259 : i32
    %add3A_261 = arith.constant 29 : i32
    %add3A_262 = arith.addi %mul3A_260, %add3A_261 : i32
    %lt3A_263 = arith.constant 1000 : i32
    %lt3A_264 = arith.cmpi slt, %add3A_262, %lt3A_263 : i32
    %convert_element_type3A_265 = arith.extui %lt3A_264 : i1 to i32
    %cond3A_266 = arith.constant 0 : i32
    %cond3A_267 = arith.cmpi ne, %convert_element_type3A_265, %cond3A_266 : i32
    scf.if %cond3A_267 {
      %mul3A_322 = arith.constant 1000 : i32
      %mul3A_323 = arith.muli %add3A_262, %mul3A_322 : i32
      "tpu.region"() ({
        %run_scoped3A = tpu.sem_alloc : memref<!tpu.dma_semaphore, #tpu.memory_space<semaphore_mem>>
        %dma_start3A = arith.constant 0 : i32
        %dma_start3A_324 = tpu.memref_slice %arg2[%mul3A_323, %dma_start3A] : memref<1000000x32xf32, #tpu.memory_space<hbm>> -> memref<1000x32xf32, #tpu.memory_space<hbm>>
        %dma_start3A_325 = arith.constant 0 : i32
        %dma_start3A_326 = tpu.memref_slice %arg2[%mul3A_323, %dma_start3A_325] : memref<1000000x32xf32, #tpu.memory_space<hbm>> -> memref<1000x32xf32, #tpu.memory_space<hbm>>
        tpu.enqueue_dma source(%dma_start3A_326 : memref<1000x32xf32, #tpu.memory_space<hbm>>) target(%arg6 : memref<1000x32xf32, #tpu.memory_space<vmem>>) target_semaphore(%run_scoped3A : memref<!tpu.dma_semaphore, #tpu.memory_space<semaphore_mem>>)
        %dma_wait3A = arith.constant 0 : i32
        %dma_wait3A_327 = tpu.memref_slice %arg2[%mul3A_323, %dma_wait3A] : memref<1000000x32xf32, #tpu.memory_space<hbm>> -> memref<1000x32xf32, #tpu.memory_space<hbm>>
        %dma_wait3A_328 = arith.constant 0 : i32
        %dma_wait3A_329 = tpu.memref_slice %arg2[%mul3A_323, %dma_wait3A_328] : memref<1000000x32xf32, #tpu.memory_space<hbm>> -> memref<1000x32xf32, #tpu.memory_space<hbm>>
        tpu.wait_dma2 semaphore(%run_scoped3A : memref<!tpu.dma_semaphore, #tpu.memory_space<semaphore_mem>>) src(%dma_wait3A_329 : memref<1000x32xf32, #tpu.memory_space<hbm>>) dst(%arg6 : memref<1000x32xf32, #tpu.memory_space<vmem>>)
        tpu.yield
      }) : () -> ()
      "tpu.region"() ({
        %run_scoped3A = tpu.sem_alloc : memref<!tpu.dma_semaphore, #tpu.memory_space<semaphore_mem>>
        %dma_start3A = arith.constant 0 : i32
        %dma_start3A_324 = tpu.memref_slice %arg4[%mul3A_323, %dma_start3A] : memref<1000000x32xf32, #tpu.memory_space<hbm>> -> memref<1000x32xf32, #tpu.memory_space<hbm>>
        %dma_start3A_325 = arith.constant 0 : i32
        %dma_start3A_326 = tpu.memref_slice %arg4[%mul3A_323, %dma_start3A_325] : memref<1000000x32xf32, #tpu.memory_space<hbm>> -> memref<1000x32xf32, #tpu.memory_space<hbm>>
        tpu.enqueue_dma source(%arg6 : memref<1000x32xf32, #tpu.memory_space<vmem>>) target(%dma_start3A_326 : memref<1000x32xf32, #tpu.memory_space<hbm>>) target_semaphore(%run_scoped3A : memref<!tpu.dma_semaphore, #tpu.memory_space<semaphore_mem>>)
        %dma_wait3A = arith.constant 0 : i32
        %dma_wait3A_327 = tpu.memref_slice %arg4[%mul3A_323, %dma_wait3A] : memref<1000000x32xf32, #tpu.memory_space<hbm>> -> memref<1000x32xf32, #tpu.memory_space<hbm>>
        %dma_wait3A_328 = arith.constant 0 : i32
        %dma_wait3A_329 = tpu.memref_slice %arg4[%mul3A_323, %dma_wait3A_328] : memref<1000000x32xf32, #tpu.memory_space<hbm>> -> memref<1000x32xf32, #tpu.memory_space<hbm>>
        tpu.wait_dma2 semaphore(%run_scoped3A : memref<!tpu.dma_semaphore, #tpu.memory_space<semaphore_mem>>) src(%arg6 : memref<1000x32xf32, #tpu.memory_space<vmem>>) dst(%dma_wait3A_329 : memref<1000x32xf32, #tpu.memory_space<hbm>>)
        tpu.yield
      }) : () -> ()
    } else {
    }
    %mul3A_268 = arith.constant 32 : i32
    %mul3A_269 = arith.muli %add3A, %mul3A_268 : i32
    %add3A_270 = arith.constant 30 : i32
    %add3A_271 = arith.addi %mul3A_269, %add3A_270 : i32
    %lt3A_272 = arith.constant 1000 : i32
    %lt3A_273 = arith.cmpi slt, %add3A_271, %lt3A_272 : i32
    %convert_element_type3A_274 = arith.extui %lt3A_273 : i1 to i32
    %cond3A_275 = arith.constant 0 : i32
    %cond3A_276 = arith.cmpi ne, %convert_element_type3A_274, %cond3A_275 : i32
    scf.if %cond3A_276 {
      %mul3A_322 = arith.constant 1000 : i32
      %mul3A_323 = arith.muli %add3A_271, %mul3A_322 : i32
      "tpu.region"() ({
        %run_scoped3A = tpu.sem_alloc : memref<!tpu.dma_semaphore, #tpu.memory_space<semaphore_mem>>
        %dma_start3A = arith.constant 0 : i32
        %dma_start3A_324 = tpu.memref_slice %arg2[%mul3A_323, %dma_start3A] : memref<1000000x32xf32, #tpu.memory_space<hbm>> -> memref<1000x32xf32, #tpu.memory_space<hbm>>
        %dma_start3A_325 = arith.constant 0 : i32
        %dma_start3A_326 = tpu.memref_slice %arg2[%mul3A_323, %dma_start3A_325] : memref<1000000x32xf32, #tpu.memory_space<hbm>> -> memref<1000x32xf32, #tpu.memory_space<hbm>>
        tpu.enqueue_dma source(%dma_start3A_326 : memref<1000x32xf32, #tpu.memory_space<hbm>>) target(%arg6 : memref<1000x32xf32, #tpu.memory_space<vmem>>) target_semaphore(%run_scoped3A : memref<!tpu.dma_semaphore, #tpu.memory_space<semaphore_mem>>)
        %dma_wait3A = arith.constant 0 : i32
        %dma_wait3A_327 = tpu.memref_slice %arg2[%mul3A_323, %dma_wait3A] : memref<1000000x32xf32, #tpu.memory_space<hbm>> -> memref<1000x32xf32, #tpu.memory_space<hbm>>
        %dma_wait3A_328 = arith.constant 0 : i32
        %dma_wait3A_329 = tpu.memref_slice %arg2[%mul3A_323, %dma_wait3A_328] : memref<1000000x32xf32, #tpu.memory_space<hbm>> -> memref<1000x32xf32, #tpu.memory_space<hbm>>
        tpu.wait_dma2 semaphore(%run_scoped3A : memref<!tpu.dma_semaphore, #tpu.memory_space<semaphore_mem>>) src(%dma_wait3A_329 : memref<1000x32xf32, #tpu.memory_space<hbm>>) dst(%arg6 : memref<1000x32xf32, #tpu.memory_space<vmem>>)
        tpu.yield
      }) : () -> ()
      "tpu.region"() ({
        %run_scoped3A = tpu.sem_alloc : memref<!tpu.dma_semaphore, #tpu.memory_space<semaphore_mem>>
        %dma_start3A = arith.constant 0 : i32
        %dma_start3A_324 = tpu.memref_slice %arg4[%mul3A_323, %dma_start3A] : memref<1000000x32xf32, #tpu.memory_space<hbm>> -> memref<1000x32xf32, #tpu.memory_space<hbm>>
        %dma_start3A_325 = arith.constant 0 : i32
        %dma_start3A_326 = tpu.memref_slice %arg4[%mul3A_323, %dma_start3A_325] : memref<1000000x32xf32, #tpu.memory_space<hbm>> -> memref<1000x32xf32, #tpu.memory_space<hbm>>
        tpu.enqueue_dma source(%arg6 : memref<1000x32xf32, #tpu.memory_space<vmem>>) target(%dma_start3A_326 : memref<1000x32xf32, #tpu.memory_space<hbm>>) target_semaphore(%run_scoped3A : memref<!tpu.dma_semaphore, #tpu.memory_space<semaphore_mem>>)
        %dma_wait3A = arith.constant 0 : i32
        %dma_wait3A_327 = tpu.memref_slice %arg4[%mul3A_323, %dma_wait3A] : memref<1000000x32xf32, #tpu.memory_space<hbm>> -> memref<1000x32xf32, #tpu.memory_space<hbm>>
        %dma_wait3A_328 = arith.constant 0 : i32
        %dma_wait3A_329 = tpu.memref_slice %arg4[%mul3A_323, %dma_wait3A_328] : memref<1000000x32xf32, #tpu.memory_space<hbm>> -> memref<1000x32xf32, #tpu.memory_space<hbm>>
        tpu.wait_dma2 semaphore(%run_scoped3A : memref<!tpu.dma_semaphore, #tpu.memory_space<semaphore_mem>>) src(%arg6 : memref<1000x32xf32, #tpu.memory_space<vmem>>) dst(%dma_wait3A_329 : memref<1000x32xf32, #tpu.memory_space<hbm>>)
        tpu.yield
      }) : () -> ()
    } else {
    }
    %mul3A_277 = arith.constant 32 : i32
    %mul3A_278 = arith.muli %add3A, %mul3A_277 : i32
    %add3A_279 = arith.constant 31 : i32
    %add3A_280 = arith.addi %mul3A_278, %add3A_279 : i32
    %lt3A_281 = arith.constant 1000 : i32
    %lt3A_282 = arith.cmpi slt, %add3A_280, %lt3A_281 : i32
    %convert_element_type3A_283 = arith.extui %lt3A_282 : i1 to i32
    %cond3A_284 = arith.constant 0 : i32
    %cond3A_285 = arith.cmpi ne, %convert_element_type3A_283, %cond3A_284 : i32
    scf.if %cond3A_285 {
      %mul3A_322 = arith.constant 1000 : i32
      %mul3A_323 = arith.muli %add3A_280, %mul3A_322 : i32
      "tpu.region"() ({
        %run_scoped3A = tpu.sem_alloc : memref<!tpu.dma_semaphore, #tpu.memory_space<semaphore_mem>>
        %dma_start3A = arith.constant 0 : i32
        %dma_start3A_324 = tpu.memref_slice %arg2[%mul3A_323, %dma_start3A] : memref<1000000x32xf32, #tpu.memory_space<hbm>> -> memref<1000x32xf32, #tpu.memory_space<hbm>>
        %dma_start3A_325 = arith.constant 0 : i32
        %dma_start3A_326 = tpu.memref_slice %arg2[%mul3A_323, %dma_start3A_325] : memref<1000000x32xf32, #tpu.memory_space<hbm>> -> memref<1000x32xf32, #tpu.memory_space<hbm>>
        tpu.enqueue_dma source(%dma_start3A_326 : memref<1000x32xf32, #tpu.memory_space<hbm>>) target(%arg6 : memref<1000x32xf32, #tpu.memory_space<vmem>>) target_semaphore(%run_scoped3A : memref<!tpu.dma_semaphore, #tpu.memory_space<semaphore_mem>>)
        %dma_wait3A = arith.constant 0 : i32
        %dma_wait3A_327 = tpu.memref_slice %arg2[%mul3A_323, %dma_wait3A] : memref<1000000x32xf32, #tpu.memory_space<hbm>> -> memref<1000x32xf32, #tpu.memory_space<hbm>>
        %dma_wait3A_328 = arith.constant 0 : i32
        %dma_wait3A_329 = tpu.memref_slice %arg2[%mul3A_323, %dma_wait3A_328] : memref<1000000x32xf32, #tpu.memory_space<hbm>> -> memref<1000x32xf32, #tpu.memory_space<hbm>>
        tpu.wait_dma2 semaphore(%run_scoped3A : memref<!tpu.dma_semaphore, #tpu.memory_space<semaphore_mem>>) src(%dma_wait3A_329 : memref<1000x32xf32, #tpu.memory_space<hbm>>) dst(%arg6 : memref<1000x32xf32, #tpu.memory_space<vmem>>)
        tpu.yield
      }) : () -> ()
      "tpu.region"() ({
        %run_scoped3A = tpu.sem_alloc : memref<!tpu.dma_semaphore, #tpu.memory_space<semaphore_mem>>
        %dma_start3A = arith.constant 0 : i32
        %dma_start3A_324 = tpu.memref_slice %arg4[%mul3A_323, %dma_start3A] : memref<1000000x32xf32, #tpu.memory_space<hbm>> -> memref<1000x32xf32, #tpu.memory_space<hbm>>
        %dma_start3A_325 = arith.constant 0 : i32
        %dma_start3A_326 = tpu.memref_slice %arg4[%mul3A_323, %dma_start3A_325] : memref<1000000x32xf32, #tpu.memory_space<hbm>> -> memref<1000x32xf32, #tpu.memory_space<hbm>>
        tpu.enqueue_dma source(%arg6 : memref<1000x32xf32, #tpu.memory_space<vmem>>) target(%dma_start3A_326 : memref<1000x32xf32, #tpu.memory_space<hbm>>) target_semaphore(%run_scoped3A : memref<!tpu.dma_semaphore, #tpu.memory_space<semaphore_mem>>)
        %dma_wait3A = arith.constant 0 : i32
        %dma_wait3A_327 = tpu.memref_slice %arg4[%mul3A_323, %dma_wait3A] : memref<1000000x32xf32, #tpu.memory_space<hbm>> -> memref<1000x32xf32, #tpu.memory_space<hbm>>
        %dma_wait3A_328 = arith.constant 0 : i32
        %dma_wait3A_329 = tpu.memref_slice %arg4[%mul3A_323, %dma_wait3A_328] : memref<1000000x32xf32, #tpu.memory_space<hbm>> -> memref<1000x32xf32, #tpu.memory_space<hbm>>
        tpu.wait_dma2 semaphore(%run_scoped3A : memref<!tpu.dma_semaphore, #tpu.memory_space<semaphore_mem>>) src(%arg6 : memref<1000x32xf32, #tpu.memory_space<vmem>>) dst(%dma_wait3A_329 : memref<1000x32xf32, #tpu.memory_space<hbm>>)
        tpu.yield
      }) : () -> ()
    } else {
    }
    %mul3A_286 = arith.constant 4 : i32
    %mul3A_287 = arith.muli %add3A, %mul3A_286 : i32
    %add3A_288 = arith.constant 0 : i32
    %add3A_289 = arith.addi %mul3A_287, %add3A_288 : i32
    %lt3A_290 = arith.constant 100 : i32
    %lt3A_291 = arith.cmpi slt, %add3A_289, %lt3A_290 : i32
    %convert_element_type3A_292 = arith.extui %lt3A_291 : i1 to i32
    %cond3A_293 = arith.constant 0 : i32
    %cond3A_294 = arith.cmpi ne, %convert_element_type3A_292, %cond3A_293 : i32
    scf.if %cond3A_294 {
      %mul3A_322 = arith.constant 1000 : i32
      %mul3A_323 = arith.muli %add3A_289, %mul3A_322 : i32
      "tpu.region"() ({
        %run_scoped3A = tpu.sem_alloc : memref<!tpu.dma_semaphore, #tpu.memory_space<semaphore_mem>>
        %dma_start3A = arith.constant 0 : i32
        %dma_start3A_324 = tpu.memref_slice %arg3[%mul3A_323, %dma_start3A] : memref<100000x32xf32, #tpu.memory_space<hbm>> -> memref<1000x32xf32, #tpu.memory_space<hbm>>
        %dma_start3A_325 = arith.constant 0 : i32
        %dma_start3A_326 = tpu.memref_slice %arg3[%mul3A_323, %dma_start3A_325] : memref<100000x32xf32, #tpu.memory_space<hbm>> -> memref<1000x32xf32, #tpu.memory_space<hbm>>
        tpu.enqueue_dma source(%dma_start3A_326 : memref<1000x32xf32, #tpu.memory_space<hbm>>) target(%arg6 : memref<1000x32xf32, #tpu.memory_space<vmem>>) target_semaphore(%run_scoped3A : memref<!tpu.dma_semaphore, #tpu.memory_space<semaphore_mem>>)
        %dma_wait3A = arith.constant 0 : i32
        %dma_wait3A_327 = tpu.memref_slice %arg3[%mul3A_323, %dma_wait3A] : memref<100000x32xf32, #tpu.memory_space<hbm>> -> memref<1000x32xf32, #tpu.memory_space<hbm>>
        %dma_wait3A_328 = arith.constant 0 : i32
        %dma_wait3A_329 = tpu.memref_slice %arg3[%mul3A_323, %dma_wait3A_328] : memref<100000x32xf32, #tpu.memory_space<hbm>> -> memref<1000x32xf32, #tpu.memory_space<hbm>>
        tpu.wait_dma2 semaphore(%run_scoped3A : memref<!tpu.dma_semaphore, #tpu.memory_space<semaphore_mem>>) src(%dma_wait3A_329 : memref<1000x32xf32, #tpu.memory_space<hbm>>) dst(%arg6 : memref<1000x32xf32, #tpu.memory_space<vmem>>)
        tpu.yield
      }) : () -> ()
      "tpu.region"() ({
        %run_scoped3A = tpu.sem_alloc : memref<!tpu.dma_semaphore, #tpu.memory_space<semaphore_mem>>
        %dma_start3A = arith.constant 0 : i32
        %dma_start3A_324 = tpu.memref_slice %arg5[%mul3A_323, %dma_start3A] : memref<100000x32xf32, #tpu.memory_space<hbm>> -> memref<1000x32xf32, #tpu.memory_space<hbm>>
        %dma_start3A_325 = arith.constant 0 : i32
        %dma_start3A_326 = tpu.memref_slice %arg5[%mul3A_323, %dma_start3A_325] : memref<100000x32xf32, #tpu.memory_space<hbm>> -> memref<1000x32xf32, #tpu.memory_space<hbm>>
        tpu.enqueue_dma source(%arg6 : memref<1000x32xf32, #tpu.memory_space<vmem>>) target(%dma_start3A_326 : memref<1000x32xf32, #tpu.memory_space<hbm>>) target_semaphore(%run_scoped3A : memref<!tpu.dma_semaphore, #tpu.memory_space<semaphore_mem>>)
        %dma_wait3A = arith.constant 0 : i32
        %dma_wait3A_327 = tpu.memref_slice %arg5[%mul3A_323, %dma_wait3A] : memref<100000x32xf32, #tpu.memory_space<hbm>> -> memref<1000x32xf32, #tpu.memory_space<hbm>>
        %dma_wait3A_328 = arith.constant 0 : i32
        %dma_wait3A_329 = tpu.memref_slice %arg5[%mul3A_323, %dma_wait3A_328] : memref<100000x32xf32, #tpu.memory_space<hbm>> -> memref<1000x32xf32, #tpu.memory_space<hbm>>
        tpu.wait_dma2 semaphore(%run_scoped3A : memref<!tpu.dma_semaphore, #tpu.memory_space<semaphore_mem>>) src(%arg6 : memref<1000x32xf32, #tpu.memory_space<vmem>>) dst(%dma_wait3A_329 : memref<1000x32xf32, #tpu.memory_space<hbm>>)
        tpu.yield
      }) : () -> ()
    } else {
    }
    %mul3A_295 = arith.constant 4 : i32
    %mul3A_296 = arith.muli %add3A, %mul3A_295 : i32
    %add3A_297 = arith.constant 1 : i32
    %add3A_298 = arith.addi %mul3A_296, %add3A_297 : i32
    %lt3A_299 = arith.constant 100 : i32
    %lt3A_300 = arith.cmpi slt, %add3A_298, %lt3A_299 : i32
    %convert_element_type3A_301 = arith.extui %lt3A_300 : i1 to i32
    %cond3A_302 = arith.constant 0 : i32
    %cond3A_303 = arith.cmpi ne, %convert_element_type3A_301, %cond3A_302 : i32
    scf.if %cond3A_303 {
      %mul3A_322 = arith.constant 1000 : i32
      %mul3A_323 = arith.muli %add3A_298, %mul3A_322 : i32
      "tpu.region"() ({
        %run_scoped3A = tpu.sem_alloc : memref<!tpu.dma_semaphore, #tpu.memory_space<semaphore_mem>>
        %dma_start3A = arith.constant 0 : i32
        %dma_start3A_324 = tpu.memref_slice %arg3[%mul3A_323, %dma_start3A] : memref<100000x32xf32, #tpu.memory_space<hbm>> -> memref<1000x32xf32, #tpu.memory_space<hbm>>
        %dma_start3A_325 = arith.constant 0 : i32
        %dma_start3A_326 = tpu.memref_slice %arg3[%mul3A_323, %dma_start3A_325] : memref<100000x32xf32, #tpu.memory_space<hbm>> -> memref<1000x32xf32, #tpu.memory_space<hbm>>
        tpu.enqueue_dma source(%dma_start3A_326 : memref<1000x32xf32, #tpu.memory_space<hbm>>) target(%arg6 : memref<1000x32xf32, #tpu.memory_space<vmem>>) target_semaphore(%run_scoped3A : memref<!tpu.dma_semaphore, #tpu.memory_space<semaphore_mem>>)
        %dma_wait3A = arith.constant 0 : i32
        %dma_wait3A_327 = tpu.memref_slice %arg3[%mul3A_323, %dma_wait3A] : memref<100000x32xf32, #tpu.memory_space<hbm>> -> memref<1000x32xf32, #tpu.memory_space<hbm>>
        %dma_wait3A_328 = arith.constant 0 : i32
        %dma_wait3A_329 = tpu.memref_slice %arg3[%mul3A_323, %dma_wait3A_328] : memref<100000x32xf32, #tpu.memory_space<hbm>> -> memref<1000x32xf32, #tpu.memory_space<hbm>>
        tpu.wait_dma2 semaphore(%run_scoped3A : memref<!tpu.dma_semaphore, #tpu.memory_space<semaphore_mem>>) src(%dma_wait3A_329 : memref<1000x32xf32, #tpu.memory_space<hbm>>) dst(%arg6 : memref<1000x32xf32, #tpu.memory_space<vmem>>)
        tpu.yield
      }) : () -> ()
      "tpu.region"() ({
        %run_scoped3A = tpu.sem_alloc : memref<!tpu.dma_semaphore, #tpu.memory_space<semaphore_mem>>
        %dma_start3A = arith.constant 0 : i32
        %dma_start3A_324 = tpu.memref_slice %arg5[%mul3A_323, %dma_start3A] : memref<100000x32xf32, #tpu.memory_space<hbm>> -> memref<1000x32xf32, #tpu.memory_space<hbm>>
        %dma_start3A_325 = arith.constant 0 : i32
        %dma_start3A_326 = tpu.memref_slice %arg5[%mul3A_323, %dma_start3A_325] : memref<100000x32xf32, #tpu.memory_space<hbm>> -> memref<1000x32xf32, #tpu.memory_space<hbm>>
        tpu.enqueue_dma source(%arg6 : memref<1000x32xf32, #tpu.memory_space<vmem>>) target(%dma_start3A_326 : memref<1000x32xf32, #tpu.memory_space<hbm>>) target_semaphore(%run_scoped3A : memref<!tpu.dma_semaphore, #tpu.memory_space<semaphore_mem>>)
        %dma_wait3A = arith.constant 0 : i32
        %dma_wait3A_327 = tpu.memref_slice %arg5[%mul3A_323, %dma_wait3A] : memref<100000x32xf32, #tpu.memory_space<hbm>> -> memref<1000x32xf32, #tpu.memory_space<hbm>>
        %dma_wait3A_328 = arith.constant 0 : i32
        %dma_wait3A_329 = tpu.memref_slice %arg5[%mul3A_323, %dma_wait3A_328] : memref<100000x32xf32, #tpu.memory_space<hbm>> -> memref<1000x32xf32, #tpu.memory_space<hbm>>
        tpu.wait_dma2 semaphore(%run_scoped3A : memref<!tpu.dma_semaphore, #tpu.memory_space<semaphore_mem>>) src(%arg6 : memref<1000x32xf32, #tpu.memory_space<vmem>>) dst(%dma_wait3A_329 : memref<1000x32xf32, #tpu.memory_space<hbm>>)
        tpu.yield
      }) : () -> ()
    } else {
    }
    %mul3A_304 = arith.constant 4 : i32
    %mul3A_305 = arith.muli %add3A, %mul3A_304 : i32
    %add3A_306 = arith.constant 2 : i32
    %add3A_307 = arith.addi %mul3A_305, %add3A_306 : i32
    %lt3A_308 = arith.constant 100 : i32
    %lt3A_309 = arith.cmpi slt, %add3A_307, %lt3A_308 : i32
    %convert_element_type3A_310 = arith.extui %lt3A_309 : i1 to i32
    %cond3A_311 = arith.constant 0 : i32
    %cond3A_312 = arith.cmpi ne, %convert_element_type3A_310, %cond3A_311 : i32
    scf.if %cond3A_312 {
      %mul3A_322 = arith.constant 1000 : i32
      %mul3A_323 = arith.muli %add3A_307, %mul3A_322 : i32
      "tpu.region"() ({
        %run_scoped3A = tpu.sem_alloc : memref<!tpu.dma_semaphore, #tpu.memory_space<semaphore_mem>>
        %dma_start3A = arith.constant 0 : i32
        %dma_start3A_324 = tpu.memref_slice %arg3[%mul3A_323, %dma_start3A] : memref<100000x32xf32, #tpu.memory_space<hbm>> -> memref<1000x32xf32, #tpu.memory_space<hbm>>
        %dma_start3A_325 = arith.constant 0 : i32
        %dma_start3A_326 = tpu.memref_slice %arg3[%mul3A_323, %dma_start3A_325] : memref<100000x32xf32, #tpu.memory_space<hbm>> -> memref<1000x32xf32, #tpu.memory_space<hbm>>
        tpu.enqueue_dma source(%dma_start3A_326 : memref<1000x32xf32, #tpu.memory_space<hbm>>) target(%arg6 : memref<1000x32xf32, #tpu.memory_space<vmem>>) target_semaphore(%run_scoped3A : memref<!tpu.dma_semaphore, #tpu.memory_space<semaphore_mem>>)
        %dma_wait3A = arith.constant 0 : i32
        %dma_wait3A_327 = tpu.memref_slice %arg3[%mul3A_323, %dma_wait3A] : memref<100000x32xf32, #tpu.memory_space<hbm>> -> memref<1000x32xf32, #tpu.memory_space<hbm>>
        %dma_wait3A_328 = arith.constant 0 : i32
        %dma_wait3A_329 = tpu.memref_slice %arg3[%mul3A_323, %dma_wait3A_328] : memref<100000x32xf32, #tpu.memory_space<hbm>> -> memref<1000x32xf32, #tpu.memory_space<hbm>>
        tpu.wait_dma2 semaphore(%run_scoped3A : memref<!tpu.dma_semaphore, #tpu.memory_space<semaphore_mem>>) src(%dma_wait3A_329 : memref<1000x32xf32, #tpu.memory_space<hbm>>) dst(%arg6 : memref<1000x32xf32, #tpu.memory_space<vmem>>)
        tpu.yield
      }) : () -> ()
      "tpu.region"() ({
        %run_scoped3A = tpu.sem_alloc : memref<!tpu.dma_semaphore, #tpu.memory_space<semaphore_mem>>
        %dma_start3A = arith.constant 0 : i32
        %dma_start3A_324 = tpu.memref_slice %arg5[%mul3A_323, %dma_start3A] : memref<100000x32xf32, #tpu.memory_space<hbm>> -> memref<1000x32xf32, #tpu.memory_space<hbm>>
        %dma_start3A_325 = arith.constant 0 : i32
        %dma_start3A_326 = tpu.memref_slice %arg5[%mul3A_323, %dma_start3A_325] : memref<100000x32xf32, #tpu.memory_space<hbm>> -> memref<1000x32xf32, #tpu.memory_space<hbm>>
        tpu.enqueue_dma source(%arg6 : memref<1000x32xf32, #tpu.memory_space<vmem>>) target(%dma_start3A_326 : memref<1000x32xf32, #tpu.memory_space<hbm>>) target_semaphore(%run_scoped3A : memref<!tpu.dma_semaphore, #tpu.memory_space<semaphore_mem>>)
        %dma_wait3A = arith.constant 0 : i32
        %dma_wait3A_327 = tpu.memref_slice %arg5[%mul3A_323, %dma_wait3A] : memref<100000x32xf32, #tpu.memory_space<hbm>> -> memref<1000x32xf32, #tpu.memory_space<hbm>>
        %dma_wait3A_328 = arith.constant 0 : i32
        %dma_wait3A_329 = tpu.memref_slice %arg5[%mul3A_323, %dma_wait3A_328] : memref<100000x32xf32, #tpu.memory_space<hbm>> -> memref<1000x32xf32, #tpu.memory_space<hbm>>
        tpu.wait_dma2 semaphore(%run_scoped3A : memref<!tpu.dma_semaphore, #tpu.memory_space<semaphore_mem>>) src(%arg6 : memref<1000x32xf32, #tpu.memory_space<vmem>>) dst(%dma_wait3A_329 : memref<1000x32xf32, #tpu.memory_space<hbm>>)
        tpu.yield
      }) : () -> ()
    } else {
    }
    %mul3A_313 = arith.constant 4 : i32
    %mul3A_314 = arith.muli %add3A, %mul3A_313 : i32
    %add3A_315 = arith.constant 3 : i32
    %add3A_316 = arith.addi %mul3A_314, %add3A_315 : i32
    %lt3A_317 = arith.constant 100 : i32
    %lt3A_318 = arith.cmpi slt, %add3A_316, %lt3A_317 : i32
    %convert_element_type3A_319 = arith.extui %lt3A_318 : i1 to i32
    %cond3A_320 = arith.constant 0 : i32
    %cond3A_321 = arith.cmpi ne, %convert_element_type3A_319, %cond3A_320 : i32
    scf.if %cond3A_321 {
      %mul3A_322 = arith.constant 1000 : i32
      %mul3A_323 = arith.muli %add3A_316, %mul3A_322 : i32
      "tpu.region"() ({
        %run_scoped3A = tpu.sem_alloc : memref<!tpu.dma_semaphore, #tpu.memory_space<semaphore_mem>>
        %dma_start3A = arith.constant 0 : i32
        %dma_start3A_324 = tpu.memref_slice %arg3[%mul3A_323, %dma_start3A] : memref<100000x32xf32, #tpu.memory_space<hbm>> -> memref<1000x32xf32, #tpu.memory_space<hbm>>
        %dma_start3A_325 = arith.constant 0 : i32
        %dma_start3A_326 = tpu.memref_slice %arg3[%mul3A_323, %dma_start3A_325] : memref<100000x32xf32, #tpu.memory_space<hbm>> -> memref<1000x32xf32, #tpu.memory_space<hbm>>
        tpu.enqueue_dma source(%dma_start3A_326 : memref<1000x32xf32, #tpu.memory_space<hbm>>) target(%arg6 : memref<1000x32xf32, #tpu.memory_space<vmem>>) target_semaphore(%run_scoped3A : memref<!tpu.dma_semaphore, #tpu.memory_space<semaphore_mem>>)
        %dma_wait3A = arith.constant 0 : i32
        %dma_wait3A_327 = tpu.memref_slice %arg3[%mul3A_323, %dma_wait3A] : memref<100000x32xf32, #tpu.memory_space<hbm>> -> memref<1000x32xf32, #tpu.memory_space<hbm>>
        %dma_wait3A_328 = arith.constant 0 : i32
        %dma_wait3A_329 = tpu.memref_slice %arg3[%mul3A_323, %dma_wait3A_328] : memref<100000x32xf32, #tpu.memory_space<hbm>> -> memref<1000x32xf32, #tpu.memory_space<hbm>>
        tpu.wait_dma2 semaphore(%run_scoped3A : memref<!tpu.dma_semaphore, #tpu.memory_space<semaphore_mem>>) src(%dma_wait3A_329 : memref<1000x32xf32, #tpu.memory_space<hbm>>) dst(%arg6 : memref<1000x32xf32, #tpu.memory_space<vmem>>)
        tpu.yield
      }) : () -> ()
      "tpu.region"() ({
        %run_scoped3A = tpu.sem_alloc : memref<!tpu.dma_semaphore, #tpu.memory_space<semaphore_mem>>
        %dma_start3A = arith.constant 0 : i32
        %dma_start3A_324 = tpu.memref_slice %arg5[%mul3A_323, %dma_start3A] : memref<100000x32xf32, #tpu.memory_space<hbm>> -> memref<1000x32xf32, #tpu.memory_space<hbm>>
        %dma_start3A_325 = arith.constant 0 : i32
        %dma_start3A_326 = tpu.memref_slice %arg5[%mul3A_323, %dma_start3A_325] : memref<100000x32xf32, #tpu.memory_space<hbm>> -> memref<1000x32xf32, #tpu.memory_space<hbm>>
        tpu.enqueue_dma source(%arg6 : memref<1000x32xf32, #tpu.memory_space<vmem>>) target(%dma_start3A_326 : memref<1000x32xf32, #tpu.memory_space<hbm>>) target_semaphore(%run_scoped3A : memref<!tpu.dma_semaphore, #tpu.memory_space<semaphore_mem>>)
        %dma_wait3A = arith.constant 0 : i32
        %dma_wait3A_327 = tpu.memref_slice %arg5[%mul3A_323, %dma_wait3A] : memref<100000x32xf32, #tpu.memory_space<hbm>> -> memref<1000x32xf32, #tpu.memory_space<hbm>>
        %dma_wait3A_328 = arith.constant 0 : i32
        %dma_wait3A_329 = tpu.memref_slice %arg5[%mul3A_323, %dma_wait3A_328] : memref<100000x32xf32, #tpu.memory_space<hbm>> -> memref<1000x32xf32, #tpu.memory_space<hbm>>
        tpu.wait_dma2 semaphore(%run_scoped3A : memref<!tpu.dma_semaphore, #tpu.memory_space<semaphore_mem>>) src(%arg6 : memref<1000x32xf32, #tpu.memory_space<vmem>>) dst(%dma_wait3A_329 : memref<1000x32xf32, #tpu.memory_space<hbm>>)
        tpu.yield
      }) : () -> ()
    } else {
    }
    return
  }
}

</mosaic_0001>

<sc_bundles>
// kernel: kernel.3.cloned.1.call-start
scs
__scs_entry_jumppad:
0x0: {  	(pc) =	sbr.rel $0x88, $3  }
0x1: {  	(tag) =	ssettag $0x0;
	lr =	simm.s32 $0x1  }
0x2: {  	[smem:$0x3F9F] =	sst lr;
	_ =	strace $0xD0000000  }
0x3: {  	_ = 	snop  }
0x4: {  	_ = 	snop  }
0x5: {  	_ = 	snop  }
0x6: {  	_ = 	snop  }
0x7: {  	_ = 	snop  }
__scs_overlays_trampoline_lowered:
0x8: {  	[smem:$0x3FAE] =	sst s0  }
0x9: {  	[smem:$0x3FAF] =	sst s1  }
0xa: {  	[smem:$0x3FB0] =	sst s2  }
0xb: {  	[smem:$0x3FB1] =	sst s3  }
0xc: {  	[smem:$0x3FB2] =	sst s4  }
0xd: {  	[smem:$0x3FB3] =	sst s5  }
0xe: {  	[smem:$0x3FB4] =	sst s6  }
0xf: {  	[smem:$0x3FB5] =	sst s7  }
0x10: {  	[smem:$0x3FB6] =	sst s8  }
0x11: {  	[smem:$0x3FB7] =	sst s9;
	s0 =	simm.s32 @!p0 $0x0  }
0x12: {  	s1 =	sld [smem:$0x3F9D];
	s0 =	simm.s32 @p0 $0x1  }
0x13: {  	[smem:$0x3FB8] =	sst s0;
	s0 =	simm.s32 @!p1 $0x0  }
0x14: {  	s2 =	sld [smem:$0x3F9C];
	s0 =	simm.s32 @p1 $0x1  }
0x15: {  	[smem:$0x3FB9] =	sst s0;
	s0 =	simm.s32 @!p2 $0x0  }
0x16: {  	s3 =	sld [smem:$0x3FDB];
	s0 =	simm.s32 @p2 $0x1  }
0x17: {  	s4 =	simm.s32 $0x1BF5;
	[smem:$0x3FBB] =	sst s0  }
0x18: {  	s0 =	sld [smem:$0x3F9E];
	_ =	swait.ge [sflag:s4], $0x0  }
0x19: {  	s7 =	sld [smem:$0x3F9F]  }
0x1a: {  	s8 =	sadd.s32 $0xFFFFE003, lr  }
0x1b: {  	s9 =	sadd.s32 $0xFFFFFEF7, lr;
	s5 =	simm.s32 $0xFFFFFFFF;
	p2 =	slt.u32 s8, $0xFFFFF086  }
0x1c: {  	p1 =	slt.u32 s9, $0xF7A;
	s5 =	simm.s32 @!p2 $0x0  }
0x1d: {  	s5 =	simm.s32 @p1 $0x1;
	p0 =	seq.s32 s7, s2  }
0x1e: {  	s7 =	smul.u32 @!p0 $0xF7A, s2;
	p2 =	seq.s32 @!p0 s5, $0x0  }
0x1f: {  	s9 =	smul.u32 $0xF7A, s1;
	s8 =	simm.s32 @!p0 $0x1BF5;
	p2 =	por !p2, p0  }
0x20: {  	[sflag:s8] =	ssyncset.s32 @!p0 $0xFFFFF086;
	s6 =	sadd.s32 @!p0 s3, s7;
	s7 =	simm.s32 @!p0 $0x108  }
0x21: {  	s3 =	sadd.s32 s3, s9;
	s6 =	sadd.s32 @!p0 $0x88, s6;
	s7 =	simm.s32 @p2 $0x1082  }
0x22: {  	[simem:s7], [sflag:s8] =	dma.local @!p0 [hbm:s6], $0xF7A  }
0x23: {  	s9 =	sor.u32 $0xD0000000, s2;
	s6 =	simm.s32 $0x108;
	_ =	swait.ge @!p0 [sflag:s8], $0x0  }
0x24: {  	s3 =	sadd.s32 $0x88, s3;
	s6 =	simm.s32 @!p1 $0x1082;
	[sflag:s4] =	ssyncset.s32 $0xFFFFF086  }
0x25: {  	[simem:s6], [sflag:s4] =	dma.local [hbm:s3], $0xF7A  }
0x26: {  	[smem:$0x3F9F] =	sst s1;
	(tag) =	ssettag s2;
	_ =	strace s9  }
0x27: {  	s1 =	sld [smem:$0x3FAF]  }
0x28: {  	s2 =	sld [smem:$0x3FB0]  }
0x29: {  	s4 =	sld [smem:$0x3FB2]  }
0x2a: {  	p0 =	seq.s32 s5, $0x0;
	s5 =	sld [smem:$0x3FB3]  }
0x2b: {  	s6 =	sld [smem:$0x3FB4]  }
0x2c: {  	s7 =	sld [smem:$0x3FB5]  }
0x2d: {  	s3 =	simm.s32 $0x108;
	s8 =	sld [smem:$0x3FB6]  }
0x2e: {  	s3 =	simm.s32 @!p0 $0x1082;
	s9 =	sld [smem:$0x3FB7]  }
0x2f: {  	lr =	sadd.s32 s0, s3;
	s0 =	sld [smem:$0x3FAE]  }
0x30: {  	s3 =	sld [smem:$0x3FB1]  }
0x31: {  	[smem:$0x3FBA] =	sst s10  }
0x32: {  	s10 =	sld [smem:$0x3FB8];
	_ =	sdelay $0x3  }
0x33: {  	p0 =	seq.s32 s10, $0x1;
	s10 =	sld [smem:$0x3FBA];
	_ =	sdelay $0x3  }
0x34: {  	[smem:$0x3FBA] =	sst s10  }
0x35: {  	s10 =	sld [smem:$0x3FB9];
	_ =	sdelay $0x3  }
0x36: {  	p1 =	seq.s32 s10, $0x1;
	s10 =	sld [smem:$0x3FBA];
	_ =	sdelay $0x3  }
0x37: {  	[smem:$0x3FBA] =	sst s10  }
0x38: {  	s10 =	sld [smem:$0x3FBB]  }
0x39: {  	_ = 	snop;
	(pc) =	sbr.ind lr, $3  }
0x3a: {  	_ = 	snop  }
0x3b: {  	_ = 	snop  }
0x3c: {  	p2 =	seq.s32 s10, $0x1;
	s10 =	sld [smem:$0x3FBA]  }
0x3d: {  	_ =	shalt  }
0x3e: {  	_ =	shalt  }
0x3f: {  	_ =	shalt  }
0x40: {  	_ =	shalt  }
0x41: {  	_ =	shalt  }
0x42: {  	_ =	shalt  }
0x43: {  	_ =	shalt  }
0x44: {  	_ =	shalt  }
0x45: {  	_ =	shalt  }
0x46: {  	_ =	shalt  }
0x47: {  	_ =	shalt  }
0x48: {  	_ =	shalt  }
0x49: {  	_ =	shalt  }
0x4a: {  	_ =	shalt  }
0x4b: {  	_ =	shalt  }
0x4c: {  	_ =	shalt  }
0x4d: {  	_ =	shalt  }
0x4e: {  	_ =	shalt  }
0x4f: {  	_ =	shalt  }
0x50: {  	_ =	shalt  }
0x51: {  	_ =	shalt  }
0x52: {  	_ =	shalt  }
0x53: {  	_ =	shalt  }
0x54: {  	_ =	shalt  }
0x55: {  	_ =	shalt  }
0x56: {  	_ =	shalt  }
0x57: {  	_ =	shalt  }
0x58: {  	_ =	shalt  }
0x59: {  	_ =	shalt  }
0x5a: {  	_ =	shalt  }
0x5b: {  	_ =	shalt  }
0x5c: {  	_ =	shalt  }
0x5d: {  	_ =	shalt  }
0x5e: {  	_ =	shalt  }
0x5f: {  	_ =	shalt  }
0x60: {  	_ =	shalt  }
0x61: {  	_ =	shalt  }
0x62: {  	_ =	shalt  }
0x63: {  	_ =	shalt  }
0x64: {  	_ =	shalt  }
0x65: {  	_ =	shalt  }
0x66: {  	_ =	shalt  }
0x67: {  	_ =	shalt  }
0x68: {  	_ =	shalt  }
0x69: {  	_ =	shalt  }
0x6a: {  	_ =	shalt  }
0x6b: {  	_ =	shalt  }
0x6c: {  	_ =	shalt  }
0x6d: {  	_ =	shalt  }
0x6e: {  	_ =	shalt  }
0x6f: {  	_ =	shalt  }
0x70: {  	_ =	shalt  }
0x71: {  	_ =	shalt  }
0x72: {  	_ =	shalt  }
0x73: {  	_ =	shalt  }
0x74: {  	_ =	shalt  }
0x75: {  	_ =	shalt  }
0x76: {  	_ =	shalt  }
0x77: {  	_ =	shalt  }
0x78: {  	_ =	shalt  }
0x79: {  	_ =	shalt  }
0x7a: {  	_ =	shalt  }
0x7b: {  	_ =	shalt  }
0x7c: {  	_ =	shalt  }
0x7d: {  	_ =	shalt  }
0x7e: {  	_ =	shalt  }
0x7f: {  	_ =	shalt  }
0x80: {  	_ =	shalt  }
0x81: {  	_ =	shalt  }
0x82: {  	_ =	shalt  }
0x83: {  	_ =	shalt  }
0x84: {  	_ =	shalt  }
0x85: {  	_ =	shalt  }
0x86: {  	_ =	shalt  }
0x87: {  	_ =	shalt  }
.Lfunc_end0:
.L_simem_size_0:
called_computation_lowered:
.L_overlay_start_0:
0x88: {  	s2 =	sld [smem:$0x3FD9]  }
0x89: {  	s3 =	sld [smem:$0x3FFE];
	_ =	sdelay $0x1  }
0x8a: {  	s1 =	srdreg.scid  }
0x8b: {  	s0 =	sand.u32 $0x1, s1  }
0x8c: {  	s14 =	sshll.u32 s0, $0xA;
	s2 =	sadd.s32 s3, s2  }
0x8d: {  	s2 =	sadd.s32 s2, s14  }
0x8e: {  	[smem:$0x3FC6] =	sst s2  }
0x8f: {  	_ = 	snop  }
0x90: {  	s2 =	sld [smem:$0x3FD0];
	_ =	sdelay $0x2  }
0x91: {  	s15 =	simm.s32 $0xA;
	s4 =	simm.s32 $0x10  }
0x92: {  	[smem:s4], [sflag:s15] =	dma.local [hbm:s2], $0x1  }
0x93: {  	_ =	swait.eq [sflag:s15], $0x1  }
0x94: {  	[sflag:s15] =	ssyncset.done $0x0  }
0x95: {  	[sflag:s15] =	ssyncadd.s32 $0xFFFFFFFF  }
0x96: {  	s16 =	sld [smem:$0x10];
	(tm) =	ssettm $0x1  }
0x97: {  	s17 =	sld [smem:$0x3FFB];
	_ =	sdelay $0x3  }
0x98: {  	_ =	strace s17  }
0x99: {  	s3 =	sld [smem:$0x3FFC];
	_ =	sdelay $0x3  }
0x9a: {  	_ =	strace s3  }
0x9b: {  	s3 =	sld [smem:$0x3FFD];
	_ =	sdelay $0x3  }
0x9c: {  	_ =	strace s3  }
0x9d: {  	_ =	strace $0x8FFFFFFF  }
0x9e: {  	s18 =	sld [smem:$0x3FDB];
	_ =	sdelay $0x1  }
0x9f: {  	s19 =	simm.s32 $_scs_section_size  }
0xa0: {  	s5 =	simm.s32 $_size__tile_overlayer_lowered;
	s6 =	simm.s32 $_tile_overlayer_lowered  }
0xa1: {  	s22 =	simm.s32 $0x1BFF;
	s21 =	sshll.u32 s6, $0x1;
	s3 =	sadd.s32 s19, s18  }
0xa2: {  	s7 =	simm.s32 $0x0;
	s20 =	sshll.u32 s5, $0x1;
	s5 =	sadd.s32 s21, s3  }
0xa3: {  	[timem:s7], [sflag:s22] =	dma.local [hbm:s5], s20  }
0xa4: {  	_ =	swait.ge [sflag:s22], s20  }
0xa5: {  	s4 =	ssub.s32 $0x0, s20;
	[sflag:s22] =	ssyncset.done $0x0  }
0xa6: {  	[sflag:s22] =	ssyncadd.s32 s4;
	_ =	sdelay $0x1  }
0xa7: {  	s23 =	simm.s32 $0x1B8B  }
0xa8: {  	_ =	swait.ge [sflag:s23], $0x1  }
0xa9: {  	[sflag:s23] =	ssyncset.done $0x0  }
0xaa: {  	s25 =	simm.s32 $0x1B8E;
	s24 =	sld [smem:$0x3FFE];
	[sflag:s23] =	ssyncadd.s32 $0xFFFFFFFF  }
0xab: {  	s26 =	simm.s32 $execute0_lowered;
	[smem:$0x3FD2] =	sst s25  }
0xac: {  	s5 =	sshll.u32 s26, $0x1;
	_ =	strace $0x80000046;
	[dreg:$0x1] =	wrdreg $0xFFFFFFFF  }
0xad: {  	s28 =	simm.s32 $_size_execute0_lowered;
	s3 =	sadd.s32 s3, s5;
	[dreg:$0x0] =	wrdreg $0x0  }
0xae: {  	s5 =	sshll.u32 s28, $0x1;
	[dreg:$0x2] =	wrdreg s3  }
0xaf: {  	[dreg:$0x3] =	wrdreg s5  }
0xb0: {  	[dreg:$0x4] =	wrdreg $0xC0  }
0xb1: {  	_ =	task [dreg:s7], $0x5FFFF  }
0xb2: {  	[dreg:$0x1] =	wrdreg $0xFFFFFFFF  }
0xb3: {  	[dreg:$0x0] =	wrdreg $0x60  }
0xb4: {  	[dreg:$0x2] =	wrdreg s24  }
0xb5: {  	[dreg:$0x3] =	wrdreg s16  }
0xb6: {  	[dreg:$0x4] =	wrdreg $0x9  }
0xb7: {  	_ =	task.clear_ibuf [dreg:s7], $0x5FFFF;
	_ =	strace $0x90000046  }
0xb8: {  	s29 =	simm.s32 $0x9;
	_ =	strace $0x80000048  }
0xb9: {  	_ =	swait.ge [sflag:s29], $0x1  }
0xba: {  	[sflag:s29] =	ssyncadd.s32 $0xFFFFFFFF  }
0xbb: {  	_ =	strace $0x90000048  }
0xbc: {  	_ =	sfence  }
0xbd: {  	s30 =	sld [smem:$0x0];
	_ =	sdelay $0x2  }
0xbe: {  	s31 =	sshll.u32 s1, $0xD;
	s1 =	sshrl.u32 s1, $0x2  }
0xbf: {  	s3 =	sand.u32 $0x4000, s31;
	s1 =	sadd.s32 s1, s30  }
0xc0: {  	s0 =	sor.u32 s3, s0;
	s1 =	sshll.u32 s1, $0x11  }
0xc1: {  	s0 =	sor.u32 s1, s0  }
0xc2: {  	s0 =	sadd.s32 $0x8F2B, s0  }
0xc3: {  	[sflag:s0] =	ssyncadd.remote.s32 $0x1  }
0xc4: {  	_ =	sfence.sel $0xFFFF  }
0xc5: {  	[dreg:$0x0] =	wrdreg $0xFFFFFFFF;
	(pc) =	sbr.abs _section_cstart, $3  }
0xc6: {  	[dreg:$0x1] =	wrdreg $0xFFFFFFFF  }
0xc7: {  	_ =	task.clear_ibuf [dreg:s7], $0x2FFFF;
	_ =	strace $0x9FFFFFFF  }
0xc8: {  	(tm) =	ssettm $0x7FFFFFFF  }
0xc9: {  	_ =	shalt  }
tec
execute0_lowered:
.L_overlay_start_1:
0x0: {  	(tag) =	ssettag $0x1  }
0x1: {  	s0 =	srdreg.scid;
	s1 =	stileid.u32  }
0x2: {  	s2 =	sand.u32 $0x1, s0;
	s11 =	sshll.u32 s1, $0x1  }
0x3: {  	s3 =	rddreg [dreg:$0x0];
	s5 =	sor.u32 s2, s11  }
0x4: {  	[smem:$0x7E6] =	sst s2;
	s2 =	simm.s32 $0x0;
	s0 =	smul.u32 $0x7D000, s5  }
0x5: {  	s7 =	sadd.s32 $0x800, s3;
	[smem:$0x7FF] =	sst s2;
	s8 =	smul.u32 $0x3E8000, s5  }
0x6: {  	s6 =	sadd.s32 $0xF42C00, s3;
	_ =	strace $0x80000047  }
0x7: {  	s9 =	sadd.s32 s7, s0;
	s8 =	sshrl.u32 s8, $0x3;
	[smem:$0x7E1] =	sst s0  }
0x8: {  	s12 =	sadd.s32 s6, s0;
	[dreg:$0x3] =	wrdreg s9;
	s10 =	sadd.s32 $0x3E80, s8  }
0x9: {  	[dreg:$0x4] =	wrdreg s12;
	s13 =	sadd.s32 s7, s10  }
0xa: {  	s15 =	sadd.s32 $0x7D00, s8;
	s14 =	sadd.s32 s6, s10;
	[dreg:$0x5] =	wrdreg s13  }
0xb: {  	s16 =	sadd.s32 s7, s15;
	[dreg:$0x6] =	wrdreg s14  }
0xc: {  	s18 =	sadd.s32 $0xBB80, s8;
	s17 =	sadd.s32 s6, s15;
	[dreg:$0x7] =	wrdreg s16  }
0xd: {  	s19 =	sadd.s32 s7, s18;
	[dreg:$0x8] =	wrdreg s17  }
0xe: {  	s21 =	sadd.s32 $0xFA00, s8;
	s20 =	sadd.s32 s6, s18;
	[dreg:$0x9] =	wrdreg s19  }
0xf: {  	s22 =	sadd.s32 s7, s21;
	[dreg:$0xa] =	wrdreg s20  }
0x10: {  	s24 =	sadd.s32 $0x13880, s8;
	s23 =	sadd.s32 s6, s21;
	[dreg:$0xb] =	wrdreg s22  }
0x11: {  	s25 =	sadd.s32 s7, s24;
	[dreg:$0xc] =	wrdreg s23  }
0x12: {  	s28 =	sadd.s32 $0x17700, s8;
	s26 =	sadd.s32 s6, s24;
	[dreg:$0xd] =	wrdreg s25  }
0x13: {  	s8 =	sadd.s32 $0x1B580, s8;
	s29 =	sadd.s32 s7, s28;
	[dreg:$0xe] =	wrdreg s26  }
0x14: {  	s12 =	sadd.s32 $0x1F400, s0;
	s30 =	sadd.s32 s6, s28;
	[dreg:$0xf] =	wrdreg s29  }
0x15: {  	s31 =	sadd.s32 s7, s8;
	s18 =	sshll.u32 s5, $0x5;
	[dreg:$0x10] =	wrdreg s30  }
0x16: {  	s1 =	sadd.s32 s6, s8;
	[dreg:$0x11] =	wrdreg s31;
	s8 =	sor.u32 $0x9, s18  }
0x17: {  	s3 =	sadd.s32 s7, s12;
	[dreg:$0x12] =	wrdreg s1;
	s4 =	smul.u32 $0x3E80, s8  }
0x18: {  	s11 =	sadd.s32 s6, s12;
	[dreg:$0x13] =	wrdreg s3;
	s9 =	sor.u32 $0xA, s18  }
0x19: {  	[dreg:$0x14] =	wrdreg s11;
	s13 =	smul.u32 $0x3E80, s9;
	s14 =	sadd.s32 s7, s4  }
0x1a: {  	s10 =	sor.u32 $0xB, s18;
	s15 =	sadd.s32 s6, s4;
	[dreg:$0x15] =	wrdreg s14  }
0x1b: {  	s16 =	sadd.s32 s7, s13;
	[dreg:$0x16] =	wrdreg s15;
	s14 =	smul.u32 $0x3E80, s10  }
0x1c: {  	s11 =	sor.u32 $0xC, s18;
	s13 =	sadd.s32 s6, s13;
	[dreg:$0x17] =	wrdreg s16  }
0x1d: {  	[dreg:$0x18] =	wrdreg s13;
	s15 =	smul.u32 $0x3E80, s11;
	s17 =	sadd.s32 s7, s14  }
0x1e: {  	s13 =	sor.u32 $0xD, s18;
	s14 =	sadd.s32 s6, s14;
	[dreg:$0x19] =	wrdreg s17  }
0x1f: {  	s16 =	smul.u32 $0x3E80, s13;
	s19 =	sadd.s32 s7, s15;
	[dreg:$0x1a] =	wrdreg s14  }
0x20: {  	s15 =	sadd.s32 s6, s15;
	[dreg:$0x1b] =	wrdreg s19;
	s14 =	sor.u32 $0xE, s18  }
0x21: {  	[dreg:$0x1c] =	wrdreg s15;
	s20 =	sadd.s32 s7, s16;
	s17 =	smul.u32 $0x3E80, s14  }
0x22: {  	s16 =	sadd.s32 s6, s16;
	s15 =	sor.u32 $0xF, s18;
	[dreg:$0x1d] =	wrdreg s20  }
0x23: {  	[dreg:$0x1e] =	wrdreg s16;
	s19 =	smul.u32 $0x3E80, s15;
	s21 =	sadd.s32 s7, s17  }
0x24: {  	s16 =	sor.u32 $0x10, s18;
	s17 =	sadd.s32 s6, s17;
	[dreg:$0x1f] =	wrdreg s21  }
0x25: {  	s20 =	smul.u32 $0x3E80, s16;
	s22 =	sadd.s32 s7, s19;
	[smem:$0x7BC] =	sst s17  }
0x26: {  	s19 =	sadd.s32 s6, s19;
	[smem:$0x7BD] =	sst s22;
	s17 =	sor.u32 $0x11, s18  }
0x27: {  	[smem:$0x7BE] =	sst s19;
	s23 =	sadd.s32 s7, s20;
	s21 =	smul.u32 $0x3E80, s17  }
0x28: {  	s20 =	sadd.s32 s6, s20;
	s19 =	sor.u32 $0x12, s18;
	[smem:$0x7BF] =	sst s23  }
0x29: {  	[smem:$0x7C0] =	sst s20;
	s22 =	smul.u32 $0x3E80, s19;
	s24 =	sadd.s32 s7, s21  }
0x2a: {  	s20 =	sor.u32 $0x13, s18;
	s21 =	sadd.s32 s6, s21;
	[smem:$0x7C1] =	sst s24  }
0x2b: {  	s23 =	smul.u32 $0x3E80, s20;
	s25 =	sadd.s32 s7, s22;
	[smem:$0x7C2] =	sst s21  }
0x2c: {  	s22 =	sadd.s32 s6, s22;
	[smem:$0x7C3] =	sst s25;
	s21 =	sor.u32 $0x14, s18  }
0x2d: {  	[smem:$0x7C4] =	sst s22;
	s26 =	sadd.s32 s7, s23;
	s24 =	smul.u32 $0x3E80, s21  }
0x2e: {  	s23 =	sadd.s32 s6, s23;
	s22 =	sor.u32 $0x15, s18;
	[smem:$0x7C5] =	sst s26  }
0x2f: {  	[smem:$0x7C6] =	sst s23;
	s25 =	smul.u32 $0x3E80, s22;
	s28 =	sadd.s32 s7, s24  }
0x30: {  	s23 =	sor.u32 $0x16, s18;
	s24 =	sadd.s32 s6, s24;
	[smem:$0x7C7] =	sst s28  }
0x31: {  	s26 =	smul.u32 $0x3E80, s23;
	s29 =	sadd.s32 s7, s25;
	[smem:$0x7C8] =	sst s24  }
0x32: {  	s25 =	sadd.s32 s6, s25;
	[smem:$0x7C9] =	sst s29;
	s24 =	sor.u32 $0x17, s18  }
0x33: {  	[smem:$0x7CA] =	sst s25;
	s30 =	sadd.s32 s7, s26;
	s28 =	smul.u32 $0x3E80, s24  }
0x34: {  	s26 =	sadd.s32 s6, s26;
	s25 =	sor.u32 $0x18, s18;
	[smem:$0x7CB] =	sst s30  }
0x35: {  	[smem:$0x7CC] =	sst s26;
	s29 =	smul.u32 $0x3E80, s25;
	s31 =	sadd.s32 s7, s28  }
0x36: {  	s26 =	sor.u32 $0x19, s18;
	s28 =	sadd.s32 s6, s28;
	[smem:$0x7CD] =	sst s31  }
0x37: {  	s30 =	smul.u32 $0x3E80, s26;
	s0 =	sadd.s32 s7, s29;
	[smem:$0x7CE] =	sst s28  }
0x38: {  	s29 =	sadd.s32 s6, s29;
	[smem:$0x7CF] =	sst s0;
	s28 =	sor.u32 $0x1A, s18  }
0x39: {  	[smem:$0x7D0] =	sst s29;
	s1 =	sadd.s32 s7, s30;
	s31 =	smul.u32 $0x3E80, s28  }
0x3a: {  	s30 =	sadd.s32 s6, s30;
	s29 =	sor.u32 $0x1B, s18;
	[smem:$0x7D1] =	sst s1  }
0x3b: {  	[smem:$0x7D2] =	sst s30;
	s4 =	smul.u32 $0x3E80, s29;
	s3 =	sadd.s32 s7, s31  }
0x3c: {  	s30 =	sor.u32 $0x1C, s18;
	s31 =	sadd.s32 s6, s31;
	[smem:$0x7D3] =	sst s3  }
0x3d: {  	s1 =	smul.u32 $0x3E80, s30;
	s0 =	sadd.s32 s6, s4;
	[smem:$0x7D4] =	sst s31  }
0x3e: {  	s3 =	sadd.s32 s7, s4;
	s31 =	sor.u32 $0x1D, s18;
	[smem:$0x7D6] =	sst s0  }
0x3f: {  	s4 =	sadd.s32 s7, s1;
	[smem:$0x7D5] =	sst s3;
	s0 =	smul.u32 $0x3E80, s31  }
0x40: {  	s1 =	sadd.s32 s6, s1;
	s18 =	sor.u32 $0x1E, s18;
	[smem:$0x7D7] =	sst s4  }
0x41: {  	[smem:$0x7D8] =	sst s1;
	s3 =	smul.u32 $0x3E80, s18;
	s4 =	sadd.s32 s7, s0  }
0x42: {  	s0 =	sadd.s32 s6, s0;
	[smem:$0x7D9] =	sst s4  }
0x43: {  	s1 =	sadd.s32 s7, s3;
	s4 =	sshllo.u32 s5, $0x5;
	[smem:$0x7DA] =	sst s0  }
0x44: {  	s3 =	sadd.s32 s6, s3;
	[smem:$0x7DB] =	sst s1;
	s0 =	smul.u32 $0x3E80, s4  }
0x45: {  	[smem:$0x7DC] =	sst s3  }
0x46: {  	s1 =	rddreg [dreg:$0x0];
	s7 =	sadd.s32 s7, s0  }
0x47: {  	s3 =	smul.u32 $0xFA00, s5;
	[smem:$0x7DD] =	sst s7  }
0x48: {  	s0 =	sadd.s32 s6, s0;
	s7 =	rddreg [dreg:$0x1]  }
0x49: {  	[smem:$0x7DE] =	sst s0;
	s0 =	sadd.s32 $0x1E85000, s1;
	s6 =	sadd.s32 s7, s3  }
0x4a: {  	[smem:$0x7DF] =	sst s6;
	s6 =	sadd.s32 s0, s3  }
0x4b: {  	[smem:$0x7E0] =	sst s6  }
0x4c: {  	s6 =	sld [smem:$0x7E1];
	_ =	sdelay $0x2  }
0x4d: {  	p0 =	sgt.u32 s8, $0x3E7;
	s3 =	sshrl.u32 s12, $0x3;
	s1 =	sshrl.u32 s6, $0x3  }
0x4e: {  	s12 =	sadd.s32 s7, s3;
	s3 =	sadd.s32 s0, s3;
	s6 =	sadd.s32 $0x7D00, s1  }
0x4f: {  	[smem:$0x7E2] =	sst s12;
	s1 =	sadd.s32 $0xBB80, s1;
	s12 =	sadd.s32 s7, s6  }
0x50: {  	[smem:$0x7E4] =	sst s12;
	s12 =	sadd.s32 s0, s6;
	s0 =	sadd.s32 s0, s1  }
0x51: {  	[smem:$0x7E8] =	sst s0;
	s0 =	simm.s32 @!p0 $0x0  }
0x52: {  	[smem:$0x7E3] =	sst s3;
	s0 =	simm.s32 @p0 $0x1;
	p0 =	sgt.u32 s9, $0x3E7  }
0x53: {  	[smem:$0x7E9] =	sst s0;
	s0 =	simm.s32 @!p0 $0x0  }
0x54: {  	s6 =	sld [smem:$0x7E6];
	s0 =	simm.s32 @p0 $0x1;
	p0 =	sgt.u32 s10, $0x3E7  }
0x55: {  	[smem:$0x7EA] =	sst s0;
	s0 =	simm.s32 @!p0 $0x0  }
0x56: {  	[smem:$0x7E5] =	sst s12;
	s0 =	simm.s32 @p0 $0x1;
	p0 =	sgt.u32 s11, $0x3E7  }
0x57: {  	s7 =	sadd.s32 s7, s1;
	[smem:$0x7EB] =	sst s0;
	s0 =	simm.s32 @!p0 $0x0  }
0x58: {  	s3 =	ssub.s32 $0x2, s6;
	s0 =	simm.s32 @p0 $0x1;
	p0 =	sgt.u32 s13, $0x3E7  }
0x59: {  	s12 =	sshrl.u32 s3, $0x1;
	[smem:$0x7EC] =	sst s0;
	s0 =	simm.s32 @!p0 $0x0  }
0x5a: {  	s1 =	ssub.s32 s3, s12;
	s0 =	simm.s32 @p0 $0x1;
	p0 =	sgt.u32 s14, $0x3E7  }
0x5b: {  	s13 =	smax.u32 s1, $0x1;
	s1 =	simm.s32 @!p0 $0x0  }
0x5c: {  	s1 =	simm.s32 @p0 $0x1;
	p0 =	sgt.u32 s15, $0x3E7  }
0x5d: {  	[smem:$0x7EE] =	sst s1;
	s1 =	simm.s32 @!p0 $0x0  }
0x5e: {  	s1 =	simm.s32 @p0 $0x1;
	p0 =	sgt.u32 s16, $0x3E7  }
0x5f: {  	[smem:$0x7ED] =	sst s0;
	s0 =	simm.s32 @!p0 $0x0  }
0x60: {  	s0 =	simm.s32 @p0 $0x1;
	p0 =	sgt.u32 s17, $0x3E7  }
0x61: {  	[smem:$0x7F0] =	sst s0;
	s0 =	simm.s32 @!p0 $0x0  }
0x62: {  	s0 =	simm.s32 @p0 $0x1;
	p0 =	sgt.u32 s19, $0x3E7  }
0x63: {  	[smem:$0x7F1] =	sst s0;
	s0 =	simm.s32 @!p0 $0x0  }
0x64: {  	s0 =	simm.s32 @p0 $0x1;
	p0 =	sgt.u32 s20, $0x3E7  }
0x65: {  	[smem:$0x7F2] =	sst s0;
	s0 =	simm.s32 @!p0 $0x0  }
0x66: {  	s0 =	simm.s32 @p0 $0x1;
	p0 =	sgt.u32 s21, $0x3E7  }
0x67: {  	[smem:$0x7F3] =	sst s0;
	s0 =	simm.s32 @!p0 $0x0  }
0x68: {  	s0 =	simm.s32 @p0 $0x1;
	p0 =	sgt.u32 s22, $0x3E7  }
0x69: {  	[smem:$0x7F4] =	sst s0;
	s0 =	simm.s32 @!p0 $0x0  }
0x6a: {  	s0 =	simm.s32 @p0 $0x1;
	p0 =	sgt.u32 s23, $0x3E7  }
0x6b: {  	[smem:$0x7F5] =	sst s0;
	s0 =	simm.s32 @!p0 $0x0  }
0x6c: {  	s0 =	simm.s32 @p0 $0x1;
	p0 =	sgt.u32 s25, $0x3E7  }
0x6d: {  	[smem:$0x7F6] =	sst s0;
	s0 =	simm.s32 @!p0 $0x0  }
0x6e: {  	s0 =	simm.s32 @p0 $0x1;
	p0 =	sgt.u32 s26, $0x3E7  }
0x6f: {  	[smem:$0x7F7] =	sst s0;
	s0 =	simm.s32 @!p0 $0x0  }
0x70: {  	s0 =	simm.s32 @p0 $0x1;
	p0 =	sgt.u32 s28, $0x3E7  }
0x71: {  	[smem:$0x7F8] =	sst s0;
	s0 =	simm.s32 @!p0 $0x0  }
0x72: {  	s0 =	simm.s32 @p0 $0x1;
	p0 =	sgt.u32 s30, $0x3E7  }
0x73: {  	p1 =	seq.s32 s5, $0x1F;
	[smem:$0x7F9] =	sst s0;
	s0 =	simm.s32 @!p0 $0x0  }
0x74: {  	p4 =	sgt.u32 s4, $0x3E7;
	s0 =	simm.s32 @p0 $0x1;
	p0 =	sgt.u32 s31, $0x3E7  }
0x75: {  	s14 =	sadd.s32 $0xFFFFFFFF, s13;
	[smem:$0x7FA] =	sst s0;
	s0 =	simm.s32 @!p0 $0x0  }
0x76: {  	[smem:$0x7E7] =	sst s7;
	p3 =	sne.s32 s14, $0x0;
	s0 =	simm.s32 @p0 $0x1  }
.Ltmp0:
0x77: {  	[smem:$0x7FB] =	sst s0;
	s0 =	simm.s32 @!p4 $0x0;
	(pc) =	sbr.rel @!p3 .LBB2_1-.Ltmp0, $4  }
0x78: {  	p6 =	sgt.u32 s24, $0x3E7;
	s6 =	rddreg [dreg:$0x3];
	s0 =	simm.s32 @p4 $0x1  }
0x79: {  	p5 =	sgt.u32 s29, $0x3E7;
	[smem:$0x7FC] =	sst s0;
	s0 =	simm.s32 @!p1 $0x0  }
0x7a: {  	p2 =	sgt.u32 s18, $0x3E7;
	[smem:$0x7EF] =	sst s1;
	s0 =	simm.s32 @p1 $0x1  }
0x7b: {  	s3 =	simm.s32 $0x1;
	p0 =	sgt.u32 s5, $0x18;
	[smem:$0x7FD] =	sst s0  }
0x7c: {  	[tilespmem:s2], [sflag:$0x1] =	stream.linear.gather [hbm4b:s6+s2], $0x1F400, $0x38;
	[tilespmem:$0x1F400] =	vst v63  }
0x7d: {  	_ =	swait.ge [sflag:s3], $0x1F400  }
0x7e: {  	[sflag:s3] =	ssyncset.done $0x0  }
0x7f: {  	s0 =	rddreg [dreg:$0x4];
	[sflag:s3] =	ssyncadd.s32 $0xFFFE0C00  }
0x80: {  	[hbm4b:s0+s2] =	stream.linear.scatter [tilespmem:s2], [sflag:$0x1], $0x1F400, $0x38;
	[tilespmem:$0x1F400] =	vst v63  }
0x81: {  	_ =	swait.ge [sflag:s3], $0x1F400  }
0x82: {  	[sflag:s3] =	ssyncset.done $0x0  }
0x83: {  	s7 =	rddreg [dreg:$0x5];
	[sflag:s3] =	ssyncadd.s32 $0xFFFE0C00  }
0x84: {  	[tilespmem:s2], [sflag:$0x1] =	stream.linear.gather [hbm4b:s7+s2], $0x1F400, $0x38;
	[tilespmem:$0x1F400] =	vst v63  }
0x85: {  	_ =	swait.ge [sflag:s3], $0x1F400  }
0x86: {  	[sflag:s3] =	ssyncset.done $0x0  }
0x87: {  	s8 =	rddreg [dreg:$0x6];
	[sflag:s3] =	ssyncadd.s32 $0xFFFE0C00  }
0x88: {  	[hbm4b:s8+s2] =	stream.linear.scatter [tilespmem:s2], [sflag:$0x1], $0x1F400, $0x38;
	[tilespmem:$0x1F400] =	vst v63  }
0x89: {  	_ =	swait.ge [sflag:s3], $0x1F400  }
0x8a: {  	[sflag:s3] =	ssyncset.done $0x0  }
0x8b: {  	s9 =	rddreg [dreg:$0x7];
	[sflag:s3] =	ssyncadd.s32 $0xFFFE0C00  }
0x8c: {  	[tilespmem:s2], [sflag:$0x1] =	stream.linear.gather [hbm4b:s9+s2], $0x1F400, $0x38;
	[tilespmem:$0x1F400] =	vst v63  }
0x8d: {  	_ =	swait.ge [sflag:s3], $0x1F400  }
0x8e: {  	[sflag:s3] =	ssyncset.done $0x0  }
0x8f: {  	s10 =	rddreg [dreg:$0x8];
	[sflag:s3] =	ssyncadd.s32 $0xFFFE0C00  }
0x90: {  	[hbm4b:s10+s2] =	stream.linear.scatter [tilespmem:s2], [sflag:$0x1], $0x1F400, $0x38;
	[tilespmem:$0x1F400] =	vst v63  }
0x91: {  	_ =	swait.ge [sflag:s3], $0x1F400  }
0x92: {  	[sflag:s3] =	ssyncset.done $0x0  }
0x93: {  	s11 =	rddreg [dreg:$0x9];
	[sflag:s3] =	ssyncadd.s32 $0xFFFE0C00  }
0x94: {  	[tilespmem:s2], [sflag:$0x1] =	stream.linear.gather [hbm4b:s11+s2], $0x1F400, $0x38;
	[tilespmem:$0x1F400] =	vst v63  }
0x95: {  	_ =	swait.ge [sflag:s3], $0x1F400  }
0x96: {  	[sflag:s3] =	ssyncset.done $0x0  }
0x97: {  	s12 =	rddreg [dreg:$0xa];
	[sflag:s3] =	ssyncadd.s32 $0xFFFE0C00  }
0x98: {  	[hbm4b:s12+s2] =	stream.linear.scatter [tilespmem:s2], [sflag:$0x1], $0x1F400, $0x38;
	[tilespmem:$0x1F400] =	vst v63  }
0x99: {  	_ =	swait.ge [sflag:s3], $0x1F400  }
0x9a: {  	[sflag:s3] =	ssyncset.done $0x0  }
0x9b: {  	s13 =	rddreg [dreg:$0xb];
	[sflag:s3] =	ssyncadd.s32 $0xFFFE0C00  }
0x9c: {  	[tilespmem:s2], [sflag:$0x1] =	stream.linear.gather [hbm4b:s13+s2], $0x1F400, $0x38;
	[tilespmem:$0x1F400] =	vst v63  }
0x9d: {  	_ =	swait.ge [sflag:s3], $0x1F400  }
0x9e: {  	[sflag:s3] =	ssyncset.done $0x0  }
0x9f: {  	s15 =	rddreg [dreg:$0xc];
	[sflag:s3] =	ssyncadd.s32 $0xFFFE0C00  }
0xa0: {  	[hbm4b:s15+s2] =	stream.linear.scatter [tilespmem:s2], [sflag:$0x1], $0x1F400, $0x38;
	[tilespmem:$0x1F400] =	vst v63  }
0xa1: {  	_ =	swait.ge [sflag:s3], $0x1F400  }
0xa2: {  	[sflag:s3] =	ssyncset.done $0x0  }
0xa3: {  	s16 =	rddreg [dreg:$0xd];
	[sflag:s3] =	ssyncadd.s32 $0xFFFE0C00  }
0xa4: {  	[tilespmem:s2], [sflag:$0x1] =	stream.linear.gather [hbm4b:s16+s2], $0x1F400, $0x38;
	[tilespmem:$0x1F400] =	vst v63  }
0xa5: {  	_ =	swait.ge [sflag:s3], $0x1F400  }
0xa6: {  	[sflag:s3] =	ssyncset.done $0x0  }
0xa7: {  	s17 =	rddreg [dreg:$0xe];
	[sflag:s3] =	ssyncadd.s32 $0xFFFE0C00  }
0xa8: {  	[hbm4b:s17+s2] =	stream.linear.scatter [tilespmem:s2], [sflag:$0x1], $0x1F400, $0x38;
	[tilespmem:$0x1F400] =	vst v63  }
0xa9: {  	_ =	swait.ge [sflag:s3], $0x1F400  }
0xaa: {  	[sflag:s3] =	ssyncset.done $0x0  }
0xab: {  	s18 =	rddreg [dreg:$0xf];
	[sflag:s3] =	ssyncadd.s32 $0xFFFE0C00  }
0xac: {  	[tilespmem:s2], [sflag:$0x1] =	stream.linear.gather [hbm4b:s18+s2], $0x1F400, $0x38;
	[tilespmem:$0x1F400] =	vst v63  }
0xad: {  	_ =	swait.ge [sflag:s3], $0x1F400  }
0xae: {  	[sflag:s3] =	ssyncset.done $0x0  }
0xaf: {  	s19 =	rddreg [dreg:$0x10];
	[sflag:s3] =	ssyncadd.s32 $0xFFFE0C00  }
0xb0: {  	[hbm4b:s19+s2] =	stream.linear.scatter [tilespmem:s2], [sflag:$0x1], $0x1F400, $0x38;
	[tilespmem:$0x1F400] =	vst v63  }
0xb1: {  	_ =	swait.ge [sflag:s3], $0x1F400  }
0xb2: {  	[sflag:s3] =	ssyncset.done $0x0  }
0xb3: {  	s20 =	rddreg [dreg:$0x11];
	[sflag:s3] =	ssyncadd.s32 $0xFFFE0C00  }
0xb4: {  	[tilespmem:s2], [sflag:$0x1] =	stream.linear.gather [hbm4b:s20+s2], $0x1F400, $0x38;
	[tilespmem:$0x1F400] =	vst v63  }
0xb5: {  	_ =	swait.ge [sflag:s3], $0x1F400  }
0xb6: {  	[sflag:s3] =	ssyncset.done $0x0  }
0xb7: {  	s21 =	rddreg [dreg:$0x12];
	[sflag:s3] =	ssyncadd.s32 $0xFFFE0C00  }
0xb8: {  	[hbm4b:s21+s2] =	stream.linear.scatter [tilespmem:s2], [sflag:$0x1], $0x1F400, $0x38;
	[tilespmem:$0x1F400] =	vst v63  }
0xb9: {  	_ =	swait.ge [sflag:s3], $0x1F400  }
0xba: {  	s1 =	simm.s32 @!p1 $0x0;
	[sflag:s3] =	ssyncset.done $0x0  }
0xbb: {  	s4 =	simm.s32 @!p1 $0x1;
	s0 =	rddreg [dreg:$0x13];
	[sflag:s3] =	ssyncadd.s32 $0xFFFE0C00  }
0xbc: {  	[tilespmem:s1], [sflag:$0x1] =	stream.linear.gather @!p1 [hbm4b:s0+s1], $0x1F400, $0x38;
	[tilespmem:$0x1F400] =	vst v63  }
0xbd: {  	_ =	swait.ge @!p1 [sflag:s4], $0x1F400  }
0xbe: {  	[sflag:s4] =	ssyncset.done @!p1 $0x0  }
0xbf: {  	s0 =	rddreg [dreg:$0x14];
	[sflag:s4] =	ssyncadd.s32 @!p1 $0xFFFE0C00  }
0xc0: {  	[hbm4b:s0+s1] =	stream.linear.scatter @!p1 [tilespmem:s1], [sflag:$0x1], $0x1F400, $0x38;
	[tilespmem:$0x1F400] =	vst v63  }
0xc1: {  	_ =	swait.ge @!p1 [sflag:s4], $0x1F400  }
0xc2: {  	s22 =	sld [smem:$0x7E9];
	_ =	sdelay $0x2  }
0xc3: {  	s0 =	rddreg [dreg:$0x15];
	[sflag:s4] =	ssyncset.done @!p1 $0x0;
	p3 =	seq.s32 s22, $0x1  }
0xc4: {  	[sflag:s4] =	ssyncadd.s32 @!p1 $0xFFFE0C00;
	s1 =	simm.s32 @!p3 $0x0;
	s4 =	simm.s32 @!p3 $0x1  }
0xc5: {  	[tilespmem:s1], [sflag:$0x1] =	stream.linear.gather @!p3 [hbm4b:s0+s1], $0x1F400, $0x38;
	[tilespmem:$0x1F400] =	vst v63  }
0xc6: {  	_ =	swait.ge @!p3 [sflag:s4], $0x1F400  }
0xc7: {  	[sflag:s4] =	ssyncset.done @!p3 $0x0  }
0xc8: {  	s0 =	rddreg [dreg:$0x16];
	[sflag:s4] =	ssyncadd.s32 @!p3 $0xFFFE0C00  }
0xc9: {  	[hbm4b:s0+s1] =	stream.linear.scatter @!p3 [tilespmem:s1], [sflag:$0x1], $0x1F400, $0x38;
	[tilespmem:$0x1F400] =	vst v63  }
0xca: {  	_ =	swait.ge @!p3 [sflag:s4], $0x1F400  }
0xcb: {  	s23 =	sld [smem:$0x7EA];
	_ =	sdelay $0x1  }
0xcc: {  	s5 =	simm.s32 @!p3 $0x0;
	[sflag:s4] =	ssyncset.done @!p3 $0x0  }
0xcd: {  	s0 =	rddreg [dreg:$0x17];
	[sflag:s4] =	ssyncadd.s32 @!p3 $0xFFFE0C00;
	p3 =	seq.s32 s23, $0x1  }
0xce: {  	[smem:$0x7A9] =	sst s4;
	s1 =	simm.s32 @!p3 $0x0;
	s4 =	simm.s32 @!p3 $0x1  }
0xcf: {  	[tilespmem:s1], [sflag:$0x1] =	stream.linear.gather @!p3 [hbm4b:s0+s1], $0x1F400, $0x38;
	[tilespmem:$0x1F400] =	vst v63  }
0xd0: {  	_ =	swait.ge @!p3 [sflag:s4], $0x1F400  }
0xd1: {  	[sflag:s4] =	ssyncset.done @!p3 $0x0  }
0xd2: {  	s0 =	rddreg [dreg:$0x18];
	[sflag:s4] =	ssyncadd.s32 @!p3 $0xFFFE0C00  }
0xd3: {  	[hbm4b:s0+s1] =	stream.linear.scatter @!p3 [tilespmem:s1], [sflag:$0x1], $0x1F400, $0x38;
	[tilespmem:$0x1F400] =	vst v63  }
0xd4: {  	_ =	swait.ge @!p3 [sflag:s4], $0x1F400  }
0xd5: {  	s24 =	sld [smem:$0x7EB];
	_ =	sdelay $0x1  }
0xd6: {  	s9 =	simm.s32 @!p3 $0x0;
	[sflag:s4] =	ssyncset.done @!p3 $0x0  }
0xd7: {  	s0 =	rddreg [dreg:$0x19];
	[sflag:s4] =	ssyncadd.s32 @!p3 $0xFFFE0C00;
	p3 =	seq.s32 s24, $0x1  }
0xd8: {  	[smem:$0x7AA] =	sst s4;
	s1 =	simm.s32 @!p3 $0x0;
	s4 =	simm.s32 @!p3 $0x1  }
0xd9: {  	[tilespmem:s1], [sflag:$0x1] =	stream.linear.gather @!p3 [hbm4b:s0+s1], $0x1F400, $0x38;
	[tilespmem:$0x1F400] =	vst v63  }
0xda: {  	_ =	swait.ge @!p3 [sflag:s4], $0x1F400  }
0xdb: {  	[sflag:s4] =	ssyncset.done @!p3 $0x0  }
0xdc: {  	s0 =	rddreg [dreg:$0x1a];
	[sflag:s4] =	ssyncadd.s32 @!p3 $0xFFFE0C00  }
0xdd: {  	[hbm4b:s0+s1] =	stream.linear.scatter @!p3 [tilespmem:s1], [sflag:$0x1], $0x1F400, $0x38;
	[tilespmem:$0x1F400] =	vst v63  }
0xde: {  	_ =	swait.ge @!p3 [sflag:s4], $0x1F400  }
0xdf: {  	s25 =	sld [smem:$0x7EC];
	_ =	sdelay $0x1  }
0xe0: {  	s11 =	simm.s32 @!p3 $0x0;
	[sflag:s4] =	ssyncset.done @!p3 $0x0  }
0xe1: {  	s0 =	rddreg [dreg:$0x1b];
	[sflag:s4] =	ssyncadd.s32 @!p3 $0xFFFE0C00;
	p3 =	seq.s32 s25, $0x1  }
0xe2: {  	[smem:$0x7AB] =	sst s4;
	s1 =	simm.s32 @!p3 $0x0;
	s4 =	simm.s32 @!p3 $0x1  }
0xe3: {  	[tilespmem:s1], [sflag:$0x1] =	stream.linear.gather @!p3 [hbm4b:s0+s1], $0x1F400, $0x38;
	[tilespmem:$0x1F400] =	vst v63  }
0xe4: {  	_ =	swait.ge @!p3 [sflag:s4], $0x1F400  }
0xe5: {  	[sflag:s4] =	ssyncset.done @!p3 $0x0  }
0xe6: {  	s0 =	rddreg [dreg:$0x1c];
	[sflag:s4] =	ssyncadd.s32 @!p3 $0xFFFE0C00  }
0xe7: {  	[hbm4b:s0+s1] =	stream.linear.scatter @!p3 [tilespmem:s1], [sflag:$0x1], $0x1F400, $0x38;
	[tilespmem:$0x1F400] =	vst v63  }
0xe8: {  	_ =	swait.ge @!p3 [sflag:s4], $0x1F400  }
0xe9: {  	s26 =	sld [smem:$0x7ED];
	_ =	sdelay $0x1  }
0xea: {  	s13 =	simm.s32 @!p3 $0x0;
	[sflag:s4] =	ssyncset.done @!p3 $0x0  }
0xeb: {  	s0 =	rddreg [dreg:$0x1d];
	[sflag:s4] =	ssyncadd.s32 @!p3 $0xFFFE0C00;
	p3 =	seq.s32 s26, $0x1  }
0xec: {  	[smem:$0x7AC] =	sst s4;
	s1 =	simm.s32 @!p3 $0x0;
	s4 =	simm.s32 @!p3 $0x1  }
0xed: {  	[tilespmem:s1], [sflag:$0x1] =	stream.linear.gather @!p3 [hbm4b:s0+s1], $0x1F400, $0x38;
	[tilespmem:$0x1F400] =	vst v63  }
0xee: {  	_ =	swait.ge @!p3 [sflag:s4], $0x1F400  }
0xef: {  	[sflag:s4] =	ssyncset.done @!p3 $0x0  }
0xf0: {  	s0 =	rddreg [dreg:$0x1e];
	[sflag:s4] =	ssyncadd.s32 @!p3 $0xFFFE0C00  }
0xf1: {  	[hbm4b:s0+s1] =	stream.linear.scatter @!p3 [tilespmem:s1], [sflag:$0x1], $0x1F400, $0x38;
	[tilespmem:$0x1F400] =	vst v63  }
0xf2: {  	_ =	swait.ge @!p3 [sflag:s4], $0x1F400  }
0xf3: {  	[sflag:s4] =	ssyncset.done @!p3 $0x0;
	[smem:$0x7AD] =	sst s4  }
0xf4: {  	[sflag:s4] =	ssyncadd.s32 @!p3 $0xFFFE0C00;
	s4 =	sld [smem:$0x7EE];
	_ =	sdelay $0x2  }
0xf5: {  	s15 =	simm.s32 @!p3 $0x0;
	p3 =	seq.s32 s4, $0x1  }
0xf6: {  	s0 =	rddreg [dreg:$0x1f];
	s1 =	simm.s32 @!p3 $0x0;
	s4 =	simm.s32 @!p3 $0x1  }
0xf7: {  	[tilespmem:s1], [sflag:$0x1] =	stream.linear.gather @!p3 [hbm4b:s0+s1], $0x1F400, $0x38;
	[tilespmem:$0x1F400] =	vst v63  }
0xf8: {  	_ =	swait.ge @!p3 [sflag:s4], $0x1F400  }
0xf9: {  	s0 =	sld [smem:$0x7BC]  }
0xfa: {  	[sflag:s4] =	ssyncset.done @!p3 $0x0  }
0xfb: {  	[sflag:s4] =	ssyncadd.s32 @!p3 $0xFFFE0C00  }
0xfc: {  	[hbm4b:s0+s1] =	stream.linear.scatter @!p3 [tilespmem:s1], [sflag:$0x1], $0x1F400, $0x38;
	[tilespmem:$0x1F400] =	vst v63  }
0xfd: {  	_ =	swait.ge @!p3 [sflag:s4], $0x1F400  }
0xfe: {  	s6 =	sld [smem:$0x7EF];
	_ =	sdelay $0x1  }
0xff: {  	s0 =	sld [smem:$0x7BD];
	[sflag:s4] =	ssyncset.done @!p3 $0x0  }
0x100: {  	s17 =	simm.s32 @!p3 $0x0;
	[sflag:s4] =	ssyncadd.s32 @!p3 $0xFFFE0C00;
	p3 =	seq.s32 s6, $0x1  }
0x101: {  	[smem:$0x7AE] =	sst s4;
	s1 =	simm.s32 @!p3 $0x0;
	s4 =	simm.s32 @!p3 $0x1  }
0x102: {  	[tilespmem:s1], [sflag:$0x1] =	stream.linear.gather @!p3 [hbm4b:s0+s1], $0x1F400, $0x38;
	[tilespmem:$0x1F400] =	vst v63  }
0x103: {  	_ =	swait.ge @!p3 [sflag:s4], $0x1F400  }
0x104: {  	s0 =	sld [smem:$0x7BE]  }
0x105: {  	[sflag:s4] =	ssyncset.done @!p3 $0x0  }
0x106: {  	[sflag:s4] =	ssyncadd.s32 @!p3 $0xFFFE0C00  }
0x107: {  	[hbm4b:s0+s1] =	stream.linear.scatter @!p3 [tilespmem:s1], [sflag:$0x1], $0x1F400, $0x38;
	[tilespmem:$0x1F400] =	vst v63  }
0x108: {  	_ =	swait.ge @!p3 [sflag:s4], $0x1F400  }
0x109: {  	s7 =	sld [smem:$0x7F0];
	_ =	sdelay $0x1  }
0x10a: {  	s0 =	sld [smem:$0x7BF];
	[sflag:s4] =	ssyncset.done @!p3 $0x0  }
0x10b: {  	s19 =	simm.s32 @!p3 $0x0;
	[sflag:s4] =	ssyncadd.s32 @!p3 $0xFFFE0C00;
	p3 =	seq.s32 s7, $0x1  }
0x10c: {  	[smem:$0x7AF] =	sst s4;
	s1 =	simm.s32 @!p3 $0x0;
	s4 =	simm.s32 @!p3 $0x1  }
0x10d: {  	[tilespmem:s1], [sflag:$0x1] =	stream.linear.gather @!p3 [hbm4b:s0+s1], $0x1F400, $0x38;
	[tilespmem:$0x1F400] =	vst v63  }
0x10e: {  	_ =	swait.ge @!p3 [sflag:s4], $0x1F400  }
0x10f: {  	s0 =	sld [smem:$0x7C0]  }
0x110: {  	[sflag:s4] =	ssyncset.done @!p3 $0x0  }
0x111: {  	[sflag:s4] =	ssyncadd.s32 @!p3 $0xFFFE0C00  }
0x112: {  	[hbm4b:s0+s1] =	stream.linear.scatter @!p3 [tilespmem:s1], [sflag:$0x1], $0x1F400, $0x38;
	[tilespmem:$0x1F400] =	vst v63  }
0x113: {  	_ =	swait.ge @!p3 [sflag:s4], $0x1F400  }
0x114: {  	s8 =	sld [smem:$0x7F1];
	_ =	sdelay $0x1  }
0x115: {  	s0 =	sld [smem:$0x7C1];
	[sflag:s4] =	ssyncset.done @!p3 $0x0  }
0x116: {  	s21 =	simm.s32 @!p3 $0x0;
	[sflag:s4] =	ssyncadd.s32 @!p3 $0xFFFE0C00;
	p3 =	seq.s32 s8, $0x1  }
0x117: {  	[smem:$0x7B0] =	sst s4;
	s1 =	simm.s32 @!p3 $0x0;
	s4 =	simm.s32 @!p3 $0x1  }
0x118: {  	[tilespmem:s1], [sflag:$0x1] =	stream.linear.gather @!p3 [hbm4b:s0+s1], $0x1F400, $0x38;
	[tilespmem:$0x1F400] =	vst v63  }
0x119: {  	_ =	swait.ge @!p3 [sflag:s4], $0x1F400  }
0x11a: {  	s0 =	sld [smem:$0x7C2]  }
0x11b: {  	[sflag:s4] =	ssyncset.done @!p3 $0x0  }
0x11c: {  	[sflag:s4] =	ssyncadd.s32 @!p3 $0xFFFE0C00  }
0x11d: {  	[hbm4b:s0+s1] =	stream.linear.scatter @!p3 [tilespmem:s1], [sflag:$0x1], $0x1F400, $0x38;
	[tilespmem:$0x1F400] =	vst v63  }
0x11e: {  	_ =	swait.ge @!p3 [sflag:s4], $0x1F400  }
0x11f: {  	s10 =	sld [smem:$0x7F2];
	_ =	sdelay $0x1  }
0x120: {  	s0 =	sld [smem:$0x7C3];
	[sflag:s4] =	ssyncset.done @!p3 $0x0  }
0x121: {  	s23 =	simm.s32 @!p3 $0x0;
	[sflag:s4] =	ssyncadd.s32 @!p3 $0xFFFE0C00;
	p3 =	seq.s32 s10, $0x1  }
0x122: {  	[smem:$0x7B1] =	sst s4;
	s1 =	simm.s32 @!p3 $0x0;
	s4 =	simm.s32 @!p3 $0x1  }
0x123: {  	[tilespmem:s1], [sflag:$0x1] =	stream.linear.gather @!p3 [hbm4b:s0+s1], $0x1F400, $0x38;
	[tilespmem:$0x1F400] =	vst v63  }
0x124: {  	_ =	swait.ge @!p3 [sflag:s4], $0x1F400  }
0x125: {  	s0 =	sld [smem:$0x7C4]  }
0x126: {  	[sflag:s4] =	ssyncset.done @!p3 $0x0  }
0x127: {  	[sflag:s4] =	ssyncadd.s32 @!p3 $0xFFFE0C00  }
0x128: {  	[hbm4b:s0+s1] =	stream.linear.scatter @!p3 [tilespmem:s1], [sflag:$0x1], $0x1F400, $0x38;
	[tilespmem:$0x1F400] =	vst v63  }
0x129: {  	_ =	swait.ge @!p3 [sflag:s4], $0x1F400  }
0x12a: {  	s12 =	sld [smem:$0x7F3];
	_ =	sdelay $0x1  }
0x12b: {  	s0 =	sld [smem:$0x7C5];
	[sflag:s4] =	ssyncset.done @!p3 $0x0  }
0x12c: {  	s25 =	simm.s32 @!p3 $0x0;
	[sflag:s4] =	ssyncadd.s32 @!p3 $0xFFFE0C00;
	p3 =	seq.s32 s12, $0x1  }
0x12d: {  	[smem:$0x7B2] =	sst s4;
	s1 =	simm.s32 @!p3 $0x0;
	s4 =	simm.s32 @!p3 $0x1  }
0x12e: {  	[tilespmem:s1], [sflag:$0x1] =	stream.linear.gather @!p3 [hbm4b:s0+s1], $0x1F400, $0x38;
	[tilespmem:$0x1F400] =	vst v63  }
0x12f: {  	_ =	swait.ge @!p3 [sflag:s4], $0x1F400  }
0x130: {  	s0 =	sld [smem:$0x7C6]  }
0x131: {  	[sflag:s4] =	ssyncset.done @!p3 $0x0  }
0x132: {  	[sflag:s4] =	ssyncadd.s32 @!p3 $0xFFFE0C00  }
0x133: {  	[hbm4b:s0+s1] =	stream.linear.scatter @!p3 [tilespmem:s1], [sflag:$0x1], $0x1F400, $0x38;
	[tilespmem:$0x1F400] =	vst v63  }
0x134: {  	_ =	swait.ge @!p3 [sflag:s4], $0x1F400  }
0x135: {  	s16 =	sld [smem:$0x7F4];
	_ =	sdelay $0x1  }
0x136: {  	s0 =	sld [smem:$0x7C7];
	[sflag:s4] =	ssyncset.done @!p3 $0x0  }
0x137: {  	s28 =	simm.s32 @!p3 $0x0;
	[sflag:s4] =	ssyncadd.s32 @!p3 $0xFFFE0C00;
	p3 =	seq.s32 s16, $0x1  }
0x138: {  	[smem:$0x7B3] =	sst s4;
	s1 =	simm.s32 @!p3 $0x0;
	s4 =	simm.s32 @!p3 $0x1  }
0x139: {  	[tilespmem:s1], [sflag:$0x1] =	stream.linear.gather @!p3 [hbm4b:s0+s1], $0x1F400, $0x38;
	[tilespmem:$0x1F400] =	vst v63  }
0x13a: {  	_ =	swait.ge @!p3 [sflag:s4], $0x1F400  }
0x13b: {  	s0 =	sld [smem:$0x7C8]  }
0x13c: {  	[sflag:s4] =	ssyncset.done @!p3 $0x0  }
0x13d: {  	[sflag:s4] =	ssyncadd.s32 @!p3 $0xFFFE0C00  }
0x13e: {  	[hbm4b:s0+s1] =	stream.linear.scatter @!p3 [tilespmem:s1], [sflag:$0x1], $0x1F400, $0x38;
	[tilespmem:$0x1F400] =	vst v63  }
0x13f: {  	_ =	swait.ge @!p3 [sflag:s4], $0x1F400  }
0x140: {  	s18 =	sld [smem:$0x7F5];
	_ =	sdelay $0x1  }
0x141: {  	s0 =	sld [smem:$0x7C9];
	[sflag:s4] =	ssyncset.done @!p3 $0x0  }
0x142: {  	s30 =	simm.s32 @!p3 $0x0;
	[sflag:s4] =	ssyncadd.s32 @!p3 $0xFFFE0C00;
	p3 =	seq.s32 s18, $0x1  }
0x143: {  	[smem:$0x7B4] =	sst s4;
	s4 =	simm.s32 @!p3 $0x0;
	s6 =	simm.s32 @!p3 $0x1  }
0x144: {  	[tilespmem:s4], [sflag:$0x1] =	stream.linear.gather @!p3 [hbm4b:s0+s4], $0x1F400, $0x38;
	[tilespmem:$0x1F400] =	vst v63  }
0x145: {  	_ =	swait.ge @!p3 [sflag:s6], $0x1F400  }
0x146: {  	s0 =	sld [smem:$0x7CA]  }
0x147: {  	[sflag:s6] =	ssyncset.done @!p3 $0x0  }
0x148: {  	[sflag:s6] =	ssyncadd.s32 @!p3 $0xFFFE0C00  }
0x149: {  	[hbm4b:s0+s4] =	stream.linear.scatter @!p3 [tilespmem:s4], [sflag:$0x1], $0x1F400, $0x38;
	[tilespmem:$0x1F400] =	vst v63  }
0x14a: {  	_ =	swait.ge @!p3 [sflag:s6], $0x1F400  }
0x14b: {  	s20 =	sld [smem:$0x7F6];
	_ =	sdelay $0x1  }
0x14c: {  	s0 =	sld [smem:$0x7CB];
	[sflag:s6] =	ssyncset.done @!p3 $0x0  }
0x14d: {  	s1 =	simm.s32 @!p3 $0x0;
	[sflag:s6] =	ssyncadd.s32 @!p3 $0xFFFE0C00;
	p3 =	seq.s32 s20, $0x1  }
0x14e: {  	[smem:$0x7B5] =	sst s6;
	s6 =	simm.s32 @!p3 $0x0;
	s7 =	simm.s32 @!p3 $0x1  }
0x14f: {  	[tilespmem:s6], [sflag:$0x1] =	stream.linear.gather @!p3 [hbm4b:s0+s6], $0x1F400, $0x38;
	[tilespmem:$0x1F400] =	vst v63  }
0x150: {  	_ =	swait.ge @!p3 [sflag:s7], $0x1F400  }
0x151: {  	s0 =	sld [smem:$0x7CC]  }
0x152: {  	[sflag:s7] =	ssyncset.done @!p3 $0x0  }
0x153: {  	[sflag:s7] =	ssyncadd.s32 @!p3 $0xFFFE0C00  }
0x154: {  	[hbm4b:s0+s6] =	stream.linear.scatter @!p3 [tilespmem:s6], [sflag:$0x1], $0x1F400, $0x38;
	[tilespmem:$0x1F400] =	vst v63  }
0x155: {  	_ =	swait.ge @!p3 [sflag:s7], $0x1F400  }
0x156: {  	s0 =	sld [smem:$0x7CD]  }
0x157: {  	s6 =	simm.s32 @!p6 $0x0;
	[sflag:s7] =	ssyncset.done @!p3 $0x0  }
0x158: {  	[smem:$0x7B6] =	sst s7;
	[sflag:s7] =	ssyncadd.s32 @!p3 $0xFFFE0C00;
	s7 =	simm.s32 @!p6 $0x1  }
0x159: {  	[tilespmem:s6], [sflag:$0x1] =	stream.linear.gather @!p6 [hbm4b:s0+s6], $0x1F400, $0x38;
	[tilespmem:$0x1F400] =	vst v63  }
0x15a: {  	_ =	swait.ge @!p6 [sflag:s7], $0x1F400  }
0x15b: {  	s0 =	sld [smem:$0x7CE]  }
0x15c: {  	[sflag:s7] =	ssyncset.done @!p6 $0x0  }
0x15d: {  	[sflag:s7] =	ssyncadd.s32 @!p6 $0xFFFE0C00  }
0x15e: {  	[hbm4b:s0+s6] =	stream.linear.scatter @!p6 [tilespmem:s6], [sflag:$0x1], $0x1F400, $0x38;
	[tilespmem:$0x1F400] =	vst v63  }
0x15f: {  	_ =	swait.ge @!p6 [sflag:s7], $0x1F400  }
0x160: {  	s22 =	sld [smem:$0x7F7];
	_ =	sdelay $0x1  }
0x161: {  	s0 =	sld [smem:$0x7CF]  }
0x162: {  	s4 =	simm.s32 @!p3 $0x0;
	[sflag:s7] =	ssyncset.done @!p6 $0x0;
	p3 =	seq.s32 s22, $0x1  }
0x163: {  	[sflag:s7] =	ssyncadd.s32 @!p6 $0xFFFE0C00;
	s6 =	simm.s32 @!p3 $0x0;
	s7 =	simm.s32 @!p3 $0x1  }
0x164: {  	[tilespmem:s6], [sflag:$0x1] =	stream.linear.gather @!p3 [hbm4b:s0+s6], $0x1F400, $0x38;
	[tilespmem:$0x1F400] =	vst v63  }
0x165: {  	_ =	swait.ge @!p3 [sflag:s7], $0x1F400  }
0x166: {  	s0 =	sld [smem:$0x7D0]  }
0x167: {  	[sflag:s7] =	ssyncset.done @!p3 $0x0  }
0x168: {  	[sflag:s7] =	ssyncadd.s32 @!p3 $0xFFFE0C00  }
0x169: {  	[hbm4b:s0+s6] =	stream.linear.scatter @!p3 [tilespmem:s6], [sflag:$0x1], $0x1F400, $0x38;
	[tilespmem:$0x1F400] =	vst v63  }
0x16a: {  	_ =	swait.ge @!p3 [sflag:s7], $0x1F400  }
0x16b: {  	s24 =	sld [smem:$0x7F8];
	_ =	sdelay $0x1  }
0x16c: {  	s0 =	sld [smem:$0x7D1];
	[sflag:s7] =	ssyncset.done @!p3 $0x0  }
0x16d: {  	s8 =	simm.s32 @!p3 $0x0;
	[sflag:s7] =	ssyncadd.s32 @!p3 $0xFFFE0C00;
	p3 =	seq.s32 s24, $0x1  }
0x16e: {  	[smem:$0x7B7] =	sst s7;
	s6 =	simm.s32 @!p3 $0x0;
	s7 =	simm.s32 @!p3 $0x1  }
0x16f: {  	[tilespmem:s6], [sflag:$0x1] =	stream.linear.gather @!p3 [hbm4b:s0+s6], $0x1F400, $0x38;
	[tilespmem:$0x1F400] =	vst v63  }
0x170: {  	_ =	swait.ge @!p3 [sflag:s7], $0x1F400  }
0x171: {  	s0 =	sld [smem:$0x7D2]  }
0x172: {  	[sflag:s7] =	ssyncset.done @!p3 $0x0  }
0x173: {  	[sflag:s7] =	ssyncadd.s32 @!p3 $0xFFFE0C00  }
0x174: {  	[hbm4b:s0+s6] =	stream.linear.scatter @!p3 [tilespmem:s6], [sflag:$0x1], $0x1F400, $0x38;
	[tilespmem:$0x1F400] =	vst v63  }
0x175: {  	_ =	swait.ge @!p3 [sflag:s7], $0x1F400  }
0x176: {  	s26 =	sld [smem:$0x7F9];
	_ =	sdelay $0x1  }
0x177: {  	s0 =	sld [smem:$0x7D3];
	[sflag:s7] =	ssyncset.done @!p3 $0x0  }
0x178: {  	s12 =	simm.s32 @!p3 $0x0;
	[sflag:s7] =	ssyncadd.s32 @!p3 $0xFFFE0C00;
	p3 =	seq.s32 s26, $0x1  }
0x179: {  	[smem:$0x7B8] =	sst s7;
	s6 =	simm.s32 @!p3 $0x0;
	s7 =	simm.s32 @!p3 $0x1  }
0x17a: {  	[tilespmem:s6], [sflag:$0x1] =	stream.linear.gather @!p3 [hbm4b:s0+s6], $0x1F400, $0x38;
	[tilespmem:$0x1F400] =	vst v63  }
0x17b: {  	_ =	swait.ge @!p3 [sflag:s7], $0x1F400  }
0x17c: {  	s0 =	sld [smem:$0x7D4]  }
0x17d: {  	[sflag:s7] =	ssyncset.done @!p3 $0x0  }
0x17e: {  	[sflag:s7] =	ssyncadd.s32 @!p3 $0xFFFE0C00  }
0x17f: {  	[hbm4b:s0+s6] =	stream.linear.scatter @!p3 [tilespmem:s6], [sflag:$0x1], $0x1F400, $0x38;
	[tilespmem:$0x1F400] =	vst v63  }
0x180: {  	_ =	swait.ge @!p3 [sflag:s7], $0x1F400  }
0x181: {  	s0 =	sld [smem:$0x7D5]  }
0x182: {  	s6 =	simm.s32 @!p5 $0x0;
	[sflag:s7] =	ssyncset.done @!p3 $0x0  }
0x183: {  	[smem:$0x7B9] =	sst s7;
	[sflag:s7] =	ssyncadd.s32 @!p3 $0xFFFE0C00;
	s7 =	simm.s32 @!p5 $0x1  }
0x184: {  	[tilespmem:s6], [sflag:$0x1] =	stream.linear.gather @!p5 [hbm4b:s0+s6], $0x1F400, $0x38;
	[tilespmem:$0x1F400] =	vst v63  }
0x185: {  	_ =	swait.ge @!p5 [sflag:s7], $0x1F400  }
0x186: {  	s0 =	sld [smem:$0x7D6]  }
0x187: {  	[sflag:s7] =	ssyncset.done @!p5 $0x0  }
0x188: {  	[sflag:s7] =	ssyncadd.s32 @!p5 $0xFFFE0C00  }
0x189: {  	[hbm4b:s0+s6] =	stream.linear.scatter @!p5 [tilespmem:s6], [sflag:$0x1], $0x1F400, $0x38;
	[tilespmem:$0x1F400] =	vst v63  }
0x18a: {  	_ =	swait.ge @!p5 [sflag:s7], $0x1F400  }
0x18b: {  	[sflag:s7] =	ssyncset.done @!p5 $0x0  }
0x18c: {  	[sflag:s7] =	ssyncadd.s32 @!p5 $0xFFFE0C00;
	s7 =	sld [smem:$0x7FA];
	_ =	sdelay $0x1  }
0x18d: {  	s0 =	sld [smem:$0x7D7]  }
0x18e: {  	s16 =	simm.s32 @!p3 $0x0;
	p3 =	seq.s32 s7, $0x1  }
0x18f: {  	s6 =	simm.s32 @!p3 $0x0;
	s29 =	simm.s32 @!p3 $0x1  }
0x190: {  	[tilespmem:s6], [sflag:$0x1] =	stream.linear.gather @!p3 [hbm4b:s0+s6], $0x1F400, $0x38;
	[tilespmem:$0x1F400] =	vst v63  }
0x191: {  	_ =	swait.ge @!p3 [sflag:s29], $0x1F400  }
0x192: {  	s0 =	sld [smem:$0x7D8]  }
0x193: {  	[sflag:s29] =	ssyncset.done @!p3 $0x0  }
0x194: {  	[sflag:s29] =	ssyncadd.s32 @!p3 $0xFFFE0C00  }
0x195: {  	[hbm4b:s0+s6] =	stream.linear.scatter @!p3 [tilespmem:s6], [sflag:$0x1], $0x1F400, $0x38;
	[tilespmem:$0x1F400] =	vst v63  }
0x196: {  	_ =	swait.ge @!p3 [sflag:s29], $0x1F400  }
0x197: {  	s10 =	sld [smem:$0x7FB];
	_ =	sdelay $0x1  }
0x198: {  	s0 =	sld [smem:$0x7D9];
	[sflag:s29] =	ssyncset.done @!p3 $0x0  }
0x199: {  	s20 =	simm.s32 @!p3 $0x0;
	[sflag:s29] =	ssyncadd.s32 @!p3 $0xFFFE0C00;
	p3 =	seq.s32 s10, $0x1  }
0x19a: {  	s7 =	simm.s32 @!p3 $0x0  }
0x19b: {  	[tilespmem:s7], [sflag:$0x1] =	stream.linear.gather @!p3 [hbm4b:s0+s7], $0x1F400, $0x38;
	[tilespmem:$0x1F400] =	vst v63  }
0x19c: {  	s0 =	simm.s32 @!p3 $0x1  }
0x19d: {  	_ =	swait.ge @!p3 [sflag:s0], $0x1F400  }
0x19e: {  	s6 =	sld [smem:$0x7DA]  }
0x19f: {  	[sflag:s0] =	ssyncset.done @!p3 $0x0  }
0x1a0: {  	[sflag:s0] =	ssyncadd.s32 @!p3 $0xFFFE0C00  }
0x1a1: {  	[hbm4b:s6+s7] =	stream.linear.scatter @!p3 [tilespmem:s7], [sflag:$0x1], $0x1F400, $0x38;
	[tilespmem:$0x1F400] =	vst v63  }
0x1a2: {  	_ =	swait.ge @!p3 [sflag:s0], $0x1F400  }
0x1a3: {  	s6 =	sld [smem:$0x7DB]  }
0x1a4: {  	[sflag:s0] =	ssyncset.done @!p3 $0x0  }
0x1a5: {  	s10 =	simm.s32 @!p2 $0x1;
	s7 =	simm.s32 @!p2 $0x0;
	[sflag:s0] =	ssyncadd.s32 @!p3 $0xFFFE0C00  }
0x1a6: {  	[tilespmem:s7], [sflag:$0x1] =	stream.linear.gather @!p2 [hbm4b:s6+s7], $0x1F400, $0x38;
	[tilespmem:$0x1F400] =	vst v63  }
0x1a7: {  	_ =	swait.ge @!p2 [sflag:s10], $0x1F400  }
0x1a8: {  	s6 =	sld [smem:$0x7DC]  }
0x1a9: {  	[sflag:s10] =	ssyncset.done @!p2 $0x0  }
0x1aa: {  	[sflag:s10] =	ssyncadd.s32 @!p2 $0xFFFE0C00  }
0x1ab: {  	[hbm4b:s6+s7] =	stream.linear.scatter @!p2 [tilespmem:s7], [sflag:$0x1], $0x1F400, $0x38;
	[tilespmem:$0x1F400] =	vst v63  }
0x1ac: {  	_ =	swait.ge @!p2 [sflag:s10], $0x1F400  }
0x1ad: {  	s6 =	sld [smem:$0x7DD]  }
0x1ae: {  	[sflag:s10] =	ssyncset.done @!p2 $0x0  }
0x1af: {  	s18 =	simm.s32 @!p4 $0x1;
	s7 =	simm.s32 @!p4 $0x0;
	[sflag:s10] =	ssyncadd.s32 @!p2 $0xFFFE0C00  }
0x1b0: {  	[tilespmem:s7], [sflag:$0x1] =	stream.linear.gather @!p4 [hbm4b:s6+s7], $0x1F400, $0x38;
	[tilespmem:$0x1F400] =	vst v63  }
0x1b1: {  	_ =	swait.ge @!p4 [sflag:s18], $0x1F400  }
0x1b2: {  	s6 =	sld [smem:$0x7DE]  }
0x1b3: {  	[sflag:s18] =	ssyncset.done @!p4 $0x0  }
0x1b4: {  	[sflag:s18] =	ssyncadd.s32 @!p4 $0xFFFE0C00  }
0x1b5: {  	[hbm4b:s6+s7] =	stream.linear.scatter @!p4 [tilespmem:s7], [sflag:$0x1], $0x1F400, $0x38;
	[tilespmem:$0x1F400] =	vst v63  }
0x1b6: {  	_ =	swait.ge @!p4 [sflag:s18], $0x1F400  }
0x1b7: {  	s6 =	sld [smem:$0x7DF]  }
0x1b8: {  	[sflag:s18] =	ssyncset.done @!p4 $0x0  }
0x1b9: {  	s22 =	simm.s32 @!p0 $0x1;
	s26 =	simm.s32 @!p0 $0x0;
	[sflag:s18] =	ssyncadd.s32 @!p4 $0xFFFE0C00  }
0x1ba: {  	[tilespmem:s26], [sflag:$0x1] =	stream.linear.gather @!p0 [hbm4b:s6+s26], $0x1F400, $0x38;
	[tilespmem:$0x1F400] =	vst v63  }
0x1bb: {  	_ =	swait.ge @!p0 [sflag:s22], $0x1F400  }
0x1bc: {  	s6 =	sld [smem:$0x7E0]  }
0x1bd: {  	[sflag:s22] =	ssyncset.done @!p0 $0x0  }
0x1be: {  	[sflag:s22] =	ssyncadd.s32 @!p0 $0xFFFE0C00  }
0x1bf: {  	[hbm4b:s6+s26] =	stream.linear.scatter @!p0 [tilespmem:s26], [sflag:$0x1], $0x1F400, $0x38;
	[tilespmem:$0x1F400] =	vst v63  }
0x1c0: {  	_ =	swait.ge @!p0 [sflag:s22], $0x1F400  }
0x1c1: {  	s6 =	sld [smem:$0x7E2]  }
0x1c2: {  	[sflag:s22] =	ssyncset.done @!p0 $0x0  }
0x1c3: {  	[sflag:s22] =	ssyncadd.s32 @!p0 $0xFFFE0C00  }
0x1c4: {  	[tilespmem:s26], [sflag:$0x1] =	stream.linear.gather @!p0 [hbm4b:s6+s26], $0x1F400, $0x38;
	[tilespmem:$0x1F400] =	vst v63  }
0x1c5: {  	_ =	swait.ge @!p0 [sflag:s22], $0x1F400  }
0x1c6: {  	s6 =	sld [smem:$0x7E3]  }
0x1c7: {  	[sflag:s22] =	ssyncset.done @!p0 $0x0  }
0x1c8: {  	[sflag:s22] =	ssyncadd.s32 @!p0 $0xFFFE0C00  }
0x1c9: {  	[hbm4b:s6+s26] =	stream.linear.scatter @!p0 [tilespmem:s26], [sflag:$0x1], $0x1F400, $0x38;
	[tilespmem:$0x1F400] =	vst v63  }
0x1ca: {  	_ =	swait.ge @!p0 [sflag:s22], $0x1F400  }
0x1cb: {  	s6 =	sld [smem:$0x7E4]  }
0x1cc: {  	[sflag:s22] =	ssyncset.done @!p0 $0x0  }
0x1cd: {  	[sflag:s22] =	ssyncadd.s32 @!p0 $0xFFFE0C00  }
0x1ce: {  	[tilespmem:s26], [sflag:$0x1] =	stream.linear.gather @!p0 [hbm4b:s6+s26], $0x1F400, $0x38;
	[tilespmem:$0x1F400] =	vst v63  }
0x1cf: {  	_ =	swait.ge @!p0 [sflag:s22], $0x1F400  }
0x1d0: {  	s6 =	sld [smem:$0x7E5]  }
0x1d1: {  	[sflag:s22] =	ssyncset.done @!p0 $0x0  }
0x1d2: {  	[sflag:s22] =	ssyncadd.s32 @!p0 $0xFFFE0C00  }
0x1d3: {  	[hbm4b:s6+s26] =	stream.linear.scatter @!p0 [tilespmem:s26], [sflag:$0x1], $0x1F400, $0x38;
	[tilespmem:$0x1F400] =	vst v63  }
0x1d4: {  	_ =	swait.ge @!p0 [sflag:s22], $0x1F400  }
0x1d5: {  	s6 =	sld [smem:$0x7E7]  }
0x1d6: {  	[sflag:s22] =	ssyncset.done @!p0 $0x0  }
0x1d7: {  	[sflag:s22] =	ssyncadd.s32 @!p0 $0xFFFE0C00  }
0x1d8: {  	[tilespmem:s26], [sflag:$0x1] =	stream.linear.gather @!p0 [hbm4b:s6+s26], $0x1F400, $0x38;
	[tilespmem:$0x1F400] =	vst v63  }
0x1d9: {  	_ =	swait.ge @!p0 [sflag:s22], $0x1F400  }
0x1da: {  	s6 =	sld [smem:$0x7E8]  }
0x1db: {  	s31 =	sadd.s32 $0xFFFFFFFF, s14;
	[sflag:s22] =	ssyncset.done @!p0 $0x0  }
0x1dc: {  	s24 =	simm.s32 @!p3 $0x0;
	p3 =	sne.s32 s31, $0x0;
	[sflag:s22] =	ssyncadd.s32 @!p0 $0xFFFE0C00  }
0x1dd: {  	[hbm4b:s6+s26] =	stream.linear.scatter @!p0 [tilespmem:s26], [sflag:$0x1], $0x1F400, $0x38;
	[tilespmem:$0x1F400] =	vst v63  }
0x1de: {  	s6 =	simm.s32 @!p3 $0x0  }
0x1df: {  	s6 =	simm.s32 @p3 $0x1  }
0x1e0: {  	[smem:$0x7BA] =	sst s6  }
0x1e1: {  	_ =	swait.ge @!p0 [sflag:s22], $0x1F400  }
0x1e2: {  	s14 =	sld [smem:$0x7BA]  }
0x1e3: {  	p3 =	por $0x1, $0x1  }
0x1e4: {  	s6 =	simm.s32 @!p3 $0x0  }
0x1e5: {  	s6 =	simm.s32 @p3 $0x1;
	p3 =	seq.s32 s14, $0x1  }
.Ltmp1:
0x1e6: {  	_ = 	snop;
	(pc) =	sbr.rel @!p3 .LBB2_3-.Ltmp1, $3  }
0x1e7: {  	_ =	sdelay $0x1  }
0x1e8: {  	[smem:$0x7BB] =	sst s6  }
0x1e9: {  	[sflag:s22] =	ssyncset.done @!p0 $0x0;
	s6 =	rddreg [dreg:$0x3]  }
.LBB2_4:
0x1ea: {  	s31 =	sadd.s32 $0xFFFFFFFF, s31  }
0x1eb: {  	[sflag:s22] =	ssyncadd.s32 @!p0 $0xFFFE0C00;
	p3 =	sne.s32 s31, $0x0  }
0x1ec: {  	[tilespmem:s2], [sflag:$0x1] =	stream.linear.gather [hbm4b:s6+s2], $0x1F400, $0x38;
	[tilespmem:$0x1F400] =	vst v63  }
0x1ed: {  	s7 =	simm.s32 @!p3 $0x0  }
0x1ee: {  	s7 =	simm.s32 @p3 $0x1  }
0x1ef: {  	[smem:$0x7A8] =	sst s7  }
0x1f0: {  	_ =	swait.ge [sflag:s3], $0x1F400  }
0x1f1: {  	[sflag:s3] =	ssyncset.done $0x0  }
0x1f2: {  	s7 =	rddreg [dreg:$0x4];
	[sflag:s3] =	ssyncadd.s32 $0xFFFE0C00  }
0x1f3: {  	[hbm4b:s7+s2] =	stream.linear.scatter [tilespmem:s2], [sflag:$0x1], $0x1F400, $0x38;
	[tilespmem:$0x1F400] =	vst v63  }
0x1f4: {  	_ =	swait.ge [sflag:s3], $0x1F400  }
0x1f5: {  	[sflag:s3] =	ssyncset.done $0x0  }
0x1f6: {  	s14 =	rddreg [dreg:$0x5];
	[sflag:s3] =	ssyncadd.s32 $0xFFFE0C00  }
0x1f7: {  	[tilespmem:s2], [sflag:$0x1] =	stream.linear.gather [hbm4b:s14+s2], $0x1F400, $0x38;
	[tilespmem:$0x1F400] =	vst v63  }
0x1f8: {  	_ =	swait.ge [sflag:s3], $0x1F400  }
0x1f9: {  	[sflag:s3] =	ssyncset.done $0x0  }
0x1fa: {  	s7 =	rddreg [dreg:$0x6];
	[sflag:s3] =	ssyncadd.s32 $0xFFFE0C00  }
0x1fb: {  	[hbm4b:s7+s2] =	stream.linear.scatter [tilespmem:s2], [sflag:$0x1], $0x1F400, $0x38;
	[tilespmem:$0x1F400] =	vst v63  }
0x1fc: {  	_ =	swait.ge [sflag:s3], $0x1F400  }
0x1fd: {  	[sflag:s3] =	ssyncset.done $0x0  }
0x1fe: {  	s14 =	rddreg [dreg:$0x7];
	[sflag:s3] =	ssyncadd.s32 $0xFFFE0C00  }
0x1ff: {  	[tilespmem:s2], [sflag:$0x1] =	stream.linear.gather [hbm4b:s14+s2], $0x1F400, $0x38;
	[tilespmem:$0x1F400] =	vst v63  }
0x200: {  	_ =	swait.ge [sflag:s3], $0x1F400  }
0x201: {  	[sflag:s3] =	ssyncset.done $0x0  }
0x202: {  	s7 =	rddreg [dreg:$0x8];
	[sflag:s3] =	ssyncadd.s32 $0xFFFE0C00  }
0x203: {  	[hbm4b:s7+s2] =	stream.linear.scatter [tilespmem:s2], [sflag:$0x1], $0x1F400, $0x38;
	[tilespmem:$0x1F400] =	vst v63  }
0x204: {  	_ =	swait.ge [sflag:s3], $0x1F400  }
0x205: {  	[sflag:s3] =	ssyncset.done $0x0  }
0x206: {  	s14 =	rddreg [dreg:$0x9];
	[sflag:s3] =	ssyncadd.s32 $0xFFFE0C00  }
0x207: {  	[tilespmem:s2], [sflag:$0x1] =	stream.linear.gather [hbm4b:s14+s2], $0x1F400, $0x38;
	[tilespmem:$0x1F400] =	vst v63  }
0x208: {  	_ =	swait.ge [sflag:s3], $0x1F400  }
0x209: {  	[sflag:s3] =	ssyncset.done $0x0  }
0x20a: {  	s7 =	rddreg [dreg:$0xa];
	[sflag:s3] =	ssyncadd.s32 $0xFFFE0C00  }
0x20b: {  	[hbm4b:s7+s2] =	stream.linear.scatter [tilespmem:s2], [sflag:$0x1], $0x1F400, $0x38;
	[tilespmem:$0x1F400] =	vst v63  }
0x20c: {  	_ =	swait.ge [sflag:s3], $0x1F400  }
0x20d: {  	[sflag:s3] =	ssyncset.done $0x0  }
0x20e: {  	s14 =	rddreg [dreg:$0xb];
	[sflag:s3] =	ssyncadd.s32 $0xFFFE0C00  }
0x20f: {  	[tilespmem:s2], [sflag:$0x1] =	stream.linear.gather [hbm4b:s14+s2], $0x1F400, $0x38;
	[tilespmem:$0x1F400] =	vst v63  }
0x210: {  	_ =	swait.ge [sflag:s3], $0x1F400  }
0x211: {  	[sflag:s3] =	ssyncset.done $0x0  }
0x212: {  	s7 =	rddreg [dreg:$0xc];
	[sflag:s3] =	ssyncadd.s32 $0xFFFE0C00  }
0x213: {  	[hbm4b:s7+s2] =	stream.linear.scatter [tilespmem:s2], [sflag:$0x1], $0x1F400, $0x38;
	[tilespmem:$0x1F400] =	vst v63  }
0x214: {  	_ =	swait.ge [sflag:s3], $0x1F400  }
0x215: {  	[sflag:s3] =	ssyncset.done $0x0  }
0x216: {  	s14 =	rddreg [dreg:$0xd];
	[sflag:s3] =	ssyncadd.s32 $0xFFFE0C00  }
0x217: {  	[tilespmem:s2], [sflag:$0x1] =	stream.linear.gather [hbm4b:s14+s2], $0x1F400, $0x38;
	[tilespmem:$0x1F400] =	vst v63  }
0x218: {  	_ =	swait.ge [sflag:s3], $0x1F400  }
0x219: {  	[sflag:s3] =	ssyncset.done $0x0  }
0x21a: {  	s7 =	rddreg [dreg:$0xe];
	[sflag:s3] =	ssyncadd.s32 $0xFFFE0C00  }
0x21b: {  	[hbm4b:s7+s2] =	stream.linear.scatter [tilespmem:s2], [sflag:$0x1], $0x1F400, $0x38;
	[tilespmem:$0x1F400] =	vst v63  }
0x21c: {  	_ =	swait.ge [sflag:s3], $0x1F400  }
0x21d: {  	[sflag:s3] =	ssyncset.done $0x0  }
0x21e: {  	s14 =	rddreg [dreg:$0xf];
	[sflag:s3] =	ssyncadd.s32 $0xFFFE0C00  }
0x21f: {  	[tilespmem:s2], [sflag:$0x1] =	stream.linear.gather [hbm4b:s14+s2], $0x1F400, $0x38;
	[tilespmem:$0x1F400] =	vst v63  }
0x220: {  	_ =	swait.ge [sflag:s3], $0x1F400  }
0x221: {  	[sflag:s3] =	ssyncset.done $0x0  }
0x222: {  	s7 =	rddreg [dreg:$0x10];
	[sflag:s3] =	ssyncadd.s32 $0xFFFE0C00  }
0x223: {  	[hbm4b:s7+s2] =	stream.linear.scatter [tilespmem:s2], [sflag:$0x1], $0x1F400, $0x38;
	[tilespmem:$0x1F400] =	vst v63  }
0x224: {  	_ =	swait.ge [sflag:s3], $0x1F400  }
0x225: {  	[sflag:s3] =	ssyncset.done $0x0  }
0x226: {  	s14 =	rddreg [dreg:$0x11];
	[sflag:s3] =	ssyncadd.s32 $0xFFFE0C00  }
0x227: {  	[tilespmem:s2], [sflag:$0x1] =	stream.linear.gather [hbm4b:s14+s2], $0x1F400, $0x38;
	[tilespmem:$0x1F400] =	vst v63  }
0x228: {  	_ =	swait.ge [sflag:s3], $0x1F400  }
0x229: {  	[sflag:s3] =	ssyncset.done $0x0  }
0x22a: {  	s7 =	rddreg [dreg:$0x12];
	[sflag:s3] =	ssyncadd.s32 $0xFFFE0C00  }
0x22b: {  	[hbm4b:s7+s2] =	stream.linear.scatter [tilespmem:s2], [sflag:$0x1], $0x1F400, $0x38;
	[tilespmem:$0x1F400] =	vst v63  }
0x22c: {  	_ =	swait.ge [sflag:s3], $0x1F400  }
0x22d: {  	s14 =	simm.s32 @!p1 $0x0;
	[sflag:s3] =	ssyncset.done $0x0  }
0x22e: {  	s7 =	simm.s32 @!p1 $0x1;
	s6 =	rddreg [dreg:$0x13];
	[sflag:s3] =	ssyncadd.s32 $0xFFFE0C00  }
0x22f: {  	[tilespmem:s14], [sflag:$0x1] =	stream.linear.gather @!p1 [hbm4b:s6+s14], $0x1F400, $0x38;
	[tilespmem:$0x1F400] =	vst v63  }
0x230: {  	_ =	swait.ge @!p1 [sflag:s7], $0x1F400  }
0x231: {  	[sflag:s7] =	ssyncset.done @!p1 $0x0  }
0x232: {  	s6 =	rddreg [dreg:$0x14];
	[sflag:s7] =	ssyncadd.s32 @!p1 $0xFFFE0C00  }
0x233: {  	[hbm4b:s6+s14] =	stream.linear.scatter @!p1 [tilespmem:s14], [sflag:$0x1], $0x1F400, $0x38;
	[tilespmem:$0x1F400] =	vst v63  }
0x234: {  	_ =	swait.ge @!p1 [sflag:s7], $0x1F400  }
0x235: {  	s14 =	sld [smem:$0x7E9]  }
0x236: {  	[sflag:s7] =	ssyncset.done @!p1 $0x0  }
0x237: {  	[sflag:s7] =	ssyncadd.s32 @!p1 $0xFFFE0C00;
	s7 =	sld [smem:$0x7A9]  }
0x238: {  	s6 =	rddreg [dreg:$0x15];
	p3 =	seq.s32 s14, $0x1  }
0x239: {  	[tilespmem:s5], [sflag:$0x1] =	stream.linear.gather @!p3 [hbm4b:s6+s5], $0x1F400, $0x38;
	[tilespmem:$0x1F400] =	vst v63  }
0x23a: {  	_ =	swait.ge @!p3 [sflag:s7], $0x1F400  }
0x23b: {  	[sflag:s7] =	ssyncset.done @!p3 $0x0  }
0x23c: {  	s6 =	rddreg [dreg:$0x16];
	[sflag:s7] =	ssyncadd.s32 @!p3 $0xFFFE0C00  }
0x23d: {  	[hbm4b:s6+s5] =	stream.linear.scatter @!p3 [tilespmem:s5], [sflag:$0x1], $0x1F400, $0x38;
	[tilespmem:$0x1F400] =	vst v63  }
0x23e: {  	_ =	swait.ge @!p3 [sflag:s7], $0x1F400  }
0x23f: {  	s14 =	sld [smem:$0x7EA];
	_ =	sdelay $0x1  }
0x240: {  	[sflag:s7] =	ssyncset.done @!p3 $0x0  }
0x241: {  	[sflag:s7] =	ssyncadd.s32 @!p3 $0xFFFE0C00;
	p3 =	seq.s32 s14, $0x1;
	s14 =	sld [smem:$0x7AA]  }
0x242: {  	s6 =	rddreg [dreg:$0x17]  }
0x243: {  	[tilespmem:s9], [sflag:$0x1] =	stream.linear.gather @!p3 [hbm4b:s6+s9], $0x1F400, $0x38;
	[tilespmem:$0x1F400] =	vst v63  }
0x244: {  	_ =	swait.ge @!p3 [sflag:s14], $0x1F400  }
0x245: {  	[sflag:s14] =	ssyncset.done @!p3 $0x0  }
0x246: {  	s6 =	rddreg [dreg:$0x18];
	[sflag:s14] =	ssyncadd.s32 @!p3 $0xFFFE0C00  }
0x247: {  	[hbm4b:s6+s9] =	stream.linear.scatter @!p3 [tilespmem:s9], [sflag:$0x1], $0x1F400, $0x38;
	[tilespmem:$0x1F400] =	vst v63  }
0x248: {  	_ =	swait.ge @!p3 [sflag:s14], $0x1F400  }
0x249: {  	[sflag:s14] =	ssyncset.done @!p3 $0x0  }
0x24a: {  	[sflag:s14] =	ssyncadd.s32 @!p3 $0xFFFE0C00;
	s14 =	sld [smem:$0x7EB];
	_ =	sdelay $0x2  }
0x24b: {  	p3 =	seq.s32 s14, $0x1;
	s14 =	sld [smem:$0x7AB]  }
0x24c: {  	s6 =	rddreg [dreg:$0x19]  }
0x24d: {  	[tilespmem:s11], [sflag:$0x1] =	stream.linear.gather @!p3 [hbm4b:s6+s11], $0x1F400, $0x38;
	[tilespmem:$0x1F400] =	vst v63  }
0x24e: {  	_ =	swait.ge @!p3 [sflag:s14], $0x1F400  }
0x24f: {  	[sflag:s14] =	ssyncset.done @!p3 $0x0  }
0x250: {  	s6 =	rddreg [dreg:$0x1a];
	[sflag:s14] =	ssyncadd.s32 @!p3 $0xFFFE0C00  }
0x251: {  	[hbm4b:s6+s11] =	stream.linear.scatter @!p3 [tilespmem:s11], [sflag:$0x1], $0x1F400, $0x38;
	[tilespmem:$0x1F400] =	vst v63  }
0x252: {  	_ =	swait.ge @!p3 [sflag:s14], $0x1F400  }
0x253: {  	[sflag:s14] =	ssyncset.done @!p3 $0x0  }
0x254: {  	[sflag:s14] =	ssyncadd.s32 @!p3 $0xFFFE0C00;
	s14 =	sld [smem:$0x7EC];
	_ =	sdelay $0x2  }
0x255: {  	p3 =	seq.s32 s14, $0x1;
	s14 =	sld [smem:$0x7AC]  }
0x256: {  	s6 =	rddreg [dreg:$0x1b]  }
0x257: {  	[tilespmem:s13], [sflag:$0x1] =	stream.linear.gather @!p3 [hbm4b:s6+s13], $0x1F400, $0x38;
	[tilespmem:$0x1F400] =	vst v63  }
0x258: {  	_ =	swait.ge @!p3 [sflag:s14], $0x1F400  }
0x259: {  	[sflag:s14] =	ssyncset.done @!p3 $0x0  }
0x25a: {  	s6 =	rddreg [dreg:$0x1c];
	[sflag:s14] =	ssyncadd.s32 @!p3 $0xFFFE0C00  }
0x25b: {  	[hbm4b:s6+s13] =	stream.linear.scatter @!p3 [tilespmem:s13], [sflag:$0x1], $0x1F400, $0x38;
	[tilespmem:$0x1F400] =	vst v63  }
0x25c: {  	_ =	swait.ge @!p3 [sflag:s14], $0x1F400  }
0x25d: {  	[sflag:s14] =	ssyncset.done @!p3 $0x0  }
0x25e: {  	[sflag:s14] =	ssyncadd.s32 @!p3 $0xFFFE0C00;
	s14 =	sld [smem:$0x7ED];
	_ =	sdelay $0x2  }
0x25f: {  	p3 =	seq.s32 s14, $0x1;
	s14 =	sld [smem:$0x7AD]  }
0x260: {  	s6 =	rddreg [dreg:$0x1d]  }
0x261: {  	[tilespmem:s15], [sflag:$0x1] =	stream.linear.gather @!p3 [hbm4b:s6+s15], $0x1F400, $0x38;
	[tilespmem:$0x1F400] =	vst v63  }
0x262: {  	_ =	swait.ge @!p3 [sflag:s14], $0x1F400  }
0x263: {  	[sflag:s14] =	ssyncset.done @!p3 $0x0  }
0x264: {  	s6 =	rddreg [dreg:$0x1e];
	[sflag:s14] =	ssyncadd.s32 @!p3 $0xFFFE0C00  }
0x265: {  	[hbm4b:s6+s15] =	stream.linear.scatter @!p3 [tilespmem:s15], [sflag:$0x1], $0x1F400, $0x38;
	[tilespmem:$0x1F400] =	vst v63  }
0x266: {  	_ =	swait.ge @!p3 [sflag:s14], $0x1F400  }
0x267: {  	[sflag:s14] =	ssyncset.done @!p3 $0x0  }
0x268: {  	[sflag:s14] =	ssyncadd.s32 @!p3 $0xFFFE0C00;
	s14 =	sld [smem:$0x7EE];
	_ =	sdelay $0x2  }
0x269: {  	p3 =	seq.s32 s14, $0x1;
	s14 =	sld [smem:$0x7AE]  }
0x26a: {  	s6 =	rddreg [dreg:$0x1f]  }
0x26b: {  	[tilespmem:s17], [sflag:$0x1] =	stream.linear.gather @!p3 [hbm4b:s6+s17], $0x1F400, $0x38;
	[tilespmem:$0x1F400] =	vst v63  }
0x26c: {  	_ =	swait.ge @!p3 [sflag:s14], $0x1F400  }
0x26d: {  	s6 =	sld [smem:$0x7BC]  }
0x26e: {  	[sflag:s14] =	ssyncset.done @!p3 $0x0  }
0x26f: {  	[sflag:s14] =	ssyncadd.s32 @!p3 $0xFFFE0C00  }
0x270: {  	[hbm4b:s6+s17] =	stream.linear.scatter @!p3 [tilespmem:s17], [sflag:$0x1], $0x1F400, $0x38;
	[tilespmem:$0x1F400] =	vst v63  }
0x271: {  	_ =	swait.ge @!p3 [sflag:s14], $0x1F400  }
0x272: {  	[sflag:s14] =	ssyncset.done @!p3 $0x0  }
0x273: {  	[sflag:s14] =	ssyncadd.s32 @!p3 $0xFFFE0C00;
	s14 =	sld [smem:$0x7EF];
	_ =	sdelay $0x1  }
0x274: {  	s6 =	sld [smem:$0x7BD]  }
0x275: {  	p3 =	seq.s32 s14, $0x1;
	s14 =	sld [smem:$0x7AF];
	_ =	sdelay $0x1  }
0x276: {  	[tilespmem:s19], [sflag:$0x1] =	stream.linear.gather @!p3 [hbm4b:s6+s19], $0x1F400, $0x38;
	[tilespmem:$0x1F400] =	vst v63  }
0x277: {  	_ =	swait.ge @!p3 [sflag:s14], $0x1F400  }
0x278: {  	s6 =	sld [smem:$0x7BE]  }
0x279: {  	[sflag:s14] =	ssyncset.done @!p3 $0x0  }
0x27a: {  	[sflag:s14] =	ssyncadd.s32 @!p3 $0xFFFE0C00  }
0x27b: {  	[hbm4b:s6+s19] =	stream.linear.scatter @!p3 [tilespmem:s19], [sflag:$0x1], $0x1F400, $0x38;
	[tilespmem:$0x1F400] =	vst v63  }
0x27c: {  	_ =	swait.ge @!p3 [sflag:s14], $0x1F400  }
0x27d: {  	[sflag:s14] =	ssyncset.done @!p3 $0x0  }
0x27e: {  	[sflag:s14] =	ssyncadd.s32 @!p3 $0xFFFE0C00;
	s14 =	sld [smem:$0x7F0];
	_ =	sdelay $0x1  }
0x27f: {  	s6 =	sld [smem:$0x7BF]  }
0x280: {  	p3 =	seq.s32 s14, $0x1;
	s14 =	sld [smem:$0x7B0];
	_ =	sdelay $0x1  }
0x281: {  	[tilespmem:s21], [sflag:$0x1] =	stream.linear.gather @!p3 [hbm4b:s6+s21], $0x1F400, $0x38;
	[tilespmem:$0x1F400] =	vst v63  }
0x282: {  	_ =	swait.ge @!p3 [sflag:s14], $0x1F400  }
0x283: {  	s6 =	sld [smem:$0x7C0]  }
0x284: {  	[sflag:s14] =	ssyncset.done @!p3 $0x0  }
0x285: {  	[sflag:s14] =	ssyncadd.s32 @!p3 $0xFFFE0C00  }
0x286: {  	[hbm4b:s6+s21] =	stream.linear.scatter @!p3 [tilespmem:s21], [sflag:$0x1], $0x1F400, $0x38;
	[tilespmem:$0x1F400] =	vst v63  }
0x287: {  	_ =	swait.ge @!p3 [sflag:s14], $0x1F400  }
0x288: {  	[sflag:s14] =	ssyncset.done @!p3 $0x0  }
0x289: {  	[sflag:s14] =	ssyncadd.s32 @!p3 $0xFFFE0C00;
	s14 =	sld [smem:$0x7F1];
	_ =	sdelay $0x1  }
0x28a: {  	s6 =	sld [smem:$0x7C1]  }
0x28b: {  	p3 =	seq.s32 s14, $0x1;
	s14 =	sld [smem:$0x7B1];
	_ =	sdelay $0x1  }
0x28c: {  	[tilespmem:s23], [sflag:$0x1] =	stream.linear.gather @!p3 [hbm4b:s6+s23], $0x1F400, $0x38;
	[tilespmem:$0x1F400] =	vst v63  }
0x28d: {  	_ =	swait.ge @!p3 [sflag:s14], $0x1F400  }
0x28e: {  	s6 =	sld [smem:$0x7C2]  }
0x28f: {  	[sflag:s14] =	ssyncset.done @!p3 $0x0  }
0x290: {  	[sflag:s14] =	ssyncadd.s32 @!p3 $0xFFFE0C00  }
0x291: {  	[hbm4b:s6+s23] =	stream.linear.scatter @!p3 [tilespmem:s23], [sflag:$0x1], $0x1F400, $0x38;
	[tilespmem:$0x1F400] =	vst v63  }
0x292: {  	_ =	swait.ge @!p3 [sflag:s14], $0x1F400  }
0x293: {  	[sflag:s14] =	ssyncset.done @!p3 $0x0  }
0x294: {  	[sflag:s14] =	ssyncadd.s32 @!p3 $0xFFFE0C00;
	s14 =	sld [smem:$0x7F2];
	_ =	sdelay $0x1  }
0x295: {  	s6 =	sld [smem:$0x7C3]  }
0x296: {  	p3 =	seq.s32 s14, $0x1;
	s14 =	sld [smem:$0x7B2];
	_ =	sdelay $0x1  }
0x297: {  	[tilespmem:s25], [sflag:$0x1] =	stream.linear.gather @!p3 [hbm4b:s6+s25], $0x1F400, $0x38;
	[tilespmem:$0x1F400] =	vst v63  }
0x298: {  	_ =	swait.ge @!p3 [sflag:s14], $0x1F400  }
0x299: {  	s6 =	sld [smem:$0x7C4]  }
0x29a: {  	[sflag:s14] =	ssyncset.done @!p3 $0x0  }
0x29b: {  	[sflag:s14] =	ssyncadd.s32 @!p3 $0xFFFE0C00  }
0x29c: {  	[hbm4b:s6+s25] =	stream.linear.scatter @!p3 [tilespmem:s25], [sflag:$0x1], $0x1F400, $0x38;
	[tilespmem:$0x1F400] =	vst v63  }
0x29d: {  	_ =	swait.ge @!p3 [sflag:s14], $0x1F400  }
0x29e: {  	[sflag:s14] =	ssyncset.done @!p3 $0x0  }
0x29f: {  	[sflag:s14] =	ssyncadd.s32 @!p3 $0xFFFE0C00;
	s14 =	sld [smem:$0x7F3];
	_ =	sdelay $0x1  }
0x2a0: {  	s6 =	sld [smem:$0x7C5]  }
0x2a1: {  	p3 =	seq.s32 s14, $0x1;
	s14 =	sld [smem:$0x7B3];
	_ =	sdelay $0x1  }
0x2a2: {  	[tilespmem:s28], [sflag:$0x1] =	stream.linear.gather @!p3 [hbm4b:s6+s28], $0x1F400, $0x38;
	[tilespmem:$0x1F400] =	vst v63  }
0x2a3: {  	_ =	swait.ge @!p3 [sflag:s14], $0x1F400  }
0x2a4: {  	s6 =	sld [smem:$0x7C6]  }
0x2a5: {  	[sflag:s14] =	ssyncset.done @!p3 $0x0  }
0x2a6: {  	[sflag:s14] =	ssyncadd.s32 @!p3 $0xFFFE0C00  }
0x2a7: {  	[hbm4b:s6+s28] =	stream.linear.scatter @!p3 [tilespmem:s28], [sflag:$0x1], $0x1F400, $0x38;
	[tilespmem:$0x1F400] =	vst v63  }
0x2a8: {  	_ =	swait.ge @!p3 [sflag:s14], $0x1F400  }
0x2a9: {  	[sflag:s14] =	ssyncset.done @!p3 $0x0  }
0x2aa: {  	[sflag:s14] =	ssyncadd.s32 @!p3 $0xFFFE0C00;
	s14 =	sld [smem:$0x7F4];
	_ =	sdelay $0x1  }
0x2ab: {  	s6 =	sld [smem:$0x7C7]  }
0x2ac: {  	p3 =	seq.s32 s14, $0x1;
	s14 =	sld [smem:$0x7B4];
	_ =	sdelay $0x1  }
0x2ad: {  	[tilespmem:s30], [sflag:$0x1] =	stream.linear.gather @!p3 [hbm4b:s6+s30], $0x1F400, $0x38;
	[tilespmem:$0x1F400] =	vst v63  }
0x2ae: {  	_ =	swait.ge @!p3 [sflag:s14], $0x1F400  }
0x2af: {  	s6 =	sld [smem:$0x7C8]  }
0x2b0: {  	[sflag:s14] =	ssyncset.done @!p3 $0x0  }
0x2b1: {  	[sflag:s14] =	ssyncadd.s32 @!p3 $0xFFFE0C00  }
0x2b2: {  	[hbm4b:s6+s30] =	stream.linear.scatter @!p3 [tilespmem:s30], [sflag:$0x1], $0x1F400, $0x38;
	[tilespmem:$0x1F400] =	vst v63  }
0x2b3: {  	_ =	swait.ge @!p3 [sflag:s14], $0x1F400  }
0x2b4: {  	[sflag:s14] =	ssyncset.done @!p3 $0x0  }
0x2b5: {  	[sflag:s14] =	ssyncadd.s32 @!p3 $0xFFFE0C00;
	s14 =	sld [smem:$0x7F5];
	_ =	sdelay $0x1  }
0x2b6: {  	s6 =	sld [smem:$0x7C9]  }
0x2b7: {  	p3 =	seq.s32 s14, $0x1;
	s14 =	sld [smem:$0x7B5];
	_ =	sdelay $0x1  }
0x2b8: {  	[tilespmem:s1], [sflag:$0x1] =	stream.linear.gather @!p3 [hbm4b:s6+s1], $0x1F400, $0x38;
	[tilespmem:$0x1F400] =	vst v63  }
0x2b9: {  	_ =	swait.ge @!p3 [sflag:s14], $0x1F400  }
0x2ba: {  	s6 =	sld [smem:$0x7CA]  }
0x2bb: {  	[sflag:s14] =	ssyncset.done @!p3 $0x0  }
0x2bc: {  	[sflag:s14] =	ssyncadd.s32 @!p3 $0xFFFE0C00  }
0x2bd: {  	[hbm4b:s6+s1] =	stream.linear.scatter @!p3 [tilespmem:s1], [sflag:$0x1], $0x1F400, $0x38;
	[tilespmem:$0x1F400] =	vst v63  }
0x2be: {  	_ =	swait.ge @!p3 [sflag:s14], $0x1F400  }
0x2bf: {  	[sflag:s14] =	ssyncset.done @!p3 $0x0  }
0x2c0: {  	[sflag:s14] =	ssyncadd.s32 @!p3 $0xFFFE0C00;
	s14 =	sld [smem:$0x7F6];
	_ =	sdelay $0x1  }
0x2c1: {  	s6 =	sld [smem:$0x7CB]  }
0x2c2: {  	p3 =	seq.s32 s14, $0x1;
	s14 =	sld [smem:$0x7B6];
	_ =	sdelay $0x1  }
0x2c3: {  	[tilespmem:s4], [sflag:$0x1] =	stream.linear.gather @!p3 [hbm4b:s6+s4], $0x1F400, $0x38;
	[tilespmem:$0x1F400] =	vst v63  }
0x2c4: {  	_ =	swait.ge @!p3 [sflag:s14], $0x1F400  }
0x2c5: {  	s6 =	sld [smem:$0x7CC]  }
0x2c6: {  	[sflag:s14] =	ssyncset.done @!p3 $0x0  }
0x2c7: {  	[sflag:s14] =	ssyncadd.s32 @!p3 $0xFFFE0C00  }
0x2c8: {  	[hbm4b:s6+s4] =	stream.linear.scatter @!p3 [tilespmem:s4], [sflag:$0x1], $0x1F400, $0x38;
	[tilespmem:$0x1F400] =	vst v63  }
0x2c9: {  	_ =	swait.ge @!p3 [sflag:s14], $0x1F400  }
0x2ca: {  	s6 =	sld [smem:$0x7CD]  }
0x2cb: {  	[sflag:s14] =	ssyncset.done @!p3 $0x0  }
0x2cc: {  	s7 =	simm.s32 @!p6 $0x0;
	[sflag:s14] =	ssyncadd.s32 @!p3 $0xFFFE0C00;
	s14 =	simm.s32 @!p6 $0x1  }
0x2cd: {  	[tilespmem:s7], [sflag:$0x1] =	stream.linear.gather @!p6 [hbm4b:s6+s7], $0x1F400, $0x38;
	[tilespmem:$0x1F400] =	vst v63  }
0x2ce: {  	_ =	swait.ge @!p6 [sflag:s14], $0x1F400  }
0x2cf: {  	s6 =	sld [smem:$0x7CE]  }
0x2d0: {  	[sflag:s14] =	ssyncset.done @!p6 $0x0  }
0x2d1: {  	[sflag:s14] =	ssyncadd.s32 @!p6 $0xFFFE0C00  }
0x2d2: {  	[hbm4b:s6+s7] =	stream.linear.scatter @!p6 [tilespmem:s7], [sflag:$0x1], $0x1F400, $0x38;
	[tilespmem:$0x1F400] =	vst v63  }
0x2d3: {  	_ =	swait.ge @!p6 [sflag:s14], $0x1F400  }
0x2d4: {  	[sflag:s14] =	ssyncset.done @!p6 $0x0  }
0x2d5: {  	[sflag:s14] =	ssyncadd.s32 @!p6 $0xFFFE0C00;
	s14 =	sld [smem:$0x7F7];
	_ =	sdelay $0x1  }
0x2d6: {  	s6 =	sld [smem:$0x7CF]  }
0x2d7: {  	p3 =	seq.s32 s14, $0x1;
	s14 =	sld [smem:$0x7B7];
	_ =	sdelay $0x1  }
0x2d8: {  	[tilespmem:s8], [sflag:$0x1] =	stream.linear.gather @!p3 [hbm4b:s6+s8], $0x1F400, $0x38;
	[tilespmem:$0x1F400] =	vst v63  }
0x2d9: {  	_ =	swait.ge @!p3 [sflag:s14], $0x1F400  }
0x2da: {  	s6 =	sld [smem:$0x7D0]  }
0x2db: {  	[sflag:s14] =	ssyncset.done @!p3 $0x0  }
0x2dc: {  	[sflag:s14] =	ssyncadd.s32 @!p3 $0xFFFE0C00  }
0x2dd: {  	[hbm4b:s6+s8] =	stream.linear.scatter @!p3 [tilespmem:s8], [sflag:$0x1], $0x1F400, $0x38;
	[tilespmem:$0x1F400] =	vst v63  }
0x2de: {  	_ =	swait.ge @!p3 [sflag:s14], $0x1F400  }
0x2df: {  	[sflag:s14] =	ssyncset.done @!p3 $0x0  }
0x2e0: {  	[sflag:s14] =	ssyncadd.s32 @!p3 $0xFFFE0C00;
	s14 =	sld [smem:$0x7F8];
	_ =	sdelay $0x1  }
0x2e1: {  	s6 =	sld [smem:$0x7D1]  }
0x2e2: {  	p3 =	seq.s32 s14, $0x1;
	s14 =	sld [smem:$0x7B8];
	_ =	sdelay $0x1  }
0x2e3: {  	[tilespmem:s12], [sflag:$0x1] =	stream.linear.gather @!p3 [hbm4b:s6+s12], $0x1F400, $0x38;
	[tilespmem:$0x1F400] =	vst v63  }
0x2e4: {  	_ =	swait.ge @!p3 [sflag:s14], $0x1F400  }
0x2e5: {  	s6 =	sld [smem:$0x7D2]  }
0x2e6: {  	[sflag:s14] =	ssyncset.done @!p3 $0x0  }
0x2e7: {  	[sflag:s14] =	ssyncadd.s32 @!p3 $0xFFFE0C00  }
0x2e8: {  	[hbm4b:s6+s12] =	stream.linear.scatter @!p3 [tilespmem:s12], [sflag:$0x1], $0x1F400, $0x38;
	[tilespmem:$0x1F400] =	vst v63  }
0x2e9: {  	_ =	swait.ge @!p3 [sflag:s14], $0x1F400  }
0x2ea: {  	[sflag:s14] =	ssyncset.done @!p3 $0x0  }
0x2eb: {  	[sflag:s14] =	ssyncadd.s32 @!p3 $0xFFFE0C00;
	s14 =	sld [smem:$0x7F9];
	_ =	sdelay $0x1  }
0x2ec: {  	s6 =	sld [smem:$0x7D3]  }
0x2ed: {  	p3 =	seq.s32 s14, $0x1;
	s14 =	sld [smem:$0x7B9];
	_ =	sdelay $0x1  }
0x2ee: {  	[tilespmem:s16], [sflag:$0x1] =	stream.linear.gather @!p3 [hbm4b:s6+s16], $0x1F400, $0x38;
	[tilespmem:$0x1F400] =	vst v63  }
0x2ef: {  	_ =	swait.ge @!p3 [sflag:s14], $0x1F400  }
0x2f0: {  	s6 =	sld [smem:$0x7D4]  }
0x2f1: {  	[sflag:s14] =	ssyncset.done @!p3 $0x0  }
0x2f2: {  	[sflag:s14] =	ssyncadd.s32 @!p3 $0xFFFE0C00  }
0x2f3: {  	[hbm4b:s6+s16] =	stream.linear.scatter @!p3 [tilespmem:s16], [sflag:$0x1], $0x1F400, $0x38;
	[tilespmem:$0x1F400] =	vst v63  }
0x2f4: {  	_ =	swait.ge @!p3 [sflag:s14], $0x1F400  }
0x2f5: {  	s6 =	sld [smem:$0x7D5]  }
0x2f6: {  	[sflag:s14] =	ssyncset.done @!p3 $0x0  }
0x2f7: {  	s7 =	simm.s32 @!p5 $0x0;
	[sflag:s14] =	ssyncadd.s32 @!p3 $0xFFFE0C00;
	s14 =	simm.s32 @!p5 $0x1  }
0x2f8: {  	[tilespmem:s7], [sflag:$0x1] =	stream.linear.gather @!p5 [hbm4b:s6+s7], $0x1F400, $0x38;
	[tilespmem:$0x1F400] =	vst v63  }
0x2f9: {  	_ =	swait.ge @!p5 [sflag:s14], $0x1F400  }
0x2fa: {  	s6 =	sld [smem:$0x7D6]  }
0x2fb: {  	[sflag:s14] =	ssyncset.done @!p5 $0x0  }
0x2fc: {  	[sflag:s14] =	ssyncadd.s32 @!p5 $0xFFFE0C00  }
0x2fd: {  	[hbm4b:s6+s7] =	stream.linear.scatter @!p5 [tilespmem:s7], [sflag:$0x1], $0x1F400, $0x38;
	[tilespmem:$0x1F400] =	vst v63  }
0x2fe: {  	_ =	swait.ge @!p5 [sflag:s14], $0x1F400  }
0x2ff: {  	[sflag:s14] =	ssyncset.done @!p5 $0x0  }
0x300: {  	[sflag:s14] =	ssyncadd.s32 @!p5 $0xFFFE0C00;
	s14 =	sld [smem:$0x7FA]  }
0x301: {  	s6 =	sld [smem:$0x7D7];
	_ =	sdelay $0x1  }
0x302: {  	p3 =	seq.s32 s14, $0x1  }
0x303: {  	[tilespmem:s20], [sflag:$0x1] =	stream.linear.gather @!p3 [hbm4b:s6+s20], $0x1F400, $0x38;
	[tilespmem:$0x1F400] =	vst v63  }
0x304: {  	_ =	swait.ge @!p3 [sflag:s29], $0x1F400  }
0x305: {  	s6 =	sld [smem:$0x7D8]  }
0x306: {  	[sflag:s29] =	ssyncset.done @!p3 $0x0  }
0x307: {  	[sflag:s29] =	ssyncadd.s32 @!p3 $0xFFFE0C00  }
0x308: {  	[hbm4b:s6+s20] =	stream.linear.scatter @!p3 [tilespmem:s20], [sflag:$0x1], $0x1F400, $0x38;
	[tilespmem:$0x1F400] =	vst v63  }
0x309: {  	_ =	swait.ge @!p3 [sflag:s29], $0x1F400  }
0x30a: {  	s14 =	sld [smem:$0x7FB]  }
0x30b: {  	s6 =	sld [smem:$0x7D9]  }
0x30c: {  	[sflag:s29] =	ssyncset.done @!p3 $0x0  }
0x30d: {  	[sflag:s29] =	ssyncadd.s32 @!p3 $0xFFFE0C00;
	p3 =	seq.s32 s14, $0x1  }
0x30e: {  	[tilespmem:s24], [sflag:$0x1] =	stream.linear.gather @!p3 [hbm4b:s6+s24], $0x1F400, $0x38;
	[tilespmem:$0x1F400] =	vst v63  }
0x30f: {  	_ =	swait.ge @!p3 [sflag:s0], $0x1F400  }
0x310: {  	s6 =	sld [smem:$0x7DA]  }
0x311: {  	[sflag:s0] =	ssyncset.done @!p3 $0x0  }
0x312: {  	[sflag:s0] =	ssyncadd.s32 @!p3 $0xFFFE0C00  }
0x313: {  	[hbm4b:s6+s24] =	stream.linear.scatter @!p3 [tilespmem:s24], [sflag:$0x1], $0x1F400, $0x38;
	[tilespmem:$0x1F400] =	vst v63  }
0x314: {  	_ =	swait.ge @!p3 [sflag:s0], $0x1F400  }
0x315: {  	s6 =	sld [smem:$0x7DB]  }
0x316: {  	[sflag:s0] =	ssyncset.done @!p3 $0x0  }
0x317: {  	s7 =	simm.s32 @!p2 $0x0;
	[sflag:s0] =	ssyncadd.s32 @!p3 $0xFFFE0C00  }
0x318: {  	[tilespmem:s7], [sflag:$0x1] =	stream.linear.gather @!p2 [hbm4b:s6+s7], $0x1F400, $0x38;
	[tilespmem:$0x1F400] =	vst v63  }
0x319: {  	_ =	swait.ge @!p2 [sflag:s10], $0x1F400  }
0x31a: {  	s6 =	sld [smem:$0x7DC]  }
0x31b: {  	[sflag:s10] =	ssyncset.done @!p2 $0x0  }
0x31c: {  	[sflag:s10] =	ssyncadd.s32 @!p2 $0xFFFE0C00  }
0x31d: {  	[hbm4b:s6+s7] =	stream.linear.scatter @!p2 [tilespmem:s7], [sflag:$0x1], $0x1F400, $0x38;
	[tilespmem:$0x1F400] =	vst v63  }
0x31e: {  	_ =	swait.ge @!p2 [sflag:s10], $0x1F400  }
0x31f: {  	s6 =	sld [smem:$0x7DD]  }
0x320: {  	[sflag:s10] =	ssyncset.done @!p2 $0x0  }
0x321: {  	s7 =	simm.s32 @!p4 $0x0;
	[sflag:s10] =	ssyncadd.s32 @!p2 $0xFFFE0C00  }
0x322: {  	[tilespmem:s7], [sflag:$0x1] =	stream.linear.gather @!p4 [hbm4b:s6+s7], $0x1F400, $0x38;
	[tilespmem:$0x1F400] =	vst v63  }
0x323: {  	_ =	swait.ge @!p4 [sflag:s18], $0x1F400  }
0x324: {  	s6 =	sld [smem:$0x7DE]  }
0x325: {  	[sflag:s18] =	ssyncset.done @!p4 $0x0  }
0x326: {  	[sflag:s18] =	ssyncadd.s32 @!p4 $0xFFFE0C00  }
0x327: {  	[hbm4b:s6+s7] =	stream.linear.scatter @!p4 [tilespmem:s7], [sflag:$0x1], $0x1F400, $0x38;
	[tilespmem:$0x1F400] =	vst v63  }
0x328: {  	_ =	swait.ge @!p4 [sflag:s18], $0x1F400  }
0x329: {  	s6 =	sld [smem:$0x7DF]  }
0x32a: {  	[sflag:s18] =	ssyncset.done @!p4 $0x0  }
0x32b: {  	[sflag:s18] =	ssyncadd.s32 @!p4 $0xFFFE0C00  }
0x32c: {  	[tilespmem:s26], [sflag:$0x1] =	stream.linear.gather @!p0 [hbm4b:s6+s26], $0x1F400, $0x38;
	[tilespmem:$0x1F400] =	vst v63  }
0x32d: {  	_ =	swait.ge @!p0 [sflag:s22], $0x1F400  }
0x32e: {  	s6 =	sld [smem:$0x7E0]  }
0x32f: {  	[sflag:s22] =	ssyncset.done @!p0 $0x0  }
0x330: {  	[sflag:s22] =	ssyncadd.s32 @!p0 $0xFFFE0C00  }
0x331: {  	[hbm4b:s6+s26] =	stream.linear.scatter @!p0 [tilespmem:s26], [sflag:$0x1], $0x1F400, $0x38;
	[tilespmem:$0x1F400] =	vst v63  }
0x332: {  	_ =	swait.ge @!p0 [sflag:s22], $0x1F400  }
0x333: {  	s6 =	sld [smem:$0x7E2]  }
0x334: {  	[sflag:s22] =	ssyncset.done @!p0 $0x0  }
0x335: {  	[sflag:s22] =	ssyncadd.s32 @!p0 $0xFFFE0C00  }
0x336: {  	[tilespmem:s26], [sflag:$0x1] =	stream.linear.gather @!p0 [hbm4b:s6+s26], $0x1F400, $0x38;
	[tilespmem:$0x1F400] =	vst v63  }
0x337: {  	_ =	swait.ge @!p0 [sflag:s22], $0x1F400  }
0x338: {  	s6 =	sld [smem:$0x7E3]  }
0x339: {  	[sflag:s22] =	ssyncset.done @!p0 $0x0  }
0x33a: {  	[sflag:s22] =	ssyncadd.s32 @!p0 $0xFFFE0C00  }
0x33b: {  	[hbm4b:s6+s26] =	stream.linear.scatter @!p0 [tilespmem:s26], [sflag:$0x1], $0x1F400, $0x38;
	[tilespmem:$0x1F400] =	vst v63  }
0x33c: {  	_ =	swait.ge @!p0 [sflag:s22], $0x1F400  }
0x33d: {  	s6 =	sld [smem:$0x7E4]  }
0x33e: {  	[sflag:s22] =	ssyncset.done @!p0 $0x0  }
0x33f: {  	[sflag:s22] =	ssyncadd.s32 @!p0 $0xFFFE0C00  }
0x340: {  	[tilespmem:s26], [sflag:$0x1] =	stream.linear.gather @!p0 [hbm4b:s6+s26], $0x1F400, $0x38;
	[tilespmem:$0x1F400] =	vst v63  }
0x341: {  	_ =	swait.ge @!p0 [sflag:s22], $0x1F400  }
0x342: {  	s6 =	sld [smem:$0x7E5]  }
0x343: {  	[sflag:s22] =	ssyncset.done @!p0 $0x0  }
0x344: {  	[sflag:s22] =	ssyncadd.s32 @!p0 $0xFFFE0C00  }
0x345: {  	[hbm4b:s6+s26] =	stream.linear.scatter @!p0 [tilespmem:s26], [sflag:$0x1], $0x1F400, $0x38;
	[tilespmem:$0x1F400] =	vst v63  }
0x346: {  	_ =	swait.ge @!p0 [sflag:s22], $0x1F400  }
0x347: {  	s6 =	sld [smem:$0x7E7]  }
0x348: {  	[sflag:s22] =	ssyncset.done @!p0 $0x0  }
0x349: {  	[sflag:s22] =	ssyncadd.s32 @!p0 $0xFFFE0C00  }
0x34a: {  	[tilespmem:s26], [sflag:$0x1] =	stream.linear.gather @!p0 [hbm4b:s6+s26], $0x1F400, $0x38;
	[tilespmem:$0x1F400] =	vst v63  }
0x34b: {  	_ =	swait.ge @!p0 [sflag:s22], $0x1F400  }
0x34c: {  	s6 =	sld [smem:$0x7E8]  }
0x34d: {  	[sflag:s22] =	ssyncset.done @!p0 $0x0  }
0x34e: {  	[sflag:s22] =	ssyncadd.s32 @!p0 $0xFFFE0C00  }
0x34f: {  	[hbm4b:s6+s26] =	stream.linear.scatter @!p0 [tilespmem:s26], [sflag:$0x1], $0x1F400, $0x38;
	[tilespmem:$0x1F400] =	vst v63  }
0x350: {  	_ =	swait.ge @!p0 [sflag:s22], $0x1F400  }
0x351: {  	s14 =	sld [smem:$0x7A8];
	_ =	sdelay $0x2  }
0x352: {  	p3 =	seq.s32 s14, $0x1  }
.Ltmp2:
0x353: {  	_ = 	snop;
	(pc) =	sbr.rel @p3 .LBB2_4-.Ltmp2, $2  }
0x354: {  	_ =	sdelay $0x2  }
0x355: {  	s6 =	rddreg [dreg:$0x3];
	[sflag:s22] =	ssyncset.done @!p0 $0x0  }
0x356: {  	s0 =	sld [smem:$0x7F8];
	_ =	sdelay $0x2  }
0x357: {  	p3 =	seq.s32 s0, $0x1  }
.LBB2_6:
0x358: {  	s0 =	sld [smem:$0x7BB];
	_ =	sdelay $0x2  }
0x359: {  	p1 =	seq.s32 s0, $0x1  }
0x35a: {  	p1 =	por p0, !p1  }
0x35b: {  	[sflag:s22] =	ssyncadd.s32 @!p1 $0xFFFE0C00  }
0x35c: {  	[tilespmem:s2], [sflag:$0x1] =	stream.linear.gather [hbm4b:s6+s2], $0x1F400, $0x38;
	[tilespmem:$0x1F400] =	vst v63  }
0x35d: {  	_ =	swait.ge [sflag:s3], $0x1F400  }
0x35e: {  	[sflag:s3] =	ssyncset.done $0x0  }
0x35f: {  	s24 =	rddreg [dreg:$0x4];
	[sflag:s3] =	ssyncadd.s32 $0xFFFE0C00  }
0x360: {  	[hbm4b:s24+s2] =	stream.linear.scatter [tilespmem:s2], [sflag:$0x1], $0x1F400, $0x38;
	[tilespmem:$0x1F400] =	vst v63  }
0x361: {  	_ =	swait.ge [sflag:s3], $0x1F400  }
0x362: {  	[sflag:s3] =	ssyncset.done $0x0  }
0x363: {  	s25 =	rddreg [dreg:$0x5];
	[sflag:s3] =	ssyncadd.s32 $0xFFFE0C00  }
0x364: {  	[tilespmem:s2], [sflag:$0x1] =	stream.linear.gather [hbm4b:s25+s2], $0x1F400, $0x38;
	[tilespmem:$0x1F400] =	vst v63  }
0x365: {  	_ =	swait.ge [sflag:s3], $0x1F400  }
0x366: {  	[sflag:s3] =	ssyncset.done $0x0  }
0x367: {  	s26 =	rddreg [dreg:$0x6];
	[sflag:s3] =	ssyncadd.s32 $0xFFFE0C00  }
0x368: {  	[hbm4b:s26+s2] =	stream.linear.scatter [tilespmem:s2], [sflag:$0x1], $0x1F400, $0x38;
	[tilespmem:$0x1F400] =	vst v63  }
0x369: {  	_ =	swait.ge [sflag:s3], $0x1F400  }
0x36a: {  	[sflag:s3] =	ssyncset.done $0x0  }
0x36b: {  	s28 =	rddreg [dreg:$0x7];
	[sflag:s3] =	ssyncadd.s32 $0xFFFE0C00  }
0x36c: {  	[tilespmem:s2], [sflag:$0x1] =	stream.linear.gather [hbm4b:s28+s2], $0x1F400, $0x38;
	[tilespmem:$0x1F400] =	vst v63  }
0x36d: {  	_ =	swait.ge [sflag:s3], $0x1F400  }
0x36e: {  	[sflag:s3] =	ssyncset.done $0x0  }
0x36f: {  	s29 =	rddreg [dreg:$0x8];
	[sflag:s3] =	ssyncadd.s32 $0xFFFE0C00  }
0x370: {  	[hbm4b:s29+s2] =	stream.linear.scatter [tilespmem:s2], [sflag:$0x1], $0x1F400, $0x38;
	[tilespmem:$0x1F400] =	vst v63  }
0x371: {  	_ =	swait.ge [sflag:s3], $0x1F400  }
0x372: {  	[sflag:s3] =	ssyncset.done $0x0  }
0x373: {  	s30 =	rddreg [dreg:$0x9];
	[sflag:s3] =	ssyncadd.s32 $0xFFFE0C00  }
0x374: {  	[tilespmem:s2], [sflag:$0x1] =	stream.linear.gather [hbm4b:s30+s2], $0x1F400, $0x38;
	[tilespmem:$0x1F400] =	vst v63  }
0x375: {  	_ =	swait.ge [sflag:s3], $0x1F400  }
0x376: {  	[sflag:s3] =	ssyncset.done $0x0  }
0x377: {  	s31 =	rddreg [dreg:$0xa];
	[sflag:s3] =	ssyncadd.s32 $0xFFFE0C00  }
0x378: {  	[hbm4b:s31+s2] =	stream.linear.scatter [tilespmem:s2], [sflag:$0x1], $0x1F400, $0x38;
	[tilespmem:$0x1F400] =	vst v63  }
0x379: {  	_ =	swait.ge [sflag:s3], $0x1F400  }
0x37a: {  	[sflag:s3] =	ssyncset.done $0x0  }
0x37b: {  	s1 =	rddreg [dreg:$0xb];
	[sflag:s3] =	ssyncadd.s32 $0xFFFE0C00  }
0x37c: {  	[tilespmem:s2], [sflag:$0x1] =	stream.linear.gather [hbm4b:s1+s2], $0x1F400, $0x38;
	[tilespmem:$0x1F400] =	vst v63  }
0x37d: {  	_ =	swait.ge [sflag:s3], $0x1F400  }
0x37e: {  	[sflag:s3] =	ssyncset.done $0x0  }
0x37f: {  	s4 =	rddreg [dreg:$0xc];
	[sflag:s3] =	ssyncadd.s32 $0xFFFE0C00  }
0x380: {  	[hbm4b:s4+s2] =	stream.linear.scatter [tilespmem:s2], [sflag:$0x1], $0x1F400, $0x38;
	[tilespmem:$0x1F400] =	vst v63  }
0x381: {  	_ =	swait.ge [sflag:s3], $0x1F400  }
0x382: {  	[sflag:s3] =	ssyncset.done $0x0  }
0x383: {  	s5 =	rddreg [dreg:$0xd];
	[sflag:s3] =	ssyncadd.s32 $0xFFFE0C00  }
0x384: {  	[tilespmem:s2], [sflag:$0x1] =	stream.linear.gather [hbm4b:s5+s2], $0x1F400, $0x38;
	[tilespmem:$0x1F400] =	vst v63  }
0x385: {  	_ =	swait.ge [sflag:s3], $0x1F400  }
0x386: {  	[sflag:s3] =	ssyncset.done $0x0  }
0x387: {  	s6 =	rddreg [dreg:$0xe];
	[sflag:s3] =	ssyncadd.s32 $0xFFFE0C00  }
0x388: {  	[hbm4b:s6+s2] =	stream.linear.scatter [tilespmem:s2], [sflag:$0x1], $0x1F400, $0x38;
	[tilespmem:$0x1F400] =	vst v63  }
0x389: {  	_ =	swait.ge [sflag:s3], $0x1F400  }
0x38a: {  	[sflag:s3] =	ssyncset.done $0x0  }
0x38b: {  	s7 =	rddreg [dreg:$0xf];
	[sflag:s3] =	ssyncadd.s32 $0xFFFE0C00  }
0x38c: {  	[tilespmem:s2], [sflag:$0x1] =	stream.linear.gather [hbm4b:s7+s2], $0x1F400, $0x38;
	[tilespmem:$0x1F400] =	vst v63  }
0x38d: {  	_ =	swait.ge [sflag:s3], $0x1F400  }
0x38e: {  	[sflag:s3] =	ssyncset.done $0x0  }
0x38f: {  	s8 =	rddreg [dreg:$0x10];
	[sflag:s3] =	ssyncadd.s32 $0xFFFE0C00  }
0x390: {  	[hbm4b:s8+s2] =	stream.linear.scatter [tilespmem:s2], [sflag:$0x1], $0x1F400, $0x38;
	[tilespmem:$0x1F400] =	vst v63  }
0x391: {  	_ =	swait.ge [sflag:s3], $0x1F400  }
0x392: {  	[sflag:s3] =	ssyncset.done $0x0  }
0x393: {  	s9 =	rddreg [dreg:$0x11];
	[sflag:s3] =	ssyncadd.s32 $0xFFFE0C00  }
0x394: {  	[tilespmem:s2], [sflag:$0x1] =	stream.linear.gather [hbm4b:s9+s2], $0x1F400, $0x38;
	[tilespmem:$0x1F400] =	vst v63  }
0x395: {  	_ =	swait.ge [sflag:s3], $0x1F400  }
0x396: {  	[sflag:s3] =	ssyncset.done $0x0  }
0x397: {  	s10 =	rddreg [dreg:$0x12];
	[sflag:s3] =	ssyncadd.s32 $0xFFFE0C00  }
0x398: {  	[hbm4b:s10+s2] =	stream.linear.scatter [tilespmem:s2], [sflag:$0x1], $0x1F400, $0x38;
	[tilespmem:$0x1F400] =	vst v63  }
0x399: {  	_ =	swait.ge [sflag:s3], $0x1F400  }
0x39a: {  	s1 =	sld [smem:$0x7FD];
	_ =	sdelay $0x2  }
0x39b: {  	s0 =	rddreg [dreg:$0x13];
	[sflag:s3] =	ssyncset.done $0x0;
	p1 =	seq.s32 s1, $0x1  }
0x39c: {  	[sflag:s3] =	ssyncadd.s32 $0xFFFE0C00;
	s1 =	simm.s32 @!p1 $0x0;
	s2 =	simm.s32 @!p1 $0x1  }
0x39d: {  	[tilespmem:s1], [sflag:$0x1] =	stream.linear.gather @!p1 [hbm4b:s0+s1], $0x1F400, $0x38;
	[tilespmem:$0x1F400] =	vst v63  }
0x39e: {  	_ =	swait.ge @!p1 [sflag:s2], $0x1F400  }
0x39f: {  	[sflag:s2] =	ssyncset.done @!p1 $0x0  }
0x3a0: {  	s0 =	rddreg [dreg:$0x14];
	[sflag:s2] =	ssyncadd.s32 @!p1 $0xFFFE0C00  }
0x3a1: {  	[hbm4b:s0+s1] =	stream.linear.scatter @!p1 [tilespmem:s1], [sflag:$0x1], $0x1F400, $0x38;
	[tilespmem:$0x1F400] =	vst v63  }
0x3a2: {  	_ =	swait.ge @!p1 [sflag:s2], $0x1F400  }
0x3a3: {  	s11 =	sld [smem:$0x7E9];
	_ =	sdelay $0x1  }
0x3a4: {  	[sflag:s2] =	ssyncset.done @!p1 $0x0  }
0x3a5: {  	[sflag:s2] =	ssyncadd.s32 @!p1 $0xFFFE0C00;
	p1 =	seq.s32 s11, $0x1  }
0x3a6: {  	s0 =	rddreg [dreg:$0x15];
	s1 =	simm.s32 @!p1 $0x0;
	s2 =	simm.s32 @!p1 $0x1  }
0x3a7: {  	[tilespmem:s1], [sflag:$0x1] =	stream.linear.gather @!p1 [hbm4b:s0+s1], $0x1F400, $0x38;
	[tilespmem:$0x1F400] =	vst v63  }
0x3a8: {  	_ =	swait.ge @!p1 [sflag:s2], $0x1F400  }
0x3a9: {  	[sflag:s2] =	ssyncset.done @!p1 $0x0  }
0x3aa: {  	s0 =	rddreg [dreg:$0x16];
	[sflag:s2] =	ssyncadd.s32 @!p1 $0xFFFE0C00  }
0x3ab: {  	[hbm4b:s0+s1] =	stream.linear.scatter @!p1 [tilespmem:s1], [sflag:$0x1], $0x1F400, $0x38;
	[tilespmem:$0x1F400] =	vst v63  }
0x3ac: {  	_ =	swait.ge @!p1 [sflag:s2], $0x1F400  }
0x3ad: {  	s12 =	sld [smem:$0x7EA];
	_ =	sdelay $0x1  }
0x3ae: {  	[sflag:s2] =	ssyncset.done @!p1 $0x0  }
0x3af: {  	[sflag:s2] =	ssyncadd.s32 @!p1 $0xFFFE0C00;
	p1 =	seq.s32 s12, $0x1  }
0x3b0: {  	s0 =	rddreg [dreg:$0x17];
	s1 =	simm.s32 @!p1 $0x0;
	s2 =	simm.s32 @!p1 $0x1  }
0x3b1: {  	[tilespmem:s1], [sflag:$0x1] =	stream.linear.gather @!p1 [hbm4b:s0+s1], $0x1F400, $0x38;
	[tilespmem:$0x1F400] =	vst v63  }
0x3b2: {  	_ =	swait.ge @!p1 [sflag:s2], $0x1F400  }
0x3b3: {  	[sflag:s2] =	ssyncset.done @!p1 $0x0  }
0x3b4: {  	s0 =	rddreg [dreg:$0x18];
	[sflag:s2] =	ssyncadd.s32 @!p1 $0xFFFE0C00  }
0x3b5: {  	[hbm4b:s0+s1] =	stream.linear.scatter @!p1 [tilespmem:s1], [sflag:$0x1], $0x1F400, $0x38;
	[tilespmem:$0x1F400] =	vst v63  }
0x3b6: {  	_ =	swait.ge @!p1 [sflag:s2], $0x1F400  }
0x3b7: {  	s13 =	sld [smem:$0x7EB];
	_ =	sdelay $0x1  }
0x3b8: {  	[sflag:s2] =	ssyncset.done @!p1 $0x0  }
0x3b9: {  	[sflag:s2] =	ssyncadd.s32 @!p1 $0xFFFE0C00;
	p1 =	seq.s32 s13, $0x1  }
0x3ba: {  	s0 =	rddreg [dreg:$0x19];
	s1 =	simm.s32 @!p1 $0x0;
	s2 =	simm.s32 @!p1 $0x1  }
0x3bb: {  	[tilespmem:s1], [sflag:$0x1] =	stream.linear.gather @!p1 [hbm4b:s0+s1], $0x1F400, $0x38;
	[tilespmem:$0x1F400] =	vst v63  }
0x3bc: {  	_ =	swait.ge @!p1 [sflag:s2], $0x1F400  }
0x3bd: {  	[sflag:s2] =	ssyncset.done @!p1 $0x0  }
0x3be: {  	s0 =	rddreg [dreg:$0x1a];
	[sflag:s2] =	ssyncadd.s32 @!p1 $0xFFFE0C00  }
0x3bf: {  	[hbm4b:s0+s1] =	stream.linear.scatter @!p1 [tilespmem:s1], [sflag:$0x1], $0x1F400, $0x38;
	[tilespmem:$0x1F400] =	vst v63  }
0x3c0: {  	_ =	swait.ge @!p1 [sflag:s2], $0x1F400  }
0x3c1: {  	s14 =	sld [smem:$0x7EC];
	_ =	sdelay $0x1  }
0x3c2: {  	[sflag:s2] =	ssyncset.done @!p1 $0x0  }
0x3c3: {  	[sflag:s2] =	ssyncadd.s32 @!p1 $0xFFFE0C00;
	p1 =	seq.s32 s14, $0x1  }
0x3c4: {  	s0 =	rddreg [dreg:$0x1b];
	s1 =	simm.s32 @!p1 $0x0;
	s2 =	simm.s32 @!p1 $0x1  }
0x3c5: {  	[tilespmem:s1], [sflag:$0x1] =	stream.linear.gather @!p1 [hbm4b:s0+s1], $0x1F400, $0x38;
	[tilespmem:$0x1F400] =	vst v63  }
0x3c6: {  	_ =	swait.ge @!p1 [sflag:s2], $0x1F400  }
0x3c7: {  	[sflag:s2] =	ssyncset.done @!p1 $0x0  }
0x3c8: {  	s0 =	rddreg [dreg:$0x1c];
	[sflag:s2] =	ssyncadd.s32 @!p1 $0xFFFE0C00  }
0x3c9: {  	[hbm4b:s0+s1] =	stream.linear.scatter @!p1 [tilespmem:s1], [sflag:$0x1], $0x1F400, $0x38;
	[tilespmem:$0x1F400] =	vst v63  }
0x3ca: {  	_ =	swait.ge @!p1 [sflag:s2], $0x1F400  }
0x3cb: {  	s15 =	sld [smem:$0x7ED];
	_ =	sdelay $0x1  }
0x3cc: {  	[sflag:s2] =	ssyncset.done @!p1 $0x0  }
0x3cd: {  	[sflag:s2] =	ssyncadd.s32 @!p1 $0xFFFE0C00;
	p1 =	seq.s32 s15, $0x1  }
0x3ce: {  	s0 =	rddreg [dreg:$0x1d];
	s1 =	simm.s32 @!p1 $0x0;
	s2 =	simm.s32 @!p1 $0x1  }
0x3cf: {  	[tilespmem:s1], [sflag:$0x1] =	stream.linear.gather @!p1 [hbm4b:s0+s1], $0x1F400, $0x38;
	[tilespmem:$0x1F400] =	vst v63  }
0x3d0: {  	_ =	swait.ge @!p1 [sflag:s2], $0x1F400  }
0x3d1: {  	[sflag:s2] =	ssyncset.done @!p1 $0x0  }
0x3d2: {  	s0 =	rddreg [dreg:$0x1e];
	[sflag:s2] =	ssyncadd.s32 @!p1 $0xFFFE0C00  }
0x3d3: {  	[hbm4b:s0+s1] =	stream.linear.scatter @!p1 [tilespmem:s1], [sflag:$0x1], $0x1F400, $0x38;
	[tilespmem:$0x1F400] =	vst v63  }
0x3d4: {  	_ =	swait.ge @!p1 [sflag:s2], $0x1F400  }
0x3d5: {  	s16 =	sld [smem:$0x7EE];
	_ =	sdelay $0x1  }
0x3d6: {  	[sflag:s2] =	ssyncset.done @!p1 $0x0  }
0x3d7: {  	[sflag:s2] =	ssyncadd.s32 @!p1 $0xFFFE0C00;
	p1 =	seq.s32 s16, $0x1  }
0x3d8: {  	s0 =	rddreg [dreg:$0x1f];
	s1 =	simm.s32 @!p1 $0x0;
	s2 =	simm.s32 @!p1 $0x1  }
0x3d9: {  	[tilespmem:s1], [sflag:$0x1] =	stream.linear.gather @!p1 [hbm4b:s0+s1], $0x1F400, $0x38;
	[tilespmem:$0x1F400] =	vst v63  }
0x3da: {  	_ =	swait.ge @!p1 [sflag:s2], $0x1F400  }
0x3db: {  	s0 =	sld [smem:$0x7BC]  }
0x3dc: {  	[sflag:s2] =	ssyncset.done @!p1 $0x0  }
0x3dd: {  	[sflag:s2] =	ssyncadd.s32 @!p1 $0xFFFE0C00  }
0x3de: {  	[hbm4b:s0+s1] =	stream.linear.scatter @!p1 [tilespmem:s1], [sflag:$0x1], $0x1F400, $0x38;
	[tilespmem:$0x1F400] =	vst v63  }
0x3df: {  	_ =	swait.ge @!p1 [sflag:s2], $0x1F400  }
0x3e0: {  	s17 =	sld [smem:$0x7EF];
	_ =	sdelay $0x1  }
0x3e1: {  	s0 =	sld [smem:$0x7BD];
	[sflag:s2] =	ssyncset.done @!p1 $0x0  }
0x3e2: {  	[sflag:s2] =	ssyncadd.s32 @!p1 $0xFFFE0C00;
	p1 =	seq.s32 s17, $0x1  }
0x3e3: {  	s1 =	simm.s32 @!p1 $0x0;
	s2 =	simm.s32 @!p1 $0x1  }
0x3e4: {  	[tilespmem:s1], [sflag:$0x1] =	stream.linear.gather @!p1 [hbm4b:s0+s1], $0x1F400, $0x38;
	[tilespmem:$0x1F400] =	vst v63  }
0x3e5: {  	_ =	swait.ge @!p1 [sflag:s2], $0x1F400  }
0x3e6: {  	s0 =	sld [smem:$0x7BE]  }
0x3e7: {  	[sflag:s2] =	ssyncset.done @!p1 $0x0  }
0x3e8: {  	[sflag:s2] =	ssyncadd.s32 @!p1 $0xFFFE0C00  }
0x3e9: {  	[hbm4b:s0+s1] =	stream.linear.scatter @!p1 [tilespmem:s1], [sflag:$0x1], $0x1F400, $0x38;
	[tilespmem:$0x1F400] =	vst v63  }
0x3ea: {  	_ =	swait.ge @!p1 [sflag:s2], $0x1F400  }
0x3eb: {  	s18 =	sld [smem:$0x7F0];
	_ =	sdelay $0x1  }
0x3ec: {  	s0 =	sld [smem:$0x7BF];
	[sflag:s2] =	ssyncset.done @!p1 $0x0  }
0x3ed: {  	[sflag:s2] =	ssyncadd.s32 @!p1 $0xFFFE0C00;
	p1 =	seq.s32 s18, $0x1  }
0x3ee: {  	s1 =	simm.s32 @!p1 $0x0;
	s2 =	simm.s32 @!p1 $0x1  }
0x3ef: {  	[tilespmem:s1], [sflag:$0x1] =	stream.linear.gather @!p1 [hbm4b:s0+s1], $0x1F400, $0x38;
	[tilespmem:$0x1F400] =	vst v63  }
0x3f0: {  	_ =	swait.ge @!p1 [sflag:s2], $0x1F400  }
0x3f1: {  	s0 =	sld [smem:$0x7C0]  }
0x3f2: {  	[sflag:s2] =	ssyncset.done @!p1 $0x0  }
0x3f3: {  	[sflag:s2] =	ssyncadd.s32 @!p1 $0xFFFE0C00  }
0x3f4: {  	[hbm4b:s0+s1] =	stream.linear.scatter @!p1 [tilespmem:s1], [sflag:$0x1], $0x1F400, $0x38;
	[tilespmem:$0x1F400] =	vst v63  }
0x3f5: {  	_ =	swait.ge @!p1 [sflag:s2], $0x1F400  }
0x3f6: {  	s19 =	sld [smem:$0x7F1];
	_ =	sdelay $0x1  }
0x3f7: {  	s0 =	sld [smem:$0x7C1];
	[sflag:s2] =	ssyncset.done @!p1 $0x0  }
0x3f8: {  	[sflag:s2] =	ssyncadd.s32 @!p1 $0xFFFE0C00;
	p1 =	seq.s32 s19, $0x1  }
0x3f9: {  	s1 =	simm.s32 @!p1 $0x0;
	s2 =	simm.s32 @!p1 $0x1  }
0x3fa: {  	[tilespmem:s1], [sflag:$0x1] =	stream.linear.gather @!p1 [hbm4b:s0+s1], $0x1F400, $0x38;
	[tilespmem:$0x1F400] =	vst v63  }
0x3fb: {  	_ =	swait.ge @!p1 [sflag:s2], $0x1F400  }
0x3fc: {  	s0 =	sld [smem:$0x7C2]  }
0x3fd: {  	[sflag:s2] =	ssyncset.done @!p1 $0x0  }
0x3fe: {  	[sflag:s2] =	ssyncadd.s32 @!p1 $0xFFFE0C00  }
0x3ff: {  	[hbm4b:s0+s1] =	stream.linear.scatter @!p1 [tilespmem:s1], [sflag:$0x1], $0x1F400, $0x38;
	[tilespmem:$0x1F400] =	vst v63  }
0x400: {  	_ =	swait.ge @!p1 [sflag:s2], $0x1F400  }
0x401: {  	s20 =	sld [smem:$0x7F2];
	_ =	sdelay $0x1  }
0x402: {  	s0 =	sld [smem:$0x7C3];
	[sflag:s2] =	ssyncset.done @!p1 $0x0  }
0x403: {  	[sflag:s2] =	ssyncadd.s32 @!p1 $0xFFFE0C00;
	p1 =	seq.s32 s20, $0x1  }
0x404: {  	s1 =	simm.s32 @!p1 $0x0;
	s2 =	simm.s32 @!p1 $0x1  }
0x405: {  	[tilespmem:s1], [sflag:$0x1] =	stream.linear.gather @!p1 [hbm4b:s0+s1], $0x1F400, $0x38;
	[tilespmem:$0x1F400] =	vst v63  }
0x406: {  	_ =	swait.ge @!p1 [sflag:s2], $0x1F400  }
0x407: {  	s0 =	sld [smem:$0x7C4]  }
0x408: {  	[sflag:s2] =	ssyncset.done @!p1 $0x0  }
0x409: {  	[sflag:s2] =	ssyncadd.s32 @!p1 $0xFFFE0C00  }
0x40a: {  	[hbm4b:s0+s1] =	stream.linear.scatter @!p1 [tilespmem:s1], [sflag:$0x1], $0x1F400, $0x38;
	[tilespmem:$0x1F400] =	vst v63  }
0x40b: {  	_ =	swait.ge @!p1 [sflag:s2], $0x1F400  }
0x40c: {  	s21 =	sld [smem:$0x7F3];
	_ =	sdelay $0x1  }
0x40d: {  	s0 =	sld [smem:$0x7C5];
	[sflag:s2] =	ssyncset.done @!p1 $0x0  }
0x40e: {  	[sflag:s2] =	ssyncadd.s32 @!p1 $0xFFFE0C00;
	p1 =	seq.s32 s21, $0x1  }
0x40f: {  	s1 =	simm.s32 @!p1 $0x0;
	s2 =	simm.s32 @!p1 $0x1  }
0x410: {  	[tilespmem:s1], [sflag:$0x1] =	stream.linear.gather @!p1 [hbm4b:s0+s1], $0x1F400, $0x38;
	[tilespmem:$0x1F400] =	vst v63  }
0x411: {  	_ =	swait.ge @!p1 [sflag:s2], $0x1F400  }
0x412: {  	s0 =	sld [smem:$0x7C6]  }
0x413: {  	[sflag:s2] =	ssyncset.done @!p1 $0x0  }
0x414: {  	[sflag:s2] =	ssyncadd.s32 @!p1 $0xFFFE0C00  }
0x415: {  	[hbm4b:s0+s1] =	stream.linear.scatter @!p1 [tilespmem:s1], [sflag:$0x1], $0x1F400, $0x38;
	[tilespmem:$0x1F400] =	vst v63  }
0x416: {  	_ =	swait.ge @!p1 [sflag:s2], $0x1F400  }
0x417: {  	s22 =	sld [smem:$0x7F4];
	_ =	sdelay $0x1  }
0x418: {  	s0 =	sld [smem:$0x7C7];
	[sflag:s2] =	ssyncset.done @!p1 $0x0  }
0x419: {  	[sflag:s2] =	ssyncadd.s32 @!p1 $0xFFFE0C00;
	p1 =	seq.s32 s22, $0x1  }
0x41a: {  	s1 =	simm.s32 @!p1 $0x0;
	s2 =	simm.s32 @!p1 $0x1  }
0x41b: {  	[tilespmem:s1], [sflag:$0x1] =	stream.linear.gather @!p1 [hbm4b:s0+s1], $0x1F400, $0x38;
	[tilespmem:$0x1F400] =	vst v63  }
0x41c: {  	_ =	swait.ge @!p1 [sflag:s2], $0x1F400  }
0x41d: {  	s0 =	sld [smem:$0x7C8]  }
0x41e: {  	[sflag:s2] =	ssyncset.done @!p1 $0x0  }
0x41f: {  	[sflag:s2] =	ssyncadd.s32 @!p1 $0xFFFE0C00  }
0x420: {  	[hbm4b:s0+s1] =	stream.linear.scatter @!p1 [tilespmem:s1], [sflag:$0x1], $0x1F400, $0x38;
	[tilespmem:$0x1F400] =	vst v63  }
0x421: {  	_ =	swait.ge @!p1 [sflag:s2], $0x1F400  }
0x422: {  	s23 =	sld [smem:$0x7F5];
	_ =	sdelay $0x1  }
0x423: {  	s0 =	sld [smem:$0x7C9];
	[sflag:s2] =	ssyncset.done @!p1 $0x0  }
0x424: {  	[sflag:s2] =	ssyncadd.s32 @!p1 $0xFFFE0C00;
	p1 =	seq.s32 s23, $0x1  }
0x425: {  	s1 =	simm.s32 @!p1 $0x0;
	s2 =	simm.s32 @!p1 $0x1  }
0x426: {  	[tilespmem:s1], [sflag:$0x1] =	stream.linear.gather @!p1 [hbm4b:s0+s1], $0x1F400, $0x38;
	[tilespmem:$0x1F400] =	vst v63  }
0x427: {  	_ =	swait.ge @!p1 [sflag:s2], $0x1F400  }
0x428: {  	s0 =	sld [smem:$0x7CA]  }
0x429: {  	[sflag:s2] =	ssyncset.done @!p1 $0x0  }
0x42a: {  	[sflag:s2] =	ssyncadd.s32 @!p1 $0xFFFE0C00  }
0x42b: {  	[hbm4b:s0+s1] =	stream.linear.scatter @!p1 [tilespmem:s1], [sflag:$0x1], $0x1F400, $0x38;
	[tilespmem:$0x1F400] =	vst v63  }
0x42c: {  	_ =	swait.ge @!p1 [sflag:s2], $0x1F400  }
0x42d: {  	s24 =	sld [smem:$0x7F6];
	_ =	sdelay $0x1  }
0x42e: {  	s0 =	sld [smem:$0x7CB];
	[sflag:s2] =	ssyncset.done @!p1 $0x0  }
0x42f: {  	[sflag:s2] =	ssyncadd.s32 @!p1 $0xFFFE0C00;
	p1 =	seq.s32 s24, $0x1  }
0x430: {  	s1 =	simm.s32 @!p1 $0x0;
	s2 =	simm.s32 @!p1 $0x1  }
0x431: {  	[tilespmem:s1], [sflag:$0x1] =	stream.linear.gather @!p1 [hbm4b:s0+s1], $0x1F400, $0x38;
	[tilespmem:$0x1F400] =	vst v63  }
0x432: {  	_ =	swait.ge @!p1 [sflag:s2], $0x1F400  }
0x433: {  	s0 =	sld [smem:$0x7CC]  }
0x434: {  	[sflag:s2] =	ssyncset.done @!p1 $0x0  }
0x435: {  	[sflag:s2] =	ssyncadd.s32 @!p1 $0xFFFE0C00  }
0x436: {  	[hbm4b:s0+s1] =	stream.linear.scatter @!p1 [tilespmem:s1], [sflag:$0x1], $0x1F400, $0x38;
	[tilespmem:$0x1F400] =	vst v63  }
0x437: {  	_ =	swait.ge @!p1 [sflag:s2], $0x1F400  }
0x438: {  	s0 =	sld [smem:$0x7CD]  }
0x439: {  	[sflag:s2] =	ssyncset.done @!p1 $0x0  }
0x43a: {  	s1 =	simm.s32 @!p6 $0x0;
	[sflag:s2] =	ssyncadd.s32 @!p1 $0xFFFE0C00;
	s2 =	simm.s32 @!p6 $0x1  }
0x43b: {  	[tilespmem:s1], [sflag:$0x1] =	stream.linear.gather @!p6 [hbm4b:s0+s1], $0x1F400, $0x38;
	[tilespmem:$0x1F400] =	vst v63  }
0x43c: {  	_ =	swait.ge @!p6 [sflag:s2], $0x1F400  }
0x43d: {  	s0 =	sld [smem:$0x7CE]  }
0x43e: {  	[sflag:s2] =	ssyncset.done @!p6 $0x0  }
0x43f: {  	[sflag:s2] =	ssyncadd.s32 @!p6 $0xFFFE0C00  }
0x440: {  	[hbm4b:s0+s1] =	stream.linear.scatter @!p6 [tilespmem:s1], [sflag:$0x1], $0x1F400, $0x38;
	[tilespmem:$0x1F400] =	vst v63  }
0x441: {  	_ =	swait.ge @!p6 [sflag:s2], $0x1F400  }
0x442: {  	s25 =	sld [smem:$0x7F7];
	_ =	sdelay $0x1  }
0x443: {  	s0 =	sld [smem:$0x7CF]  }
0x444: {  	[sflag:s2] =	ssyncset.done @!p6 $0x0;
	p1 =	seq.s32 s25, $0x1  }
0x445: {  	[sflag:s2] =	ssyncadd.s32 @!p6 $0xFFFE0C00;
	s1 =	simm.s32 @!p1 $0x0;
	s2 =	simm.s32 @!p1 $0x1  }
0x446: {  	[tilespmem:s1], [sflag:$0x1] =	stream.linear.gather @!p1 [hbm4b:s0+s1], $0x1F400, $0x38;
	[tilespmem:$0x1F400] =	vst v63  }
0x447: {  	_ =	swait.ge @!p1 [sflag:s2], $0x1F400  }
0x448: {  	s0 =	sld [smem:$0x7D0]  }
0x449: {  	[sflag:s2] =	ssyncset.done @!p1 $0x0  }
0x44a: {  	[sflag:s2] =	ssyncadd.s32 @!p1 $0xFFFE0C00  }
0x44b: {  	[hbm4b:s0+s1] =	stream.linear.scatter @!p1 [tilespmem:s1], [sflag:$0x1], $0x1F400, $0x38;
	[tilespmem:$0x1F400] =	vst v63  }
0x44c: {  	_ =	swait.ge @!p1 [sflag:s2], $0x1F400  }
0x44d: {  	s0 =	sld [smem:$0x7D1]  }
0x44e: {  	[sflag:s2] =	ssyncset.done @!p1 $0x0  }
0x44f: {  	s1 =	simm.s32 @!p3 $0x0;
	[sflag:s2] =	ssyncadd.s32 @!p1 $0xFFFE0C00;
	s2 =	simm.s32 @!p3 $0x1  }
0x450: {  	[tilespmem:s1], [sflag:$0x1] =	stream.linear.gather @!p3 [hbm4b:s0+s1], $0x1F400, $0x38;
	[tilespmem:$0x1F400] =	vst v63  }
0x451: {  	_ =	swait.ge @!p3 [sflag:s2], $0x1F400  }
0x452: {  	s0 =	sld [smem:$0x7D2]  }
0x453: {  	[sflag:s2] =	ssyncset.done @!p3 $0x0  }
0x454: {  	[sflag:s2] =	ssyncadd.s32 @!p3 $0xFFFE0C00  }
0x455: {  	[hbm4b:s0+s1] =	stream.linear.scatter @!p3 [tilespmem:s1], [sflag:$0x1], $0x1F400, $0x38;
	[tilespmem:$0x1F400] =	vst v63  }
0x456: {  	_ =	swait.ge @!p3 [sflag:s2], $0x1F400  }
0x457: {  	s26 =	sld [smem:$0x7F9];
	_ =	sdelay $0x1  }
0x458: {  	s0 =	sld [smem:$0x7D3]  }
0x459: {  	[sflag:s2] =	ssyncset.done @!p3 $0x0;
	p6 =	seq.s32 s26, $0x1  }
0x45a: {  	[sflag:s2] =	ssyncadd.s32 @!p3 $0xFFFE0C00;
	s1 =	simm.s32 @!p6 $0x0;
	s2 =	simm.s32 @!p6 $0x1  }
0x45b: {  	[tilespmem:s1], [sflag:$0x1] =	stream.linear.gather @!p6 [hbm4b:s0+s1], $0x1F400, $0x38;
	[tilespmem:$0x1F400] =	vst v63  }
0x45c: {  	_ =	swait.ge @!p6 [sflag:s2], $0x1F400  }
0x45d: {  	s0 =	sld [smem:$0x7D4]  }
0x45e: {  	[sflag:s2] =	ssyncset.done @!p6 $0x0  }
0x45f: {  	[sflag:s2] =	ssyncadd.s32 @!p6 $0xFFFE0C00  }
0x460: {  	[hbm4b:s0+s1] =	stream.linear.scatter @!p6 [tilespmem:s1], [sflag:$0x1], $0x1F400, $0x38;
	[tilespmem:$0x1F400] =	vst v63  }
0x461: {  	_ =	swait.ge @!p6 [sflag:s2], $0x1F400  }
0x462: {  	s0 =	sld [smem:$0x7D5]  }
0x463: {  	[sflag:s2] =	ssyncset.done @!p6 $0x0  }
0x464: {  	s1 =	simm.s32 @!p5 $0x0;
	[sflag:s2] =	ssyncadd.s32 @!p6 $0xFFFE0C00;
	s2 =	simm.s32 @!p5 $0x1  }
0x465: {  	[tilespmem:s1], [sflag:$0x1] =	stream.linear.gather @!p5 [hbm4b:s0+s1], $0x1F400, $0x38;
	[tilespmem:$0x1F400] =	vst v63  }
0x466: {  	_ =	swait.ge @!p5 [sflag:s2], $0x1F400  }
0x467: {  	s0 =	sld [smem:$0x7D6]  }
0x468: {  	[sflag:s2] =	ssyncset.done @!p5 $0x0  }
0x469: {  	[sflag:s2] =	ssyncadd.s32 @!p5 $0xFFFE0C00  }
0x46a: {  	[hbm4b:s0+s1] =	stream.linear.scatter @!p5 [tilespmem:s1], [sflag:$0x1], $0x1F400, $0x38;
	[tilespmem:$0x1F400] =	vst v63  }
0x46b: {  	_ =	swait.ge @!p5 [sflag:s2], $0x1F400  }
0x46c: {  	s28 =	sld [smem:$0x7FA];
	_ =	sdelay $0x1  }
0x46d: {  	s0 =	sld [smem:$0x7D7]  }
0x46e: {  	[sflag:s2] =	ssyncset.done @!p5 $0x0;
	p4 =	seq.s32 s28, $0x1  }
0x46f: {  	[sflag:s2] =	ssyncadd.s32 @!p5 $0xFFFE0C00;
	s1 =	simm.s32 @!p4 $0x0;
	s2 =	simm.s32 @!p4 $0x1  }
0x470: {  	[tilespmem:s1], [sflag:$0x1] =	stream.linear.gather @!p4 [hbm4b:s0+s1], $0x1F400, $0x38;
	[tilespmem:$0x1F400] =	vst v63  }
0x471: {  	_ =	swait.ge @!p4 [sflag:s2], $0x1F400  }
0x472: {  	s0 =	sld [smem:$0x7D8]  }
0x473: {  	[sflag:s2] =	ssyncset.done @!p4 $0x0  }
0x474: {  	[sflag:s2] =	ssyncadd.s32 @!p4 $0xFFFE0C00  }
0x475: {  	[hbm4b:s0+s1] =	stream.linear.scatter @!p4 [tilespmem:s1], [sflag:$0x1], $0x1F400, $0x38;
	[tilespmem:$0x1F400] =	vst v63  }
0x476: {  	_ =	swait.ge @!p4 [sflag:s2], $0x1F400  }
0x477: {  	s29 =	sld [smem:$0x7FB];
	_ =	sdelay $0x1  }
0x478: {  	s0 =	sld [smem:$0x7D9]  }
0x479: {  	[sflag:s2] =	ssyncset.done @!p4 $0x0;
	p3 =	seq.s32 s29, $0x1  }
0x47a: {  	[sflag:s2] =	ssyncadd.s32 @!p4 $0xFFFE0C00;
	s1 =	simm.s32 @!p3 $0x0;
	s2 =	simm.s32 @!p3 $0x1  }
0x47b: {  	[tilespmem:s1], [sflag:$0x1] =	stream.linear.gather @!p3 [hbm4b:s0+s1], $0x1F400, $0x38;
	[tilespmem:$0x1F400] =	vst v63  }
0x47c: {  	_ =	swait.ge @!p3 [sflag:s2], $0x1F400  }
0x47d: {  	s0 =	sld [smem:$0x7DA]  }
0x47e: {  	[sflag:s2] =	ssyncset.done @!p3 $0x0  }
0x47f: {  	[sflag:s2] =	ssyncadd.s32 @!p3 $0xFFFE0C00  }
0x480: {  	[hbm4b:s0+s1] =	stream.linear.scatter @!p3 [tilespmem:s1], [sflag:$0x1], $0x1F400, $0x38;
	[tilespmem:$0x1F400] =	vst v63  }
0x481: {  	_ =	swait.ge @!p3 [sflag:s2], $0x1F400  }
0x482: {  	s0 =	sld [smem:$0x7DB]  }
0x483: {  	[sflag:s2] =	ssyncset.done @!p3 $0x0  }
0x484: {  	s1 =	simm.s32 @!p2 $0x0;
	[sflag:s2] =	ssyncadd.s32 @!p3 $0xFFFE0C00;
	s2 =	simm.s32 @!p2 $0x1  }
0x485: {  	[tilespmem:s1], [sflag:$0x1] =	stream.linear.gather @!p2 [hbm4b:s0+s1], $0x1F400, $0x38;
	[tilespmem:$0x1F400] =	vst v63  }
0x486: {  	_ =	swait.ge @!p2 [sflag:s2], $0x1F400  }
0x487: {  	s0 =	sld [smem:$0x7DC]  }
0x488: {  	[sflag:s2] =	ssyncset.done @!p2 $0x0  }
0x489: {  	[sflag:s2] =	ssyncadd.s32 @!p2 $0xFFFE0C00  }
0x48a: {  	[hbm4b:s0+s1] =	stream.linear.scatter @!p2 [tilespmem:s1], [sflag:$0x1], $0x1F400, $0x38;
	[tilespmem:$0x1F400] =	vst v63  }
0x48b: {  	_ =	swait.ge @!p2 [sflag:s2], $0x1F400  }
0x48c: {  	s30 =	sld [smem:$0x7FC];
	_ =	sdelay $0x1  }
0x48d: {  	s0 =	sld [smem:$0x7DD]  }
0x48e: {  	[sflag:s2] =	ssyncset.done @!p2 $0x0;
	p1 =	seq.s32 s30, $0x1  }
0x48f: {  	[sflag:s2] =	ssyncadd.s32 @!p2 $0xFFFE0C00;
	s1 =	simm.s32 @!p1 $0x0;
	s2 =	simm.s32 @!p1 $0x1  }
0x490: {  	[tilespmem:s1], [sflag:$0x1] =	stream.linear.gather @!p1 [hbm4b:s0+s1], $0x1F400, $0x38;
	[tilespmem:$0x1F400] =	vst v63  }
0x491: {  	_ =	swait.ge @!p1 [sflag:s2], $0x1F400  }
0x492: {  	s0 =	sld [smem:$0x7DE]  }
0x493: {  	[sflag:s2] =	ssyncset.done @!p1 $0x0  }
0x494: {  	[sflag:s2] =	ssyncadd.s32 @!p1 $0xFFFE0C00  }
0x495: {  	[hbm4b:s0+s1] =	stream.linear.scatter @!p1 [tilespmem:s1], [sflag:$0x1], $0x1F400, $0x38;
	[tilespmem:$0x1F400] =	vst v63  }
0x496: {  	_ =	swait.ge @!p1 [sflag:s2], $0x1F400  }
0x497: {  	s0 =	sld [smem:$0x7DF]  }
0x498: {  	[sflag:s2] =	ssyncset.done @!p1 $0x0  }
0x499: {  	s1 =	simm.s32 @!p0 $0x0;
	[sflag:s2] =	ssyncadd.s32 @!p1 $0xFFFE0C00;
	s2 =	simm.s32 @!p0 $0x1  }
0x49a: {  	[tilespmem:s1], [sflag:$0x1] =	stream.linear.gather @!p0 [hbm4b:s0+s1], $0x1F400, $0x38;
	[tilespmem:$0x1F400] =	vst v63  }
0x49b: {  	_ =	swait.ge @!p0 [sflag:s2], $0x1F400  }
0x49c: {  	s0 =	sld [smem:$0x7E0]  }
0x49d: {  	[sflag:s2] =	ssyncset.done @!p0 $0x0  }
0x49e: {  	[sflag:s2] =	ssyncadd.s32 @!p0 $0xFFFE0C00  }
0x49f: {  	[hbm4b:s0+s1] =	stream.linear.scatter @!p0 [tilespmem:s1], [sflag:$0x1], $0x1F400, $0x38;
	[tilespmem:$0x1F400] =	vst v63  }
0x4a0: {  	_ =	swait.ge @!p0 [sflag:s2], $0x1F400  }
0x4a1: {  	s0 =	sld [smem:$0x7E2]  }
0x4a2: {  	[sflag:s2] =	ssyncset.done @!p0 $0x0  }
0x4a3: {  	[sflag:s2] =	ssyncadd.s32 @!p0 $0xFFFE0C00  }
0x4a4: {  	[tilespmem:s1], [sflag:$0x1] =	stream.linear.gather @!p0 [hbm4b:s0+s1], $0x1F400, $0x38;
	[tilespmem:$0x1F400] =	vst v63  }
0x4a5: {  	_ =	swait.ge @!p0 [sflag:s2], $0x1F400  }
0x4a6: {  	s0 =	sld [smem:$0x7E3]  }
0x4a7: {  	[sflag:s2] =	ssyncset.done @!p0 $0x0  }
0x4a8: {  	[sflag:s2] =	ssyncadd.s32 @!p0 $0xFFFE0C00  }
0x4a9: {  	[hbm4b:s0+s1] =	stream.linear.scatter @!p0 [tilespmem:s1], [sflag:$0x1], $0x1F400, $0x38;
	[tilespmem:$0x1F400] =	vst v63  }
0x4aa: {  	_ =	swait.ge @!p0 [sflag:s2], $0x1F400  }
0x4ab: {  	s0 =	sld [smem:$0x7E4]  }
0x4ac: {  	[sflag:s2] =	ssyncset.done @!p0 $0x0  }
0x4ad: {  	[sflag:s2] =	ssyncadd.s32 @!p0 $0xFFFE0C00  }
0x4ae: {  	[tilespmem:s1], [sflag:$0x1] =	stream.linear.gather @!p0 [hbm4b:s0+s1], $0x1F400, $0x38;
	[tilespmem:$0x1F400] =	vst v63  }
0x4af: {  	_ =	swait.ge @!p0 [sflag:s2], $0x1F400  }
0x4b0: {  	s0 =	sld [smem:$0x7E5]  }
0x4b1: {  	[sflag:s2] =	ssyncset.done @!p0 $0x0  }
0x4b2: {  	[sflag:s2] =	ssyncadd.s32 @!p0 $0xFFFE0C00  }
0x4b3: {  	[hbm4b:s0+s1] =	stream.linear.scatter @!p0 [tilespmem:s1], [sflag:$0x1], $0x1F400, $0x38;
	[tilespmem:$0x1F400] =	vst v63  }
0x4b4: {  	_ =	swait.ge @!p0 [sflag:s2], $0x1F400  }
0x4b5: {  	s0 =	sld [smem:$0x7E7]  }
0x4b6: {  	[sflag:s2] =	ssyncset.done @!p0 $0x0  }
0x4b7: {  	[sflag:s2] =	ssyncadd.s32 @!p0 $0xFFFE0C00  }
0x4b8: {  	[tilespmem:s1], [sflag:$0x1] =	stream.linear.gather @!p0 [hbm4b:s0+s1], $0x1F400, $0x38;
	[tilespmem:$0x1F400] =	vst v63  }
0x4b9: {  	_ =	swait.ge @!p0 [sflag:s2], $0x1F400  }
0x4ba: {  	s0 =	sld [smem:$0x7E8]  }
0x4bb: {  	[sflag:s2] =	ssyncset.done @!p0 $0x0  }
0x4bc: {  	[sflag:s2] =	ssyncadd.s32 @!p0 $0xFFFE0C00  }
0x4bd: {  	[hbm4b:s0+s1] =	stream.linear.scatter @!p0 [tilespmem:s1], [sflag:$0x1], $0x1F400, $0x38;
	[tilespmem:$0x1F400] =	vst v63  }
0x4be: {  	_ =	swait.ge @!p0 [sflag:s2], $0x1F400  }
0x4bf: {  	[sflag:s2] =	ssyncset.done @!p0 $0x0  }
0x4c0: {  	[sflag:s2] =	ssyncadd.s32 @!p0 $0xFFFE0C00  }
0x4c1: {  	_ =	sfence.sel $0x180000  }
0x4c2: {  	[bflag:$0x0] =	sbarrier.arrive $0xFFFF  }
0x4c3: {  	_ =	strace $0x90000047  }
0x4c4: {  	s31 =	stileid.u32;
	[bflag:$0x2] =	sbarrier.arrive $0xFFFF  }
0x4c5: {  	p0 =	sne.s32 s31, $0x0;
	s0 =	rddreg [dreg:$0x2]  }
0x4c6: {  	s0 =	sadd.s32 @!p0 $0x100000, s0  }
0x4c7: {  	[sflag:s0] =	ssyncadd.tile.s32 @!p0 $0x1;
	_ =	shalt  }
.LBB2_1:
.Ltmp3:
0x4c8: {  	(pc) =	sbr.rel .LBB2_6-.Ltmp3, $4  }
0x4c9: {  	p3 =	por $0x0, $0x0;
	s31 =	sld [smem:$0x7F8]  }
0x4ca: {  	s0 =	simm.s32 @!p3 $0x0  }
0x4cb: {  	s0 =	simm.s32 @p3 $0x1  }
0x4cc: {  	[smem:$0x7BB] =	sst s0;
	p3 =	seq.s32 s31, $0x1  }
.LBB2_3:
.Ltmp4:
0x4cd: {  	(pc) =	sbr.rel .LBB2_6-.Ltmp4, $2  }
0x4ce: {  	s0 =	sld [smem:$0x7F8];
	_ =	sdelay $0x2  }
0x4cf: {  	p3 =	seq.s32 s0, $0x1  }
.Lfunc_end2:
_tile_overlayer_lowered:
.L_overlay_start_2:
0x4d0: {  	(tag) =	ssettag $0x2  }
0x4d1: {  	s0 =	rddreg [dreg:$0x0];
	s2 =	stileid.u32  }
0x4d2: {  	s1 =	rddreg [dreg:$0x1];
	p0 =	sne.s32 s2, $0x0  }
0x4d3: {  	s3 =	rddreg [dreg:$0x2];
	[bflag:$0x3] =	sbarrier.arrive $0xFFFF;
	s2 =	simm.s32 @!p0 $0x1C01  }
0x4d4: {  	[timem:s3], [sflag:s2] =	dma.local @!p0 [hbm:s0], s1  }
0x4d5: {  	s0 =	simm.s32 @!p0 $0x1  }
0x4d6: {  	_ =	swait.ge @!p0 [sflag:s0], s1  }
0x4d7: {  	s1 =	ssub.s32 @!p0 $0x0, s1;
	[sflag:s0] =	ssyncset.done @!p0 $0x0  }
0x4d8: {  	[sflag:s0] =	ssyncadd.s32 @!p0 s1  }
0x4d9: {  	[bflag:$0x3] =	sbarrier.arrive $0xFFFF  }
0x4da: {  	_ =	shalt  }

</sc_bundles>
